<compile_context>
chip_gen: v7x
topology: tpu7x:2x2x1
jax: 0.10.2.dev20260603
libtpu: 0.0.44.dev20260713+nightly
codegen_flags: <defaults>
</compile_context>

<pallas_src>
import jax
import jax.numpy as jnp
from jax import lax
from jax.experimental import pallas as pl
from jax.experimental.pallas import tpu as pltpu
from jax.experimental.pallas import tpu_sc as plsc

_NUM_TYPES = 16
_HIDDEN = 512
_EMBED = 768
_B = 16384

_NC = 2
_NS = 16
_NW = _NC * _NS
_BPW = _B // _NW
_NBUF = 8
_CHUNK = 16
_NCHUNK = _BPW // _CHUNK
_LANES = 16
_REP_PER_TILE = 4
_NREP = _NW * _REP_PER_TILE


def _mlp_body(table_ref, w1_ref, b1_ref, w2_ref, b2_ref, out_ref):
    h = jnp.dot(table_ref[...], w1_ref[...], preferred_element_type=jnp.float32)
    h = h + b1_ref[...]
    h = h * jax.nn.sigmoid(h)
    o = jnp.dot(h, w2_ref[...], preferred_element_type=jnp.float32) + b2_ref[...]
    for r in range(_NREP):
        out_ref[pl.ds(r * _NUM_TYPES, _NUM_TYPES), :] = o


def _mlp_table(table, W1, b1, W2, b2):
    return pl.pallas_call(
        _mlp_body,
        out_shape=jax.ShapeDtypeStruct((_NREP * _NUM_TYPES, _EMBED), jnp.float32),
    )(table, W1, b1.reshape(1, _HIDDEN), W2, b2.reshape(1, _EMBED))


def _gather_body(tab_hbm, idx_hbm, out_hbm, idx_v, *bufs):
    rows = bufs[:_NBUF]
    gsem = bufs[_NBUF : 2 * _NBUF]
    ssem = bufs[2 * _NBUF :]

    wid = lax.axis_index("s") * _NC + lax.axis_index("c")
    base = wid * _BPW
    pltpu.sync_copy(idx_hbm.at[pl.ds(base, _BPW)], idx_v)

    groups_per_chunk = _CHUNK // _LANES
    for g in range(_BPW // _LANES):
        rep = wid * _REP_PER_TILE + (g // groups_per_chunk) % _REP_PER_TILE
        off = jnp.full((_LANES,), rep * _NUM_TYPES, dtype=jnp.int32)
        idx_v[pl.ds(g * _LANES, _LANES)] = idx_v[pl.ds(g * _LANES, _LANES)] + off

    def src(c):
        return tab_hbm.at[idx_v.at[pl.ds(c * _CHUNK, _CHUNK)]]

    def dst(c):
        return out_hbm.at[pl.ds(base + c * _CHUNK, _CHUNK)]

    def gstart(c):
        pltpu.async_copy(src(c), rows[c % _NBUF], gsem[c % _NBUF])

    def gwait(c):
        pltpu.make_async_copy(src(c), rows[c % _NBUF], gsem[c % _NBUF]).wait()

    def sstart(c):
        pltpu.async_copy(rows[c % _NBUF], dst(c), ssem[c % _NBUF])

    def swait(c):
        pltpu.make_async_copy(rows[c % _NBUF], dst(c), ssem[c % _NBUF]).wait()

    for c in range(_NBUF):
        gstart(c)
    for c in range(_NCHUNK):
        gwait(c)
        sstart(c)
        if c + _NBUF < _NCHUNK:
            swait(c)
            gstart(c + _NBUF)
    for c in range(_NCHUNK - _NBUF, _NCHUNK):
        swait(c)


def _gather(out_table, tok):
    mesh = plsc.VectorSubcoreMesh(
        core_axis_name="c", subcore_axis_name="s", num_cores=_NC
    )
    run = pl.kernel(
        _gather_body,
        out_type=jax.ShapeDtypeStruct((_B, _EMBED), jnp.float32),
        mesh=mesh,
        compiler_params=pltpu.CompilerParams(needs_layout_passes=False),
        scratch_types=(
            [pltpu.VMEM((_BPW,), jnp.int32)]
            + [pltpu.VMEM((_CHUNK, _EMBED), jnp.float32) for _ in range(_NBUF)]
            + [pltpu.SemaphoreType.DMA for _ in range(2 * _NBUF)]
        ),
    )
    return run(out_table, tok)


def kernel(goal_tokens, table, W1, b1, W2, b2):
    tok = goal_tokens.astype(jnp.int32)
    out_table = _mlp_table(table, W1, b1, W2, b2)
    return _gather(out_table, tok)

# --- scband reference (transcript-rebuilt; emitter-appended) ---
"""Pipeline reference for scband-goal-encoder-23725399343831 (READ-ONLY COPY).

The authoritative reference and input builder live on the scoring server;
editing this copy changes nothing except your own understanding.
"""

import jax, jax.numpy as jnp
import numpy as np

B = 16384
NUM_GOAL_TYPES = 16
HIDDEN = 512
EMBED = 768

def setup_inputs(seed: int = 0) -> dict:
    key = jax.random.key(seed)
    k_tok, k_tab, k_w1, k_b1, k_w2, k_b2 = jax.random.split(key, 6)
    goal_tokens = jax.random.randint(k_tok, (B,), 0, NUM_GOAL_TYPES, dtype=jnp.int64 if jax.config.jax_enable_x64 else jnp.int32)
    table = jax.random.normal(k_tab, (NUM_GOAL_TYPES, HIDDEN), dtype=jnp.float32) * 0.02
    W1 = jax.random.normal(k_w1, (HIDDEN, HIDDEN), dtype=jnp.float32) * (1.0 / np.sqrt(HIDDEN))
    b1 = jnp.zeros((HIDDEN,), dtype=jnp.float32)
    W2 = jax.random.normal(k_w2, (HIDDEN, EMBED), dtype=jnp.float32) * (1.0 / np.sqrt(HIDDEN))
    b2 = jnp.zeros((EMBED,), dtype=jnp.float32)
    return {"goal_tokens": goal_tokens, "table": table, "W1": W1, "b1": b1, "W2": W2, "b2": b2}

def reference(goal_tokens, table, W1, b1, W2, b2):
    # goal_tokens is 1-D -> direct embedding lookup (gather)
    embed = jnp.take(table, goal_tokens, axis=0)  # (B, HIDDEN)
    h = embed @ W1 + b1
    h = h * jax.nn.sigmoid(h)  # SiLU
    out = h @ W2 + b2  # (B, EMBED)
    return out

if __name__ == "__main__":
    import jax
    _d = setup_inputs()
    print(jax.jit(kernel)(*tuple(_d.values())))

</pallas_src>

<mosaic_0001>
#map = affine_map<(d0, d1) -> (0, 0)>
#map1 = affine_map<(d0, d1) -> (0)>
module attributes {stable_mosaic.version = 14 : i64} {
  func.func @_gather_body(%arg0: i32, %arg1: i32, %arg2: memref<2048x768xf32, #tpu.memory_space<hbm>>, %arg3: memref<16384xi32, #tpu.memory_space<hbm>>, %arg4: memref<16384x768xf32, #tpu.memory_space<hbm>>, %arg5: memref<512xi32, #tpu.memory_space<vmem>>, %arg6: memref<16x768xf32, #tpu.memory_space<vmem>>, %arg7: memref<16x768xf32, #tpu.memory_space<vmem>>, %arg8: memref<16x768xf32, #tpu.memory_space<vmem>>, %arg9: memref<16x768xf32, #tpu.memory_space<vmem>>, %arg10: memref<16x768xf32, #tpu.memory_space<vmem>>, %arg11: memref<16x768xf32, #tpu.memory_space<vmem>>, %arg12: memref<16x768xf32, #tpu.memory_space<vmem>>, %arg13: memref<16x768xf32, #tpu.memory_space<vmem>>, %arg14: memref<!tpu.dma_semaphore, #tpu.memory_space<semaphore_mem>>, %arg15: memref<!tpu.dma_semaphore, #tpu.memory_space<semaphore_mem>>, %arg16: memref<!tpu.dma_semaphore, #tpu.memory_space<semaphore_mem>>, %arg17: memref<!tpu.dma_semaphore, #tpu.memory_space<semaphore_mem>>, %arg18: memref<!tpu.dma_semaphore, #tpu.memory_space<semaphore_mem>>, %arg19: memref<!tpu.dma_semaphore, #tpu.memory_space<semaphore_mem>>, %arg20: memref<!tpu.dma_semaphore, #tpu.memory_space<semaphore_mem>>, %arg21: memref<!tpu.dma_semaphore, #tpu.memory_space<semaphore_mem>>, %arg22: memref<!tpu.dma_semaphore, #tpu.memory_space<semaphore_mem>>, %arg23: memref<!tpu.dma_semaphore, #tpu.memory_space<semaphore_mem>>, %arg24: memref<!tpu.dma_semaphore, #tpu.memory_space<semaphore_mem>>, %arg25: memref<!tpu.dma_semaphore, #tpu.memory_space<semaphore_mem>>, %arg26: memref<!tpu.dma_semaphore, #tpu.memory_space<semaphore_mem>>, %arg27: memref<!tpu.dma_semaphore, #tpu.memory_space<semaphore_mem>>, %arg28: memref<!tpu.dma_semaphore, #tpu.memory_space<semaphore_mem>>, %arg29: memref<!tpu.dma_semaphore, #tpu.memory_space<semaphore_mem>>) attributes {dimension_semantics = [#tpu.dimension_semantics<core_parallel>, #tpu.dimension_semantics<subcore_parallel>], iteration_bounds = array<i64: 2, 16>, scalar_prefetch = 0 : i64, scratch_operands = 25 : i64, tpu.core_type = #tpu.core_type<sc_vector_subcore>, window_params = [{transform_indices = #map}, {transform_indices = #map1}, {transform_indices = #map}]} {
    %mul3A = arith.constant 2 : i32
    %mul3A_0 = arith.muli %arg1, %mul3A : i32
    %add3A = arith.addi %mul3A_0, %arg0 : i32
    %mul3A_1 = arith.constant 512 : i32
    %mul3A_2 = arith.muli %add3A, %mul3A_1 : i32
    "tpu.region"() ({
      %run_scoped3A = tpu.sem_alloc : memref<!tpu.dma_semaphore, #tpu.memory_space<semaphore_mem>>
      %dma_start3A_1086 = tpu.memref_slice %arg3[%mul3A_2] : memref<16384xi32, #tpu.memory_space<hbm>> -> memref<512xi32, #tpu.memory_space<hbm>>
      %dma_start3A_1087 = tpu.memref_slice %arg3[%mul3A_2] : memref<16384xi32, #tpu.memory_space<hbm>> -> memref<512xi32, #tpu.memory_space<hbm>>
      tpu.enqueue_dma source(%dma_start3A_1087 : memref<512xi32, #tpu.memory_space<hbm>>) target(%arg5 : memref<512xi32, #tpu.memory_space<vmem>>) target_semaphore(%run_scoped3A : memref<!tpu.dma_semaphore, #tpu.memory_space<semaphore_mem>>)
      %dma_wait3A_1088 = tpu.memref_slice %arg3[%mul3A_2] : memref<16384xi32, #tpu.memory_space<hbm>> -> memref<512xi32, #tpu.memory_space<hbm>>
      %dma_wait3A_1089 = tpu.memref_slice %arg3[%mul3A_2] : memref<16384xi32, #tpu.memory_space<hbm>> -> memref<512xi32, #tpu.memory_space<hbm>>
      tpu.wait_dma2 semaphore(%run_scoped3A : memref<!tpu.dma_semaphore, #tpu.memory_space<semaphore_mem>>) src(%dma_wait3A_1089 : memref<512xi32, #tpu.memory_space<hbm>>) dst(%arg5 : memref<512xi32, #tpu.memory_space<vmem>>)
      tpu.yield
    }) : () -> ()
    %mul3A_3 = arith.constant 4 : i32
    %mul3A_4 = arith.muli %add3A, %mul3A_3 : i32
    %add3A_5 = arith.constant 0 : i32
    %add3A_6 = arith.addi %mul3A_4, %add3A_5 : i32
    %mul3A_7 = arith.constant 16 : i32
    %mul3A_8 = arith.muli %add3A_6, %mul3A_7 : i32
    %broadcast_in_dim3A = vector.broadcast %mul3A_8 : i32 to vector<16xi32>
    %get3A = arith.constant 0 : index
    %get3A_9 = tpu.vector_load %arg5[%get3A] {strides = array<i32>} : memref<512xi32, #tpu.memory_space<vmem>>, vector<16xi32>,
    %add3A_10 = arith.addi %get3A_9, %broadcast_in_dim3A : vector<16xi32>
    %swap3A = arith.constant 0 : index
    %swap3A_11 = tpu.vector_load %arg5[%swap3A] {strides = array<i32>} : memref<512xi32, #tpu.memory_space<vmem>>, vector<16xi32>,
    tpu.vector_store %arg5[%swap3A], %add3A_10 {strides = array<i32>} : memref<512xi32, #tpu.memory_space<vmem>>, vector<16xi32>,
    %mul3A_12 = arith.constant 4 : i32
    %mul3A_13 = arith.muli %add3A, %mul3A_12 : i32
    %add3A_14 = arith.constant 1 : i32
    %add3A_15 = arith.addi %mul3A_13, %add3A_14 : i32
    %mul3A_16 = arith.constant 16 : i32
    %mul3A_17 = arith.muli %add3A_15, %mul3A_16 : i32
    %broadcast_in_dim3A_18 = vector.broadcast %mul3A_17 : i32 to vector<16xi32>
    %get3A_19 = arith.constant 16 : index
    %get3A_20 = tpu.vector_load %arg5[%get3A_19] {strides = array<i32>} : memref<512xi32, #tpu.memory_space<vmem>>, vector<16xi32>,
    %add3A_21 = arith.addi %get3A_20, %broadcast_in_dim3A_18 : vector<16xi32>
    %swap3A_22 = arith.constant 16 : index
    %swap3A_23 = tpu.vector_load %arg5[%swap3A_22] {strides = array<i32>} : memref<512xi32, #tpu.memory_space<vmem>>, vector<16xi32>,
    tpu.vector_store %arg5[%swap3A_22], %add3A_21 {strides = array<i32>} : memref<512xi32, #tpu.memory_space<vmem>>, vector<16xi32>,
    %mul3A_24 = arith.constant 4 : i32
    %mul3A_25 = arith.muli %add3A, %mul3A_24 : i32
    %add3A_26 = arith.constant 2 : i32
    %add3A_27 = arith.addi %mul3A_25, %add3A_26 : i32
    %mul3A_28 = arith.constant 16 : i32
    %mul3A_29 = arith.muli %add3A_27, %mul3A_28 : i32
    %broadcast_in_dim3A_30 = vector.broadcast %mul3A_29 : i32 to vector<16xi32>
    %get3A_31 = arith.constant 32 : index
    %get3A_32 = tpu.vector_load %arg5[%get3A_31] {strides = array<i32>} : memref<512xi32, #tpu.memory_space<vmem>>, vector<16xi32>,
    %add3A_33 = arith.addi %get3A_32, %broadcast_in_dim3A_30 : vector<16xi32>
    %swap3A_34 = arith.constant 32 : index
    %swap3A_35 = tpu.vector_load %arg5[%swap3A_34] {strides = array<i32>} : memref<512xi32, #tpu.memory_space<vmem>>, vector<16xi32>,
    tpu.vector_store %arg5[%swap3A_34], %add3A_33 {strides = array<i32>} : memref<512xi32, #tpu.memory_space<vmem>>, vector<16xi32>,
    %mul3A_36 = arith.constant 4 : i32
    %mul3A_37 = arith.muli %add3A, %mul3A_36 : i32
    %add3A_38 = arith.constant 3 : i32
    %add3A_39 = arith.addi %mul3A_37, %add3A_38 : i32
    %mul3A_40 = arith.constant 16 : i32
    %mul3A_41 = arith.muli %add3A_39, %mul3A_40 : i32
    %broadcast_in_dim3A_42 = vector.broadcast %mul3A_41 : i32 to vector<16xi32>
    %get3A_43 = arith.constant 48 : index
    %get3A_44 = tpu.vector_load %arg5[%get3A_43] {strides = array<i32>} : memref<512xi32, #tpu.memory_space<vmem>>, vector<16xi32>,
    %add3A_45 = arith.addi %get3A_44, %broadcast_in_dim3A_42 : vector<16xi32>
    %swap3A_46 = arith.constant 48 : index
    %swap3A_47 = tpu.vector_load %arg5[%swap3A_46] {strides = array<i32>} : memref<512xi32, #tpu.memory_space<vmem>>, vector<16xi32>,
    tpu.vector_store %arg5[%swap3A_46], %add3A_45 {strides = array<i32>} : memref<512xi32, #tpu.memory_space<vmem>>, vector<16xi32>,
    %mul3A_48 = arith.constant 4 : i32
    %mul3A_49 = arith.muli %add3A, %mul3A_48 : i32
    %add3A_50 = arith.constant 0 : i32
    %add3A_51 = arith.addi %mul3A_49, %add3A_50 : i32
    %mul3A_52 = arith.constant 16 : i32
    %mul3A_53 = arith.muli %add3A_51, %mul3A_52 : i32
    %broadcast_in_dim3A_54 = vector.broadcast %mul3A_53 : i32 to vector<16xi32>
    %get3A_55 = arith.constant 64 : index
    %get3A_56 = tpu.vector_load %arg5[%get3A_55] {strides = array<i32>} : memref<512xi32, #tpu.memory_space<vmem>>, vector<16xi32>,
    %add3A_57 = arith.addi %get3A_56, %broadcast_in_dim3A_54 : vector<16xi32>
    %swap3A_58 = arith.constant 64 : index
    %swap3A_59 = tpu.vector_load %arg5[%swap3A_58] {strides = array<i32>} : memref<512xi32, #tpu.memory_space<vmem>>, vector<16xi32>,
    tpu.vector_store %arg5[%swap3A_58], %add3A_57 {strides = array<i32>} : memref<512xi32, #tpu.memory_space<vmem>>, vector<16xi32>,
    %mul3A_60 = arith.constant 4 : i32
    %mul3A_61 = arith.muli %add3A, %mul3A_60 : i32
    %add3A_62 = arith.constant 1 : i32
    %add3A_63 = arith.addi %mul3A_61, %add3A_62 : i32
    %mul3A_64 = arith.constant 16 : i32
    %mul3A_65 = arith.muli %add3A_63, %mul3A_64 : i32
    %broadcast_in_dim3A_66 = vector.broadcast %mul3A_65 : i32 to vector<16xi32>
    %get3A_67 = arith.constant 80 : index
    %get3A_68 = tpu.vector_load %arg5[%get3A_67] {strides = array<i32>} : memref<512xi32, #tpu.memory_space<vmem>>, vector<16xi32>,
    %add3A_69 = arith.addi %get3A_68, %broadcast_in_dim3A_66 : vector<16xi32>
    %swap3A_70 = arith.constant 80 : index
    %swap3A_71 = tpu.vector_load %arg5[%swap3A_70] {strides = array<i32>} : memref<512xi32, #tpu.memory_space<vmem>>, vector<16xi32>,
    tpu.vector_store %arg5[%swap3A_70], %add3A_69 {strides = array<i32>} : memref<512xi32, #tpu.memory_space<vmem>>, vector<16xi32>,
    %mul3A_72 = arith.constant 4 : i32
    %mul3A_73 = arith.muli %add3A, %mul3A_72 : i32
    %add3A_74 = arith.constant 2 : i32
    %add3A_75 = arith.addi %mul3A_73, %add3A_74 : i32
    %mul3A_76 = arith.constant 16 : i32
    %mul3A_77 = arith.muli %add3A_75, %mul3A_76 : i32
    %broadcast_in_dim3A_78 = vector.broadcast %mul3A_77 : i32 to vector<16xi32>
    %get3A_79 = arith.constant 96 : index
    %get3A_80 = tpu.vector_load %arg5[%get3A_79] {strides = array<i32>} : memref<512xi32, #tpu.memory_space<vmem>>, vector<16xi32>,
    %add3A_81 = arith.addi %get3A_80, %broadcast_in_dim3A_78 : vector<16xi32>
    %swap3A_82 = arith.constant 96 : index
    %swap3A_83 = tpu.vector_load %arg5[%swap3A_82] {strides = array<i32>} : memref<512xi32, #tpu.memory_space<vmem>>, vector<16xi32>,
    tpu.vector_store %arg5[%swap3A_82], %add3A_81 {strides = array<i32>} : memref<512xi32, #tpu.memory_space<vmem>>, vector<16xi32>,
    %mul3A_84 = arith.constant 4 : i32
    %mul3A_85 = arith.muli %add3A, %mul3A_84 : i32
    %add3A_86 = arith.constant 3 : i32
    %add3A_87 = arith.addi %mul3A_85, %add3A_86 : i32
    %mul3A_88 = arith.constant 16 : i32
    %mul3A_89 = arith.muli %add3A_87, %mul3A_88 : i32
    %broadcast_in_dim3A_90 = vector.broadcast %mul3A_89 : i32 to vector<16xi32>
    %get3A_91 = arith.constant 112 : index
    %get3A_92 = tpu.vector_load %arg5[%get3A_91] {strides = array<i32>} : memref<512xi32, #tpu.memory_space<vmem>>, vector<16xi32>,
    %add3A_93 = arith.addi %get3A_92, %broadcast_in_dim3A_90 : vector<16xi32>
    %swap3A_94 = arith.constant 112 : index
    %swap3A_95 = tpu.vector_load %arg5[%swap3A_94] {strides = array<i32>} : memref<512xi32, #tpu.memory_space<vmem>>, vector<16xi32>,
    tpu.vector_store %arg5[%swap3A_94], %add3A_93 {strides = array<i32>} : memref<512xi32, #tpu.memory_space<vmem>>, vector<16xi32>,
    %mul3A_96 = arith.constant 4 : i32
    %mul3A_97 = arith.muli %add3A, %mul3A_96 : i32
    %add3A_98 = arith.constant 0 : i32
    %add3A_99 = arith.addi %mul3A_97, %add3A_98 : i32
    %mul3A_100 = arith.constant 16 : i32
    %mul3A_101 = arith.muli %add3A_99, %mul3A_100 : i32
    %broadcast_in_dim3A_102 = vector.broadcast %mul3A_101 : i32 to vector<16xi32>
    %get3A_103 = arith.constant 128 : index
    %get3A_104 = tpu.vector_load %arg5[%get3A_103] {strides = array<i32>} : memref<512xi32, #tpu.memory_space<vmem>>, vector<16xi32>,
    %add3A_105 = arith.addi %get3A_104, %broadcast_in_dim3A_102 : vector<16xi32>
    %swap3A_106 = arith.constant 128 : index
    %swap3A_107 = tpu.vector_load %arg5[%swap3A_106] {strides = array<i32>} : memref<512xi32, #tpu.memory_space<vmem>>, vector<16xi32>,
    tpu.vector_store %arg5[%swap3A_106], %add3A_105 {strides = array<i32>} : memref<512xi32, #tpu.memory_space<vmem>>, vector<16xi32>,
    %mul3A_108 = arith.constant 4 : i32
    %mul3A_109 = arith.muli %add3A, %mul3A_108 : i32
    %add3A_110 = arith.constant 1 : i32
    %add3A_111 = arith.addi %mul3A_109, %add3A_110 : i32
    %mul3A_112 = arith.constant 16 : i32
    %mul3A_113 = arith.muli %add3A_111, %mul3A_112 : i32
    %broadcast_in_dim3A_114 = vector.broadcast %mul3A_113 : i32 to vector<16xi32>
    %get3A_115 = arith.constant 144 : index
    %get3A_116 = tpu.vector_load %arg5[%get3A_115] {strides = array<i32>} : memref<512xi32, #tpu.memory_space<vmem>>, vector<16xi32>,
    %add3A_117 = arith.addi %get3A_116, %broadcast_in_dim3A_114 : vector<16xi32>
    %swap3A_118 = arith.constant 144 : index
    %swap3A_119 = tpu.vector_load %arg5[%swap3A_118] {strides = array<i32>} : memref<512xi32, #tpu.memory_space<vmem>>, vector<16xi32>,
    tpu.vector_store %arg5[%swap3A_118], %add3A_117 {strides = array<i32>} : memref<512xi32, #tpu.memory_space<vmem>>, vector<16xi32>,
    %mul3A_120 = arith.constant 4 : i32
    %mul3A_121 = arith.muli %add3A, %mul3A_120 : i32
    %add3A_122 = arith.constant 2 : i32
    %add3A_123 = arith.addi %mul3A_121, %add3A_122 : i32
    %mul3A_124 = arith.constant 16 : i32
    %mul3A_125 = arith.muli %add3A_123, %mul3A_124 : i32
    %broadcast_in_dim3A_126 = vector.broadcast %mul3A_125 : i32 to vector<16xi32>
    %get3A_127 = arith.constant 160 : index
    %get3A_128 = tpu.vector_load %arg5[%get3A_127] {strides = array<i32>} : memref<512xi32, #tpu.memory_space<vmem>>, vector<16xi32>,
    %add3A_129 = arith.addi %get3A_128, %broadcast_in_dim3A_126 : vector<16xi32>
    %swap3A_130 = arith.constant 160 : index
    %swap3A_131 = tpu.vector_load %arg5[%swap3A_130] {strides = array<i32>} : memref<512xi32, #tpu.memory_space<vmem>>, vector<16xi32>,
    tpu.vector_store %arg5[%swap3A_130], %add3A_129 {strides = array<i32>} : memref<512xi32, #tpu.memory_space<vmem>>, vector<16xi32>,
    %mul3A_132 = arith.constant 4 : i32
    %mul3A_133 = arith.muli %add3A, %mul3A_132 : i32
    %add3A_134 = arith.constant 3 : i32
    %add3A_135 = arith.addi %mul3A_133, %add3A_134 : i32
    %mul3A_136 = arith.constant 16 : i32
    %mul3A_137 = arith.muli %add3A_135, %mul3A_136 : i32
    %broadcast_in_dim3A_138 = vector.broadcast %mul3A_137 : i32 to vector<16xi32>
    %get3A_139 = arith.constant 176 : index
    %get3A_140 = tpu.vector_load %arg5[%get3A_139] {strides = array<i32>} : memref<512xi32, #tpu.memory_space<vmem>>, vector<16xi32>,
    %add3A_141 = arith.addi %get3A_140, %broadcast_in_dim3A_138 : vector<16xi32>
    %swap3A_142 = arith.constant 176 : index
    %swap3A_143 = tpu.vector_load %arg5[%swap3A_142] {strides = array<i32>} : memref<512xi32, #tpu.memory_space<vmem>>, vector<16xi32>,
    tpu.vector_store %arg5[%swap3A_142], %add3A_141 {strides = array<i32>} : memref<512xi32, #tpu.memory_space<vmem>>, vector<16xi32>,
    %mul3A_144 = arith.constant 4 : i32
    %mul3A_145 = arith.muli %add3A, %mul3A_144 : i32
    %add3A_146 = arith.constant 0 : i32
    %add3A_147 = arith.addi %mul3A_145, %add3A_146 : i32
    %mul3A_148 = arith.constant 16 : i32
    %mul3A_149 = arith.muli %add3A_147, %mul3A_148 : i32
    %broadcast_in_dim3A_150 = vector.broadcast %mul3A_149 : i32 to vector<16xi32>
    %get3A_151 = arith.constant 192 : index
    %get3A_152 = tpu.vector_load %arg5[%get3A_151] {strides = array<i32>} : memref<512xi32, #tpu.memory_space<vmem>>, vector<16xi32>,
    %add3A_153 = arith.addi %get3A_152, %broadcast_in_dim3A_150 : vector<16xi32>
    %swap3A_154 = arith.constant 192 : index
    %swap3A_155 = tpu.vector_load %arg5[%swap3A_154] {strides = array<i32>} : memref<512xi32, #tpu.memory_space<vmem>>, vector<16xi32>,
    tpu.vector_store %arg5[%swap3A_154], %add3A_153 {strides = array<i32>} : memref<512xi32, #tpu.memory_space<vmem>>, vector<16xi32>,
    %mul3A_156 = arith.constant 4 : i32
    %mul3A_157 = arith.muli %add3A, %mul3A_156 : i32
    %add3A_158 = arith.constant 1 : i32
    %add3A_159 = arith.addi %mul3A_157, %add3A_158 : i32
    %mul3A_160 = arith.constant 16 : i32
    %mul3A_161 = arith.muli %add3A_159, %mul3A_160 : i32
    %broadcast_in_dim3A_162 = vector.broadcast %mul3A_161 : i32 to vector<16xi32>
    %get3A_163 = arith.constant 208 : index
    %get3A_164 = tpu.vector_load %arg5[%get3A_163] {strides = array<i32>} : memref<512xi32, #tpu.memory_space<vmem>>, vector<16xi32>,
    %add3A_165 = arith.addi %get3A_164, %broadcast_in_dim3A_162 : vector<16xi32>
    %swap3A_166 = arith.constant 208 : index
    %swap3A_167 = tpu.vector_load %arg5[%swap3A_166] {strides = array<i32>} : memref<512xi32, #tpu.memory_space<vmem>>, vector<16xi32>,
    tpu.vector_store %arg5[%swap3A_166], %add3A_165 {strides = array<i32>} : memref<512xi32, #tpu.memory_space<vmem>>, vector<16xi32>,
    %mul3A_168 = arith.constant 4 : i32
    %mul3A_169 = arith.muli %add3A, %mul3A_168 : i32
    %add3A_170 = arith.constant 2 : i32
    %add3A_171 = arith.addi %mul3A_169, %add3A_170 : i32
    %mul3A_172 = arith.constant 16 : i32
    %mul3A_173 = arith.muli %add3A_171, %mul3A_172 : i32
    %broadcast_in_dim3A_174 = vector.broadcast %mul3A_173 : i32 to vector<16xi32>
    %get3A_175 = arith.constant 224 : index
    %get3A_176 = tpu.vector_load %arg5[%get3A_175] {strides = array<i32>} : memref<512xi32, #tpu.memory_space<vmem>>, vector<16xi32>,
    %add3A_177 = arith.addi %get3A_176, %broadcast_in_dim3A_174 : vector<16xi32>
    %swap3A_178 = arith.constant 224 : index
    %swap3A_179 = tpu.vector_load %arg5[%swap3A_178] {strides = array<i32>} : memref<512xi32, #tpu.memory_space<vmem>>, vector<16xi32>,
    tpu.vector_store %arg5[%swap3A_178], %add3A_177 {strides = array<i32>} : memref<512xi32, #tpu.memory_space<vmem>>, vector<16xi32>,
    %mul3A_180 = arith.constant 4 : i32
    %mul3A_181 = arith.muli %add3A, %mul3A_180 : i32
    %add3A_182 = arith.constant 3 : i32
    %add3A_183 = arith.addi %mul3A_181, %add3A_182 : i32
    %mul3A_184 = arith.constant 16 : i32
    %mul3A_185 = arith.muli %add3A_183, %mul3A_184 : i32
    %broadcast_in_dim3A_186 = vector.broadcast %mul3A_185 : i32 to vector<16xi32>
    %get3A_187 = arith.constant 240 : index
    %get3A_188 = tpu.vector_load %arg5[%get3A_187] {strides = array<i32>} : memref<512xi32, #tpu.memory_space<vmem>>, vector<16xi32>,
    %add3A_189 = arith.addi %get3A_188, %broadcast_in_dim3A_186 : vector<16xi32>
    %swap3A_190 = arith.constant 240 : index
    %swap3A_191 = tpu.vector_load %arg5[%swap3A_190] {strides = array<i32>} : memref<512xi32, #tpu.memory_space<vmem>>, vector<16xi32>,
    tpu.vector_store %arg5[%swap3A_190], %add3A_189 {strides = array<i32>} : memref<512xi32, #tpu.memory_space<vmem>>, vector<16xi32>,
    %mul3A_192 = arith.constant 4 : i32
    %mul3A_193 = arith.muli %add3A, %mul3A_192 : i32
    %add3A_194 = arith.constant 0 : i32
    %add3A_195 = arith.addi %mul3A_193, %add3A_194 : i32
    %mul3A_196 = arith.constant 16 : i32
    %mul3A_197 = arith.muli %add3A_195, %mul3A_196 : i32
    %broadcast_in_dim3A_198 = vector.broadcast %mul3A_197 : i32 to vector<16xi32>
    %get3A_199 = arith.constant 256 : index
    %get3A_200 = tpu.vector_load %arg5[%get3A_199] {strides = array<i32>} : memref<512xi32, #tpu.memory_space<vmem>>, vector<16xi32>,
    %add3A_201 = arith.addi %get3A_200, %broadcast_in_dim3A_198 : vector<16xi32>
    %swap3A_202 = arith.constant 256 : index
    %swap3A_203 = tpu.vector_load %arg5[%swap3A_202] {strides = array<i32>} : memref<512xi32, #tpu.memory_space<vmem>>, vector<16xi32>,
    tpu.vector_store %arg5[%swap3A_202], %add3A_201 {strides = array<i32>} : memref<512xi32, #tpu.memory_space<vmem>>, vector<16xi32>,
    %mul3A_204 = arith.constant 4 : i32
    %mul3A_205 = arith.muli %add3A, %mul3A_204 : i32
    %add3A_206 = arith.constant 1 : i32
    %add3A_207 = arith.addi %mul3A_205, %add3A_206 : i32
    %mul3A_208 = arith.constant 16 : i32
    %mul3A_209 = arith.muli %add3A_207, %mul3A_208 : i32
    %broadcast_in_dim3A_210 = vector.broadcast %mul3A_209 : i32 to vector<16xi32>
    %get3A_211 = arith.constant 272 : index
    %get3A_212 = tpu.vector_load %arg5[%get3A_211] {strides = array<i32>} : memref<512xi32, #tpu.memory_space<vmem>>, vector<16xi32>,
    %add3A_213 = arith.addi %get3A_212, %broadcast_in_dim3A_210 : vector<16xi32>
    %swap3A_214 = arith.constant 272 : index
    %swap3A_215 = tpu.vector_load %arg5[%swap3A_214] {strides = array<i32>} : memref<512xi32, #tpu.memory_space<vmem>>, vector<16xi32>,
    tpu.vector_store %arg5[%swap3A_214], %add3A_213 {strides = array<i32>} : memref<512xi32, #tpu.memory_space<vmem>>, vector<16xi32>,
    %mul3A_216 = arith.constant 4 : i32
    %mul3A_217 = arith.muli %add3A, %mul3A_216 : i32
    %add3A_218 = arith.constant 2 : i32
    %add3A_219 = arith.addi %mul3A_217, %add3A_218 : i32
    %mul3A_220 = arith.constant 16 : i32
    %mul3A_221 = arith.muli %add3A_219, %mul3A_220 : i32
    %broadcast_in_dim3A_222 = vector.broadcast %mul3A_221 : i32 to vector<16xi32>
    %get3A_223 = arith.constant 288 : index
    %get3A_224 = tpu.vector_load %arg5[%get3A_223] {strides = array<i32>} : memref<512xi32, #tpu.memory_space<vmem>>, vector<16xi32>,
    %add3A_225 = arith.addi %get3A_224, %broadcast_in_dim3A_222 : vector<16xi32>
    %swap3A_226 = arith.constant 288 : index
    %swap3A_227 = tpu.vector_load %arg5[%swap3A_226] {strides = array<i32>} : memref<512xi32, #tpu.memory_space<vmem>>, vector<16xi32>,
    tpu.vector_store %arg5[%swap3A_226], %add3A_225 {strides = array<i32>} : memref<512xi32, #tpu.memory_space<vmem>>, vector<16xi32>,
    %mul3A_228 = arith.constant 4 : i32
    %mul3A_229 = arith.muli %add3A, %mul3A_228 : i32
    %add3A_230 = arith.constant 3 : i32
    %add3A_231 = arith.addi %mul3A_229, %add3A_230 : i32
    %mul3A_232 = arith.constant 16 : i32
    %mul3A_233 = arith.muli %add3A_231, %mul3A_232 : i32
    %broadcast_in_dim3A_234 = vector.broadcast %mul3A_233 : i32 to vector<16xi32>
    %get3A_235 = arith.constant 304 : index
    %get3A_236 = tpu.vector_load %arg5[%get3A_235] {strides = array<i32>} : memref<512xi32, #tpu.memory_space<vmem>>, vector<16xi32>,
    %add3A_237 = arith.addi %get3A_236, %broadcast_in_dim3A_234 : vector<16xi32>
    %swap3A_238 = arith.constant 304 : index
    %swap3A_239 = tpu.vector_load %arg5[%swap3A_238] {strides = array<i32>} : memref<512xi32, #tpu.memory_space<vmem>>, vector<16xi32>,
    tpu.vector_store %arg5[%swap3A_238], %add3A_237 {strides = array<i32>} : memref<512xi32, #tpu.memory_space<vmem>>, vector<16xi32>,
    %mul3A_240 = arith.constant 4 : i32
    %mul3A_241 = arith.muli %add3A, %mul3A_240 : i32
    %add3A_242 = arith.constant 0 : i32
    %add3A_243 = arith.addi %mul3A_241, %add3A_242 : i32
    %mul3A_244 = arith.constant 16 : i32
    %mul3A_245 = arith.muli %add3A_243, %mul3A_244 : i32
    %broadcast_in_dim3A_246 = vector.broadcast %mul3A_245 : i32 to vector<16xi32>
    %get3A_247 = arith.constant 320 : index
    %get3A_248 = tpu.vector_load %arg5[%get3A_247] {strides = array<i32>} : memref<512xi32, #tpu.memory_space<vmem>>, vector<16xi32>,
    %add3A_249 = arith.addi %get3A_248, %broadcast_in_dim3A_246 : vector<16xi32>
    %swap3A_250 = arith.constant 320 : index
    %swap3A_251 = tpu.vector_load %arg5[%swap3A_250] {strides = array<i32>} : memref<512xi32, #tpu.memory_space<vmem>>, vector<16xi32>,
    tpu.vector_store %arg5[%swap3A_250], %add3A_249 {strides = array<i32>} : memref<512xi32, #tpu.memory_space<vmem>>, vector<16xi32>,
    %mul3A_252 = arith.constant 4 : i32
    %mul3A_253 = arith.muli %add3A, %mul3A_252 : i32
    %add3A_254 = arith.constant 1 : i32
    %add3A_255 = arith.addi %mul3A_253, %add3A_254 : i32
    %mul3A_256 = arith.constant 16 : i32
    %mul3A_257 = arith.muli %add3A_255, %mul3A_256 : i32
    %broadcast_in_dim3A_258 = vector.broadcast %mul3A_257 : i32 to vector<16xi32>
    %get3A_259 = arith.constant 336 : index
    %get3A_260 = tpu.vector_load %arg5[%get3A_259] {strides = array<i32>} : memref<512xi32, #tpu.memory_space<vmem>>, vector<16xi32>,
    %add3A_261 = arith.addi %get3A_260, %broadcast_in_dim3A_258 : vector<16xi32>
    %swap3A_262 = arith.constant 336 : index
    %swap3A_263 = tpu.vector_load %arg5[%swap3A_262] {strides = array<i32>} : memref<512xi32, #tpu.memory_space<vmem>>, vector<16xi32>,
    tpu.vector_store %arg5[%swap3A_262], %add3A_261 {strides = array<i32>} : memref<512xi32, #tpu.memory_space<vmem>>, vector<16xi32>,
    %mul3A_264 = arith.constant 4 : i32
    %mul3A_265 = arith.muli %add3A, %mul3A_264 : i32
    %add3A_266 = arith.constant 2 : i32
    %add3A_267 = arith.addi %mul3A_265, %add3A_266 : i32
    %mul3A_268 = arith.constant 16 : i32
    %mul3A_269 = arith.muli %add3A_267, %mul3A_268 : i32
    %broadcast_in_dim3A_270 = vector.broadcast %mul3A_269 : i32 to vector<16xi32>
    %get3A_271 = arith.constant 352 : index
    %get3A_272 = tpu.vector_load %arg5[%get3A_271] {strides = array<i32>} : memref<512xi32, #tpu.memory_space<vmem>>, vector<16xi32>,
    %add3A_273 = arith.addi %get3A_272, %broadcast_in_dim3A_270 : vector<16xi32>
    %swap3A_274 = arith.constant 352 : index
    %swap3A_275 = tpu.vector_load %arg5[%swap3A_274] {strides = array<i32>} : memref<512xi32, #tpu.memory_space<vmem>>, vector<16xi32>,
    tpu.vector_store %arg5[%swap3A_274], %add3A_273 {strides = array<i32>} : memref<512xi32, #tpu.memory_space<vmem>>, vector<16xi32>,
    %mul3A_276 = arith.constant 4 : i32
    %mul3A_277 = arith.muli %add3A, %mul3A_276 : i32
    %add3A_278 = arith.constant 3 : i32
    %add3A_279 = arith.addi %mul3A_277, %add3A_278 : i32
    %mul3A_280 = arith.constant 16 : i32
    %mul3A_281 = arith.muli %add3A_279, %mul3A_280 : i32
    %broadcast_in_dim3A_282 = vector.broadcast %mul3A_281 : i32 to vector<16xi32>
    %get3A_283 = arith.constant 368 : index
    %get3A_284 = tpu.vector_load %arg5[%get3A_283] {strides = array<i32>} : memref<512xi32, #tpu.memory_space<vmem>>, vector<16xi32>,
    %add3A_285 = arith.addi %get3A_284, %broadcast_in_dim3A_282 : vector<16xi32>
    %swap3A_286 = arith.constant 368 : index
    %swap3A_287 = tpu.vector_load %arg5[%swap3A_286] {strides = array<i32>} : memref<512xi32, #tpu.memory_space<vmem>>, vector<16xi32>,
    tpu.vector_store %arg5[%swap3A_286], %add3A_285 {strides = array<i32>} : memref<512xi32, #tpu.memory_space<vmem>>, vector<16xi32>,
    %mul3A_288 = arith.constant 4 : i32
    %mul3A_289 = arith.muli %add3A, %mul3A_288 : i32
    %add3A_290 = arith.constant 0 : i32
    %add3A_291 = arith.addi %mul3A_289, %add3A_290 : i32
    %mul3A_292 = arith.constant 16 : i32
    %mul3A_293 = arith.muli %add3A_291, %mul3A_292 : i32
    %broadcast_in_dim3A_294 = vector.broadcast %mul3A_293 : i32 to vector<16xi32>
    %get3A_295 = arith.constant 384 : index
    %get3A_296 = tpu.vector_load %arg5[%get3A_295] {strides = array<i32>} : memref<512xi32, #tpu.memory_space<vmem>>, vector<16xi32>,
    %add3A_297 = arith.addi %get3A_296, %broadcast_in_dim3A_294 : vector<16xi32>
    %swap3A_298 = arith.constant 384 : index
    %swap3A_299 = tpu.vector_load %arg5[%swap3A_298] {strides = array<i32>} : memref<512xi32, #tpu.memory_space<vmem>>, vector<16xi32>,
    tpu.vector_store %arg5[%swap3A_298], %add3A_297 {strides = array<i32>} : memref<512xi32, #tpu.memory_space<vmem>>, vector<16xi32>,
    %mul3A_300 = arith.constant 4 : i32
    %mul3A_301 = arith.muli %add3A, %mul3A_300 : i32
    %add3A_302 = arith.constant 1 : i32
    %add3A_303 = arith.addi %mul3A_301, %add3A_302 : i32
    %mul3A_304 = arith.constant 16 : i32
    %mul3A_305 = arith.muli %add3A_303, %mul3A_304 : i32
    %broadcast_in_dim3A_306 = vector.broadcast %mul3A_305 : i32 to vector<16xi32>
    %get3A_307 = arith.constant 400 : index
    %get3A_308 = tpu.vector_load %arg5[%get3A_307] {strides = array<i32>} : memref<512xi32, #tpu.memory_space<vmem>>, vector<16xi32>,
    %add3A_309 = arith.addi %get3A_308, %broadcast_in_dim3A_306 : vector<16xi32>
    %swap3A_310 = arith.constant 400 : index
    %swap3A_311 = tpu.vector_load %arg5[%swap3A_310] {strides = array<i32>} : memref<512xi32, #tpu.memory_space<vmem>>, vector<16xi32>,
    tpu.vector_store %arg5[%swap3A_310], %add3A_309 {strides = array<i32>} : memref<512xi32, #tpu.memory_space<vmem>>, vector<16xi32>,
    %mul3A_312 = arith.constant 4 : i32
    %mul3A_313 = arith.muli %add3A, %mul3A_312 : i32
    %add3A_314 = arith.constant 2 : i32
    %add3A_315 = arith.addi %mul3A_313, %add3A_314 : i32
    %mul3A_316 = arith.constant 16 : i32
    %mul3A_317 = arith.muli %add3A_315, %mul3A_316 : i32
    %broadcast_in_dim3A_318 = vector.broadcast %mul3A_317 : i32 to vector<16xi32>
    %get3A_319 = arith.constant 416 : index
    %get3A_320 = tpu.vector_load %arg5[%get3A_319] {strides = array<i32>} : memref<512xi32, #tpu.memory_space<vmem>>, vector<16xi32>,
    %add3A_321 = arith.addi %get3A_320, %broadcast_in_dim3A_318 : vector<16xi32>
    %swap3A_322 = arith.constant 416 : index
    %swap3A_323 = tpu.vector_load %arg5[%swap3A_322] {strides = array<i32>} : memref<512xi32, #tpu.memory_space<vmem>>, vector<16xi32>,
    tpu.vector_store %arg5[%swap3A_322], %add3A_321 {strides = array<i32>} : memref<512xi32, #tpu.memory_space<vmem>>, vector<16xi32>,
    %mul3A_324 = arith.constant 4 : i32
    %mul3A_325 = arith.muli %add3A, %mul3A_324 : i32
    %add3A_326 = arith.constant 3 : i32
    %add3A_327 = arith.addi %mul3A_325, %add3A_326 : i32
    %mul3A_328 = arith.constant 16 : i32
    %mul3A_329 = arith.muli %add3A_327, %mul3A_328 : i32
    %broadcast_in_dim3A_330 = vector.broadcast %mul3A_329 : i32 to vector<16xi32>
    %get3A_331 = arith.constant 432 : index
    %get3A_332 = tpu.vector_load %arg5[%get3A_331] {strides = array<i32>} : memref<512xi32, #tpu.memory_space<vmem>>, vector<16xi32>,
    %add3A_333 = arith.addi %get3A_332, %broadcast_in_dim3A_330 : vector<16xi32>
    %swap3A_334 = arith.constant 432 : index
    %swap3A_335 = tpu.vector_load %arg5[%swap3A_334] {strides = array<i32>} : memref<512xi32, #tpu.memory_space<vmem>>, vector<16xi32>,
    tpu.vector_store %arg5[%swap3A_334], %add3A_333 {strides = array<i32>} : memref<512xi32, #tpu.memory_space<vmem>>, vector<16xi32>,
    %mul3A_336 = arith.constant 4 : i32
    %mul3A_337 = arith.muli %add3A, %mul3A_336 : i32
    %add3A_338 = arith.constant 0 : i32
    %add3A_339 = arith.addi %mul3A_337, %add3A_338 : i32
    %mul3A_340 = arith.constant 16 : i32
    %mul3A_341 = arith.muli %add3A_339, %mul3A_340 : i32
    %broadcast_in_dim3A_342 = vector.broadcast %mul3A_341 : i32 to vector<16xi32>
    %get3A_343 = arith.constant 448 : index
    %get3A_344 = tpu.vector_load %arg5[%get3A_343] {strides = array<i32>} : memref<512xi32, #tpu.memory_space<vmem>>, vector<16xi32>,
    %add3A_345 = arith.addi %get3A_344, %broadcast_in_dim3A_342 : vector<16xi32>
    %swap3A_346 = arith.constant 448 : index
    %swap3A_347 = tpu.vector_load %arg5[%swap3A_346] {strides = array<i32>} : memref<512xi32, #tpu.memory_space<vmem>>, vector<16xi32>,
    tpu.vector_store %arg5[%swap3A_346], %add3A_345 {strides = array<i32>} : memref<512xi32, #tpu.memory_space<vmem>>, vector<16xi32>,
    %mul3A_348 = arith.constant 4 : i32
    %mul3A_349 = arith.muli %add3A, %mul3A_348 : i32
    %add3A_350 = arith.constant 1 : i32
    %add3A_351 = arith.addi %mul3A_349, %add3A_350 : i32
    %mul3A_352 = arith.constant 16 : i32
    %mul3A_353 = arith.muli %add3A_351, %mul3A_352 : i32
    %broadcast_in_dim3A_354 = vector.broadcast %mul3A_353 : i32 to vector<16xi32>
    %get3A_355 = arith.constant 464 : index
    %get3A_356 = tpu.vector_load %arg5[%get3A_355] {strides = array<i32>} : memref<512xi32, #tpu.memory_space<vmem>>, vector<16xi32>,
    %add3A_357 = arith.addi %get3A_356, %broadcast_in_dim3A_354 : vector<16xi32>
    %swap3A_358 = arith.constant 464 : index
    %swap3A_359 = tpu.vector_load %arg5[%swap3A_358] {strides = array<i32>} : memref<512xi32, #tpu.memory_space<vmem>>, vector<16xi32>,
    tpu.vector_store %arg5[%swap3A_358], %add3A_357 {strides = array<i32>} : memref<512xi32, #tpu.memory_space<vmem>>, vector<16xi32>,
    %mul3A_360 = arith.constant 4 : i32
    %mul3A_361 = arith.muli %add3A, %mul3A_360 : i32
    %add3A_362 = arith.constant 2 : i32
    %add3A_363 = arith.addi %mul3A_361, %add3A_362 : i32
    %mul3A_364 = arith.constant 16 : i32
    %mul3A_365 = arith.muli %add3A_363, %mul3A_364 : i32
    %broadcast_in_dim3A_366 = vector.broadcast %mul3A_365 : i32 to vector<16xi32>
    %get3A_367 = arith.constant 480 : index
    %get3A_368 = tpu.vector_load %arg5[%get3A_367] {strides = array<i32>} : memref<512xi32, #tpu.memory_space<vmem>>, vector<16xi32>,
    %add3A_369 = arith.addi %get3A_368, %broadcast_in_dim3A_366 : vector<16xi32>
    %swap3A_370 = arith.constant 480 : index
    %swap3A_371 = tpu.vector_load %arg5[%swap3A_370] {strides = array<i32>} : memref<512xi32, #tpu.memory_space<vmem>>, vector<16xi32>,
    tpu.vector_store %arg5[%swap3A_370], %add3A_369 {strides = array<i32>} : memref<512xi32, #tpu.memory_space<vmem>>, vector<16xi32>,
    %mul3A_372 = arith.constant 4 : i32
    %mul3A_373 = arith.muli %add3A, %mul3A_372 : i32
    %add3A_374 = arith.constant 3 : i32
    %add3A_375 = arith.addi %mul3A_373, %add3A_374 : i32
    %mul3A_376 = arith.constant 16 : i32
    %mul3A_377 = arith.muli %add3A_375, %mul3A_376 : i32
    %broadcast_in_dim3A_378 = vector.broadcast %mul3A_377 : i32 to vector<16xi32>
    %get3A_379 = arith.constant 496 : index
    %get3A_380 = tpu.vector_load %arg5[%get3A_379] {strides = array<i32>} : memref<512xi32, #tpu.memory_space<vmem>>, vector<16xi32>,
    %add3A_381 = arith.addi %get3A_380, %broadcast_in_dim3A_378 : vector<16xi32>
    %swap3A_382 = arith.constant 496 : index
    %swap3A_383 = tpu.vector_load %arg5[%swap3A_382] {strides = array<i32>} : memref<512xi32, #tpu.memory_space<vmem>>, vector<16xi32>,
    tpu.vector_store %arg5[%swap3A_382], %add3A_381 {strides = array<i32>} : memref<512xi32, #tpu.memory_space<vmem>>, vector<16xi32>,
    %dma_start3A = arith.constant 0 : i32
    %dma_start3A_384 = tpu.memref_slice %arg5[%dma_start3A] : memref<512xi32, #tpu.memory_space<vmem>> -> memref<16xi32, #tpu.memory_space<vmem>>
    %dma_start3A_385 = arith.constant 0 : i32
    %dma_start3A_386 = arith.constant 0 : i32
    %dma_start3A_387 = tpu.memref_slice %arg2[%dma_start3A_385, %dma_start3A_386] : memref<2048x768xf32, #tpu.memory_space<hbm>> -> memref<2048x768xf32, #tpu.memory_space<hbm>>
    tpu.enqueue_indirect_dma source(%dma_start3A_387 : memref<2048x768xf32, #tpu.memory_space<hbm>>) target(%arg6 : memref<16x768xf32, #tpu.memory_space<vmem>>) offsets(%dma_start3A_384 : memref<16xi32, #tpu.memory_space<vmem>>) semaphore(%arg14 : memref<!tpu.dma_semaphore, #tpu.memory_space<semaphore_mem>>)
    %dma_start3A_388 = arith.constant 16 : i32
    %dma_start3A_389 = tpu.memref_slice %arg5[%dma_start3A_388] : memref<512xi32, #tpu.memory_space<vmem>> -> memref<16xi32, #tpu.memory_space<vmem>>
    %dma_start3A_390 = arith.constant 0 : i32
    %dma_start3A_391 = arith.constant 0 : i32
    %dma_start3A_392 = tpu.memref_slice %arg2[%dma_start3A_390, %dma_start3A_391] : memref<2048x768xf32, #tpu.memory_space<hbm>> -> memref<2048x768xf32, #tpu.memory_space<hbm>>
    tpu.enqueue_indirect_dma source(%dma_start3A_392 : memref<2048x768xf32, #tpu.memory_space<hbm>>) target(%arg7 : memref<16x768xf32, #tpu.memory_space<vmem>>) offsets(%dma_start3A_389 : memref<16xi32, #tpu.memory_space<vmem>>) semaphore(%arg15 : memref<!tpu.dma_semaphore, #tpu.memory_space<semaphore_mem>>)
    %dma_start3A_393 = arith.constant 32 : i32
    %dma_start3A_394 = tpu.memref_slice %arg5[%dma_start3A_393] : memref<512xi32, #tpu.memory_space<vmem>> -> memref<16xi32, #tpu.memory_space<vmem>>
    %dma_start3A_395 = arith.constant 0 : i32
    %dma_start3A_396 = arith.constant 0 : i32
    %dma_start3A_397 = tpu.memref_slice %arg2[%dma_start3A_395, %dma_start3A_396] : memref<2048x768xf32, #tpu.memory_space<hbm>> -> memref<2048x768xf32, #tpu.memory_space<hbm>>
    tpu.enqueue_indirect_dma source(%dma_start3A_397 : memref<2048x768xf32, #tpu.memory_space<hbm>>) target(%arg8 : memref<16x768xf32, #tpu.memory_space<vmem>>) offsets(%dma_start3A_394 : memref<16xi32, #tpu.memory_space<vmem>>) semaphore(%arg16 : memref<!tpu.dma_semaphore, #tpu.memory_space<semaphore_mem>>)
    %dma_start3A_398 = arith.constant 48 : i32
    %dma_start3A_399 = tpu.memref_slice %arg5[%dma_start3A_398] : memref<512xi32, #tpu.memory_space<vmem>> -> memref<16xi32, #tpu.memory_space<vmem>>
    %dma_start3A_400 = arith.constant 0 : i32
    %dma_start3A_401 = arith.constant 0 : i32
    %dma_start3A_402 = tpu.memref_slice %arg2[%dma_start3A_400, %dma_start3A_401] : memref<2048x768xf32, #tpu.memory_space<hbm>> -> memref<2048x768xf32, #tpu.memory_space<hbm>>
    tpu.enqueue_indirect_dma source(%dma_start3A_402 : memref<2048x768xf32, #tpu.memory_space<hbm>>) target(%arg9 : memref<16x768xf32, #tpu.memory_space<vmem>>) offsets(%dma_start3A_399 : memref<16xi32, #tpu.memory_space<vmem>>) semaphore(%arg17 : memref<!tpu.dma_semaphore, #tpu.memory_space<semaphore_mem>>)
    %dma_start3A_403 = arith.constant 64 : i32
    %dma_start3A_404 = tpu.memref_slice %arg5[%dma_start3A_403] : memref<512xi32, #tpu.memory_space<vmem>> -> memref<16xi32, #tpu.memory_space<vmem>>
    %dma_start3A_405 = arith.constant 0 : i32
    %dma_start3A_406 = arith.constant 0 : i32
    %dma_start3A_407 = tpu.memref_slice %arg2[%dma_start3A_405, %dma_start3A_406] : memref<2048x768xf32, #tpu.memory_space<hbm>> -> memref<2048x768xf32, #tpu.memory_space<hbm>>
    tpu.enqueue_indirect_dma source(%dma_start3A_407 : memref<2048x768xf32, #tpu.memory_space<hbm>>) target(%arg10 : memref<16x768xf32, #tpu.memory_space<vmem>>) offsets(%dma_start3A_404 : memref<16xi32, #tpu.memory_space<vmem>>) semaphore(%arg18 : memref<!tpu.dma_semaphore, #tpu.memory_space<semaphore_mem>>)
    %dma_start3A_408 = arith.constant 80 : i32
    %dma_start3A_409 = tpu.memref_slice %arg5[%dma_start3A_408] : memref<512xi32, #tpu.memory_space<vmem>> -> memref<16xi32, #tpu.memory_space<vmem>>
    %dma_start3A_410 = arith.constant 0 : i32
    %dma_start3A_411 = arith.constant 0 : i32
    %dma_start3A_412 = tpu.memref_slice %arg2[%dma_start3A_410, %dma_start3A_411] : memref<2048x768xf32, #tpu.memory_space<hbm>> -> memref<2048x768xf32, #tpu.memory_space<hbm>>
    tpu.enqueue_indirect_dma source(%dma_start3A_412 : memref<2048x768xf32, #tpu.memory_space<hbm>>) target(%arg11 : memref<16x768xf32, #tpu.memory_space<vmem>>) offsets(%dma_start3A_409 : memref<16xi32, #tpu.memory_space<vmem>>) semaphore(%arg19 : memref<!tpu.dma_semaphore, #tpu.memory_space<semaphore_mem>>)
    %dma_start3A_413 = arith.constant 96 : i32
    %dma_start3A_414 = tpu.memref_slice %arg5[%dma_start3A_413] : memref<512xi32, #tpu.memory_space<vmem>> -> memref<16xi32, #tpu.memory_space<vmem>>
    %dma_start3A_415 = arith.constant 0 : i32
    %dma_start3A_416 = arith.constant 0 : i32
    %dma_start3A_417 = tpu.memref_slice %arg2[%dma_start3A_415, %dma_start3A_416] : memref<2048x768xf32, #tpu.memory_space<hbm>> -> memref<2048x768xf32, #tpu.memory_space<hbm>>
    tpu.enqueue_indirect_dma source(%dma_start3A_417 : memref<2048x768xf32, #tpu.memory_space<hbm>>) target(%arg12 : memref<16x768xf32, #tpu.memory_space<vmem>>) offsets(%dma_start3A_414 : memref<16xi32, #tpu.memory_space<vmem>>) semaphore(%arg20 : memref<!tpu.dma_semaphore, #tpu.memory_space<semaphore_mem>>)
    %dma_start3A_418 = arith.constant 112 : i32
    %dma_start3A_419 = tpu.memref_slice %arg5[%dma_start3A_418] : memref<512xi32, #tpu.memory_space<vmem>> -> memref<16xi32, #tpu.memory_space<vmem>>
    %dma_start3A_420 = arith.constant 0 : i32
    %dma_start3A_421 = arith.constant 0 : i32
    %dma_start3A_422 = tpu.memref_slice %arg2[%dma_start3A_420, %dma_start3A_421] : memref<2048x768xf32, #tpu.memory_space<hbm>> -> memref<2048x768xf32, #tpu.memory_space<hbm>>
    tpu.enqueue_indirect_dma source(%dma_start3A_422 : memref<2048x768xf32, #tpu.memory_space<hbm>>) target(%arg13 : memref<16x768xf32, #tpu.memory_space<vmem>>) offsets(%dma_start3A_419 : memref<16xi32, #tpu.memory_space<vmem>>) semaphore(%arg21 : memref<!tpu.dma_semaphore, #tpu.memory_space<semaphore_mem>>)
    %dma_wait3A = arith.constant 0 : i32
    %dma_wait3A_423 = tpu.memref_slice %arg5[%dma_wait3A] : memref<512xi32, #tpu.memory_space<vmem>> -> memref<16xi32, #tpu.memory_space<vmem>>
    %dma_wait3A_424 = arith.constant 0 : i32
    %dma_wait3A_425 = arith.constant 0 : i32
    %dma_wait3A_426 = tpu.memref_slice %arg2[%dma_wait3A_424, %dma_wait3A_425] : memref<2048x768xf32, #tpu.memory_space<hbm>> -> memref<2048x768xf32, #tpu.memory_space<hbm>>
    tpu.wait_indirect_dma semaphore(%arg14 : memref<!tpu.dma_semaphore, #tpu.memory_space<semaphore_mem>>) src(%dma_wait3A_426 : memref<2048x768xf32, #tpu.memory_space<hbm>>) dst(%arg6 : memref<16x768xf32, #tpu.memory_space<vmem>>)
    %add3A_427 = arith.constant 0 : i32
    %add3A_428 = arith.addi %mul3A_2, %add3A_427 : i32
    %dma_start3A_429 = arith.constant 0 : i32
    %dma_start3A_430 = tpu.memref_slice %arg4[%add3A_428, %dma_start3A_429] : memref<16384x768xf32, #tpu.memory_space<hbm>> -> memref<16x768xf32, #tpu.memory_space<hbm>>
    %dma_start3A_431 = arith.constant 0 : i32
    %dma_start3A_432 = tpu.memref_slice %arg4[%add3A_428, %dma_start3A_431] : memref<16384x768xf32, #tpu.memory_space<hbm>> -> memref<16x768xf32, #tpu.memory_space<hbm>>
    tpu.enqueue_dma source(%arg6 : memref<16x768xf32, #tpu.memory_space<vmem>>) target(%dma_start3A_432 : memref<16x768xf32, #tpu.memory_space<hbm>>) target_semaphore(%arg22 : memref<!tpu.dma_semaphore, #tpu.memory_space<semaphore_mem>>)
    %add3A_433 = arith.constant 0 : i32
    %add3A_434 = arith.addi %mul3A_2, %add3A_433 : i32
    %dma_wait3A_435 = arith.constant 0 : i32
    %dma_wait3A_436 = tpu.memref_slice %arg4[%add3A_434, %dma_wait3A_435] : memref<16384x768xf32, #tpu.memory_space<hbm>> -> memref<16x768xf32, #tpu.memory_space<hbm>>
    %dma_wait3A_437 = arith.constant 0 : i32
    %dma_wait3A_438 = tpu.memref_slice %arg4[%add3A_434, %dma_wait3A_437] : memref<16384x768xf32, #tpu.memory_space<hbm>> -> memref<16x768xf32, #tpu.memory_space<hbm>>
    tpu.wait_dma2 semaphore(%arg22 : memref<!tpu.dma_semaphore, #tpu.memory_space<semaphore_mem>>) src(%arg6 : memref<16x768xf32, #tpu.memory_space<vmem>>) dst(%dma_wait3A_438 : memref<16x768xf32, #tpu.memory_space<hbm>>)
    %dma_start3A_439 = arith.constant 128 : i32
    %dma_start3A_440 = tpu.memref_slice %arg5[%dma_start3A_439] : memref<512xi32, #tpu.memory_space<vmem>> -> memref<16xi32, #tpu.memory_space<vmem>>
    %dma_start3A_441 = arith.constant 0 : i32
    %dma_start3A_442 = arith.constant 0 : i32
    %dma_start3A_443 = tpu.memref_slice %arg2[%dma_start3A_441, %dma_start3A_442] : memref<2048x768xf32, #tpu.memory_space<hbm>> -> memref<2048x768xf32, #tpu.memory_space<hbm>>
    tpu.enqueue_indirect_dma source(%dma_start3A_443 : memref<2048x768xf32, #tpu.memory_space<hbm>>) target(%arg6 : memref<16x768xf32, #tpu.memory_space<vmem>>) offsets(%dma_start3A_440 : memref<16xi32, #tpu.memory_space<vmem>>) semaphore(%arg14 : memref<!tpu.dma_semaphore, #tpu.memory_space<semaphore_mem>>)
    %dma_wait3A_444 = arith.constant 16 : i32
    %dma_wait3A_445 = tpu.memref_slice %arg5[%dma_wait3A_444] : memref<512xi32, #tpu.memory_space<vmem>> -> memref<16xi32, #tpu.memory_space<vmem>>
    %dma_wait3A_446 = arith.constant 0 : i32
    %dma_wait3A_447 = arith.constant 0 : i32
    %dma_wait3A_448 = tpu.memref_slice %arg2[%dma_wait3A_446, %dma_wait3A_447] : memref<2048x768xf32, #tpu.memory_space<hbm>> -> memref<2048x768xf32, #tpu.memory_space<hbm>>
    tpu.wait_indirect_dma semaphore(%arg15 : memref<!tpu.dma_semaphore, #tpu.memory_space<semaphore_mem>>) src(%dma_wait3A_448 : memref<2048x768xf32, #tpu.memory_space<hbm>>) dst(%arg7 : memref<16x768xf32, #tpu.memory_space<vmem>>)
    %add3A_449 = arith.constant 16 : i32
    %add3A_450 = arith.addi %mul3A_2, %add3A_449 : i32
    %dma_start3A_451 = arith.constant 0 : i32
    %dma_start3A_452 = tpu.memref_slice %arg4[%add3A_450, %dma_start3A_451] : memref<16384x768xf32, #tpu.memory_space<hbm>> -> memref<16x768xf32, #tpu.memory_space<hbm>>
    %dma_start3A_453 = arith.constant 0 : i32
    %dma_start3A_454 = tpu.memref_slice %arg4[%add3A_450, %dma_start3A_453] : memref<16384x768xf32, #tpu.memory_space<hbm>> -> memref<16x768xf32, #tpu.memory_space<hbm>>
    tpu.enqueue_dma source(%arg7 : memref<16x768xf32, #tpu.memory_space<vmem>>) target(%dma_start3A_454 : memref<16x768xf32, #tpu.memory_space<hbm>>) target_semaphore(%arg23 : memref<!tpu.dma_semaphore, #tpu.memory_space<semaphore_mem>>)
    %add3A_455 = arith.constant 16 : i32
    %add3A_456 = arith.addi %mul3A_2, %add3A_455 : i32
    %dma_wait3A_457 = arith.constant 0 : i32
    %dma_wait3A_458 = tpu.memref_slice %arg4[%add3A_456, %dma_wait3A_457] : memref<16384x768xf32, #tpu.memory_space<hbm>> -> memref<16x768xf32, #tpu.memory_space<hbm>>
    %dma_wait3A_459 = arith.constant 0 : i32
    %dma_wait3A_460 = tpu.memref_slice %arg4[%add3A_456, %dma_wait3A_459] : memref<16384x768xf32, #tpu.memory_space<hbm>> -> memref<16x768xf32, #tpu.memory_space<hbm>>
    tpu.wait_dma2 semaphore(%arg23 : memref<!tpu.dma_semaphore, #tpu.memory_space<semaphore_mem>>) src(%arg7 : memref<16x768xf32, #tpu.memory_space<vmem>>) dst(%dma_wait3A_460 : memref<16x768xf32, #tpu.memory_space<hbm>>)
    %dma_start3A_461 = arith.constant 144 : i32
    %dma_start3A_462 = tpu.memref_slice %arg5[%dma_start3A_461] : memref<512xi32, #tpu.memory_space<vmem>> -> memref<16xi32, #tpu.memory_space<vmem>>
    %dma_start3A_463 = arith.constant 0 : i32
    %dma_start3A_464 = arith.constant 0 : i32
    %dma_start3A_465 = tpu.memref_slice %arg2[%dma_start3A_463, %dma_start3A_464] : memref<2048x768xf32, #tpu.memory_space<hbm>> -> memref<2048x768xf32, #tpu.memory_space<hbm>>
    tpu.enqueue_indirect_dma source(%dma_start3A_465 : memref<2048x768xf32, #tpu.memory_space<hbm>>) target(%arg7 : memref<16x768xf32, #tpu.memory_space<vmem>>) offsets(%dma_start3A_462 : memref<16xi32, #tpu.memory_space<vmem>>) semaphore(%arg15 : memref<!tpu.dma_semaphore, #tpu.memory_space<semaphore_mem>>)
    %dma_wait3A_466 = arith.constant 32 : i32
    %dma_wait3A_467 = tpu.memref_slice %arg5[%dma_wait3A_466] : memref<512xi32, #tpu.memory_space<vmem>> -> memref<16xi32, #tpu.memory_space<vmem>>
    %dma_wait3A_468 = arith.constant 0 : i32
    %dma_wait3A_469 = arith.constant 0 : i32
    %dma_wait3A_470 = tpu.memref_slice %arg2[%dma_wait3A_468, %dma_wait3A_469] : memref<2048x768xf32, #tpu.memory_space<hbm>> -> memref<2048x768xf32, #tpu.memory_space<hbm>>
    tpu.wait_indirect_dma semaphore(%arg16 : memref<!tpu.dma_semaphore, #tpu.memory_space<semaphore_mem>>) src(%dma_wait3A_470 : memref<2048x768xf32, #tpu.memory_space<hbm>>) dst(%arg8 : memref<16x768xf32, #tpu.memory_space<vmem>>)
    %add3A_471 = arith.constant 32 : i32
    %add3A_472 = arith.addi %mul3A_2, %add3A_471 : i32
    %dma_start3A_473 = arith.constant 0 : i32
    %dma_start3A_474 = tpu.memref_slice %arg4[%add3A_472, %dma_start3A_473] : memref<16384x768xf32, #tpu.memory_space<hbm>> -> memref<16x768xf32, #tpu.memory_space<hbm>>
    %dma_start3A_475 = arith.constant 0 : i32
    %dma_start3A_476 = tpu.memref_slice %arg4[%add3A_472, %dma_start3A_475] : memref<16384x768xf32, #tpu.memory_space<hbm>> -> memref<16x768xf32, #tpu.memory_space<hbm>>
    tpu.enqueue_dma source(%arg8 : memref<16x768xf32, #tpu.memory_space<vmem>>) target(%dma_start3A_476 : memref<16x768xf32, #tpu.memory_space<hbm>>) target_semaphore(%arg24 : memref<!tpu.dma_semaphore, #tpu.memory_space<semaphore_mem>>)
    %add3A_477 = arith.constant 32 : i32
    %add3A_478 = arith.addi %mul3A_2, %add3A_477 : i32
    %dma_wait3A_479 = arith.constant 0 : i32
    %dma_wait3A_480 = tpu.memref_slice %arg4[%add3A_478, %dma_wait3A_479] : memref<16384x768xf32, #tpu.memory_space<hbm>> -> memref<16x768xf32, #tpu.memory_space<hbm>>
    %dma_wait3A_481 = arith.constant 0 : i32
    %dma_wait3A_482 = tpu.memref_slice %arg4[%add3A_478, %dma_wait3A_481] : memref<16384x768xf32, #tpu.memory_space<hbm>> -> memref<16x768xf32, #tpu.memory_space<hbm>>
    tpu.wait_dma2 semaphore(%arg24 : memref<!tpu.dma_semaphore, #tpu.memory_space<semaphore_mem>>) src(%arg8 : memref<16x768xf32, #tpu.memory_space<vmem>>) dst(%dma_wait3A_482 : memref<16x768xf32, #tpu.memory_space<hbm>>)
    %dma_start3A_483 = arith.constant 160 : i32
    %dma_start3A_484 = tpu.memref_slice %arg5[%dma_start3A_483] : memref<512xi32, #tpu.memory_space<vmem>> -> memref<16xi32, #tpu.memory_space<vmem>>
    %dma_start3A_485 = arith.constant 0 : i32
    %dma_start3A_486 = arith.constant 0 : i32
    %dma_start3A_487 = tpu.memref_slice %arg2[%dma_start3A_485, %dma_start3A_486] : memref<2048x768xf32, #tpu.memory_space<hbm>> -> memref<2048x768xf32, #tpu.memory_space<hbm>>
    tpu.enqueue_indirect_dma source(%dma_start3A_487 : memref<2048x768xf32, #tpu.memory_space<hbm>>) target(%arg8 : memref<16x768xf32, #tpu.memory_space<vmem>>) offsets(%dma_start3A_484 : memref<16xi32, #tpu.memory_space<vmem>>) semaphore(%arg16 : memref<!tpu.dma_semaphore, #tpu.memory_space<semaphore_mem>>)
    %dma_wait3A_488 = arith.constant 48 : i32
    %dma_wait3A_489 = tpu.memref_slice %arg5[%dma_wait3A_488] : memref<512xi32, #tpu.memory_space<vmem>> -> memref<16xi32, #tpu.memory_space<vmem>>
    %dma_wait3A_490 = arith.constant 0 : i32
    %dma_wait3A_491 = arith.constant 0 : i32
    %dma_wait3A_492 = tpu.memref_slice %arg2[%dma_wait3A_490, %dma_wait3A_491] : memref<2048x768xf32, #tpu.memory_space<hbm>> -> memref<2048x768xf32, #tpu.memory_space<hbm>>
    tpu.wait_indirect_dma semaphore(%arg17 : memref<!tpu.dma_semaphore, #tpu.memory_space<semaphore_mem>>) src(%dma_wait3A_492 : memref<2048x768xf32, #tpu.memory_space<hbm>>) dst(%arg9 : memref<16x768xf32, #tpu.memory_space<vmem>>)
    %add3A_493 = arith.constant 48 : i32
    %add3A_494 = arith.addi %mul3A_2, %add3A_493 : i32
    %dma_start3A_495 = arith.constant 0 : i32
    %dma_start3A_496 = tpu.memref_slice %arg4[%add3A_494, %dma_start3A_495] : memref<16384x768xf32, #tpu.memory_space<hbm>> -> memref<16x768xf32, #tpu.memory_space<hbm>>
    %dma_start3A_497 = arith.constant 0 : i32
    %dma_start3A_498 = tpu.memref_slice %arg4[%add3A_494, %dma_start3A_497] : memref<16384x768xf32, #tpu.memory_space<hbm>> -> memref<16x768xf32, #tpu.memory_space<hbm>>
    tpu.enqueue_dma source(%arg9 : memref<16x768xf32, #tpu.memory_space<vmem>>) target(%dma_start3A_498 : memref<16x768xf32, #tpu.memory_space<hbm>>) target_semaphore(%arg25 : memref<!tpu.dma_semaphore, #tpu.memory_space<semaphore_mem>>)
    %add3A_499 = arith.constant 48 : i32
    %add3A_500 = arith.addi %mul3A_2, %add3A_499 : i32
    %dma_wait3A_501 = arith.constant 0 : i32
    %dma_wait3A_502 = tpu.memref_slice %arg4[%add3A_500, %dma_wait3A_501] : memref<16384x768xf32, #tpu.memory_space<hbm>> -> memref<16x768xf32, #tpu.memory_space<hbm>>
    %dma_wait3A_503 = arith.constant 0 : i32
    %dma_wait3A_504 = tpu.memref_slice %arg4[%add3A_500, %dma_wait3A_503] : memref<16384x768xf32, #tpu.memory_space<hbm>> -> memref<16x768xf32, #tpu.memory_space<hbm>>
    tpu.wait_dma2 semaphore(%arg25 : memref<!tpu.dma_semaphore, #tpu.memory_space<semaphore_mem>>) src(%arg9 : memref<16x768xf32, #tpu.memory_space<vmem>>) dst(%dma_wait3A_504 : memref<16x768xf32, #tpu.memory_space<hbm>>)
    %dma_start3A_505 = arith.constant 176 : i32
    %dma_start3A_506 = tpu.memref_slice %arg5[%dma_start3A_505] : memref<512xi32, #tpu.memory_space<vmem>> -> memref<16xi32, #tpu.memory_space<vmem>>
    %dma_start3A_507 = arith.constant 0 : i32
    %dma_start3A_508 = arith.constant 0 : i32
    %dma_start3A_509 = tpu.memref_slice %arg2[%dma_start3A_507, %dma_start3A_508] : memref<2048x768xf32, #tpu.memory_space<hbm>> -> memref<2048x768xf32, #tpu.memory_space<hbm>>
    tpu.enqueue_indirect_dma source(%dma_start3A_509 : memref<2048x768xf32, #tpu.memory_space<hbm>>) target(%arg9 : memref<16x768xf32, #tpu.memory_space<vmem>>) offsets(%dma_start3A_506 : memref<16xi32, #tpu.memory_space<vmem>>) semaphore(%arg17 : memref<!tpu.dma_semaphore, #tpu.memory_space<semaphore_mem>>)
    %dma_wait3A_510 = arith.constant 64 : i32
    %dma_wait3A_511 = tpu.memref_slice %arg5[%dma_wait3A_510] : memref<512xi32, #tpu.memory_space<vmem>> -> memref<16xi32, #tpu.memory_space<vmem>>
    %dma_wait3A_512 = arith.constant 0 : i32
    %dma_wait3A_513 = arith.constant 0 : i32
    %dma_wait3A_514 = tpu.memref_slice %arg2[%dma_wait3A_512, %dma_wait3A_513] : memref<2048x768xf32, #tpu.memory_space<hbm>> -> memref<2048x768xf32, #tpu.memory_space<hbm>>
    tpu.wait_indirect_dma semaphore(%arg18 : memref<!tpu.dma_semaphore, #tpu.memory_space<semaphore_mem>>) src(%dma_wait3A_514 : memref<2048x768xf32, #tpu.memory_space<hbm>>) dst(%arg10 : memref<16x768xf32, #tpu.memory_space<vmem>>)
    %add3A_515 = arith.constant 64 : i32
    %add3A_516 = arith.addi %mul3A_2, %add3A_515 : i32
    %dma_start3A_517 = arith.constant 0 : i32
    %dma_start3A_518 = tpu.memref_slice %arg4[%add3A_516, %dma_start3A_517] : memref<16384x768xf32, #tpu.memory_space<hbm>> -> memref<16x768xf32, #tpu.memory_space<hbm>>
    %dma_start3A_519 = arith.constant 0 : i32
    %dma_start3A_520 = tpu.memref_slice %arg4[%add3A_516, %dma_start3A_519] : memref<16384x768xf32, #tpu.memory_space<hbm>> -> memref<16x768xf32, #tpu.memory_space<hbm>>
    tpu.enqueue_dma source(%arg10 : memref<16x768xf32, #tpu.memory_space<vmem>>) target(%dma_start3A_520 : memref<16x768xf32, #tpu.memory_space<hbm>>) target_semaphore(%arg26 : memref<!tpu.dma_semaphore, #tpu.memory_space<semaphore_mem>>)
    %add3A_521 = arith.constant 64 : i32
    %add3A_522 = arith.addi %mul3A_2, %add3A_521 : i32
    %dma_wait3A_523 = arith.constant 0 : i32
    %dma_wait3A_524 = tpu.memref_slice %arg4[%add3A_522, %dma_wait3A_523] : memref<16384x768xf32, #tpu.memory_space<hbm>> -> memref<16x768xf32, #tpu.memory_space<hbm>>
    %dma_wait3A_525 = arith.constant 0 : i32
    %dma_wait3A_526 = tpu.memref_slice %arg4[%add3A_522, %dma_wait3A_525] : memref<16384x768xf32, #tpu.memory_space<hbm>> -> memref<16x768xf32, #tpu.memory_space<hbm>>
    tpu.wait_dma2 semaphore(%arg26 : memref<!tpu.dma_semaphore, #tpu.memory_space<semaphore_mem>>) src(%arg10 : memref<16x768xf32, #tpu.memory_space<vmem>>) dst(%dma_wait3A_526 : memref<16x768xf32, #tpu.memory_space<hbm>>)
    %dma_start3A_527 = arith.constant 192 : i32
    %dma_start3A_528 = tpu.memref_slice %arg5[%dma_start3A_527] : memref<512xi32, #tpu.memory_space<vmem>> -> memref<16xi32, #tpu.memory_space<vmem>>
    %dma_start3A_529 = arith.constant 0 : i32
    %dma_start3A_530 = arith.constant 0 : i32
    %dma_start3A_531 = tpu.memref_slice %arg2[%dma_start3A_529, %dma_start3A_530] : memref<2048x768xf32, #tpu.memory_space<hbm>> -> memref<2048x768xf32, #tpu.memory_space<hbm>>
    tpu.enqueue_indirect_dma source(%dma_start3A_531 : memref<2048x768xf32, #tpu.memory_space<hbm>>) target(%arg10 : memref<16x768xf32, #tpu.memory_space<vmem>>) offsets(%dma_start3A_528 : memref<16xi32, #tpu.memory_space<vmem>>) semaphore(%arg18 : memref<!tpu.dma_semaphore, #tpu.memory_space<semaphore_mem>>)
    %dma_wait3A_532 = arith.constant 80 : i32
    %dma_wait3A_533 = tpu.memref_slice %arg5[%dma_wait3A_532] : memref<512xi32, #tpu.memory_space<vmem>> -> memref<16xi32, #tpu.memory_space<vmem>>
    %dma_wait3A_534 = arith.constant 0 : i32
    %dma_wait3A_535 = arith.constant 0 : i32
    %dma_wait3A_536 = tpu.memref_slice %arg2[%dma_wait3A_534, %dma_wait3A_535] : memref<2048x768xf32, #tpu.memory_space<hbm>> -> memref<2048x768xf32, #tpu.memory_space<hbm>>
    tpu.wait_indirect_dma semaphore(%arg19 : memref<!tpu.dma_semaphore, #tpu.memory_space<semaphore_mem>>) src(%dma_wait3A_536 : memref<2048x768xf32, #tpu.memory_space<hbm>>) dst(%arg11 : memref<16x768xf32, #tpu.memory_space<vmem>>)
    %add3A_537 = arith.constant 80 : i32
    %add3A_538 = arith.addi %mul3A_2, %add3A_537 : i32
    %dma_start3A_539 = arith.constant 0 : i32
    %dma_start3A_540 = tpu.memref_slice %arg4[%add3A_538, %dma_start3A_539] : memref<16384x768xf32, #tpu.memory_space<hbm>> -> memref<16x768xf32, #tpu.memory_space<hbm>>
    %dma_start3A_541 = arith.constant 0 : i32
    %dma_start3A_542 = tpu.memref_slice %arg4[%add3A_538, %dma_start3A_541] : memref<16384x768xf32, #tpu.memory_space<hbm>> -> memref<16x768xf32, #tpu.memory_space<hbm>>
    tpu.enqueue_dma source(%arg11 : memref<16x768xf32, #tpu.memory_space<vmem>>) target(%dma_start3A_542 : memref<16x768xf32, #tpu.memory_space<hbm>>) target_semaphore(%arg27 : memref<!tpu.dma_semaphore, #tpu.memory_space<semaphore_mem>>)
    %add3A_543 = arith.constant 80 : i32
    %add3A_544 = arith.addi %mul3A_2, %add3A_543 : i32
    %dma_wait3A_545 = arith.constant 0 : i32
    %dma_wait3A_546 = tpu.memref_slice %arg4[%add3A_544, %dma_wait3A_545] : memref<16384x768xf32, #tpu.memory_space<hbm>> -> memref<16x768xf32, #tpu.memory_space<hbm>>
    %dma_wait3A_547 = arith.constant 0 : i32
    %dma_wait3A_548 = tpu.memref_slice %arg4[%add3A_544, %dma_wait3A_547] : memref<16384x768xf32, #tpu.memory_space<hbm>> -> memref<16x768xf32, #tpu.memory_space<hbm>>
    tpu.wait_dma2 semaphore(%arg27 : memref<!tpu.dma_semaphore, #tpu.memory_space<semaphore_mem>>) src(%arg11 : memref<16x768xf32, #tpu.memory_space<vmem>>) dst(%dma_wait3A_548 : memref<16x768xf32, #tpu.memory_space<hbm>>)
    %dma_start3A_549 = arith.constant 208 : i32
    %dma_start3A_550 = tpu.memref_slice %arg5[%dma_start3A_549] : memref<512xi32, #tpu.memory_space<vmem>> -> memref<16xi32, #tpu.memory_space<vmem>>
    %dma_start3A_551 = arith.constant 0 : i32
    %dma_start3A_552 = arith.constant 0 : i32
    %dma_start3A_553 = tpu.memref_slice %arg2[%dma_start3A_551, %dma_start3A_552] : memref<2048x768xf32, #tpu.memory_space<hbm>> -> memref<2048x768xf32, #tpu.memory_space<hbm>>
    tpu.enqueue_indirect_dma source(%dma_start3A_553 : memref<2048x768xf32, #tpu.memory_space<hbm>>) target(%arg11 : memref<16x768xf32, #tpu.memory_space<vmem>>) offsets(%dma_start3A_550 : memref<16xi32, #tpu.memory_space<vmem>>) semaphore(%arg19 : memref<!tpu.dma_semaphore, #tpu.memory_space<semaphore_mem>>)
    %dma_wait3A_554 = arith.constant 96 : i32
    %dma_wait3A_555 = tpu.memref_slice %arg5[%dma_wait3A_554] : memref<512xi32, #tpu.memory_space<vmem>> -> memref<16xi32, #tpu.memory_space<vmem>>
    %dma_wait3A_556 = arith.constant 0 : i32
    %dma_wait3A_557 = arith.constant 0 : i32
    %dma_wait3A_558 = tpu.memref_slice %arg2[%dma_wait3A_556, %dma_wait3A_557] : memref<2048x768xf32, #tpu.memory_space<hbm>> -> memref<2048x768xf32, #tpu.memory_space<hbm>>
    tpu.wait_indirect_dma semaphore(%arg20 : memref<!tpu.dma_semaphore, #tpu.memory_space<semaphore_mem>>) src(%dma_wait3A_558 : memref<2048x768xf32, #tpu.memory_space<hbm>>) dst(%arg12 : memref<16x768xf32, #tpu.memory_space<vmem>>)
    %add3A_559 = arith.constant 96 : i32
    %add3A_560 = arith.addi %mul3A_2, %add3A_559 : i32
    %dma_start3A_561 = arith.constant 0 : i32
    %dma_start3A_562 = tpu.memref_slice %arg4[%add3A_560, %dma_start3A_561] : memref<16384x768xf32, #tpu.memory_space<hbm>> -> memref<16x768xf32, #tpu.memory_space<hbm>>
    %dma_start3A_563 = arith.constant 0 : i32
    %dma_start3A_564 = tpu.memref_slice %arg4[%add3A_560, %dma_start3A_563] : memref<16384x768xf32, #tpu.memory_space<hbm>> -> memref<16x768xf32, #tpu.memory_space<hbm>>
    tpu.enqueue_dma source(%arg12 : memref<16x768xf32, #tpu.memory_space<vmem>>) target(%dma_start3A_564 : memref<16x768xf32, #tpu.memory_space<hbm>>) target_semaphore(%arg28 : memref<!tpu.dma_semaphore, #tpu.memory_space<semaphore_mem>>)
    %add3A_565 = arith.constant 96 : i32
    %add3A_566 = arith.addi %mul3A_2, %add3A_565 : i32
    %dma_wait3A_567 = arith.constant 0 : i32
    %dma_wait3A_568 = tpu.memref_slice %arg4[%add3A_566, %dma_wait3A_567] : memref<16384x768xf32, #tpu.memory_space<hbm>> -> memref<16x768xf32, #tpu.memory_space<hbm>>
    %dma_wait3A_569 = arith.constant 0 : i32
    %dma_wait3A_570 = tpu.memref_slice %arg4[%add3A_566, %dma_wait3A_569] : memref<16384x768xf32, #tpu.memory_space<hbm>> -> memref<16x768xf32, #tpu.memory_space<hbm>>
    tpu.wait_dma2 semaphore(%arg28 : memref<!tpu.dma_semaphore, #tpu.memory_space<semaphore_mem>>) src(%arg12 : memref<16x768xf32, #tpu.memory_space<vmem>>) dst(%dma_wait3A_570 : memref<16x768xf32, #tpu.memory_space<hbm>>)
    %dma_start3A_571 = arith.constant 224 : i32
    %dma_start3A_572 = tpu.memref_slice %arg5[%dma_start3A_571] : memref<512xi32, #tpu.memory_space<vmem>> -> memref<16xi32, #tpu.memory_space<vmem>>
    %dma_start3A_573 = arith.constant 0 : i32
    %dma_start3A_574 = arith.constant 0 : i32
    %dma_start3A_575 = tpu.memref_slice %arg2[%dma_start3A_573, %dma_start3A_574] : memref<2048x768xf32, #tpu.memory_space<hbm>> -> memref<2048x768xf32, #tpu.memory_space<hbm>>
    tpu.enqueue_indirect_dma source(%dma_start3A_575 : memref<2048x768xf32, #tpu.memory_space<hbm>>) target(%arg12 : memref<16x768xf32, #tpu.memory_space<vmem>>) offsets(%dma_start3A_572 : memref<16xi32, #tpu.memory_space<vmem>>) semaphore(%arg20 : memref<!tpu.dma_semaphore, #tpu.memory_space<semaphore_mem>>)
    %dma_wait3A_576 = arith.constant 112 : i32
    %dma_wait3A_577 = tpu.memref_slice %arg5[%dma_wait3A_576] : memref<512xi32, #tpu.memory_space<vmem>> -> memref<16xi32, #tpu.memory_space<vmem>>
    %dma_wait3A_578 = arith.constant 0 : i32
    %dma_wait3A_579 = arith.constant 0 : i32
    %dma_wait3A_580 = tpu.memref_slice %arg2[%dma_wait3A_578, %dma_wait3A_579] : memref<2048x768xf32, #tpu.memory_space<hbm>> -> memref<2048x768xf32, #tpu.memory_space<hbm>>
    tpu.wait_indirect_dma semaphore(%arg21 : memref<!tpu.dma_semaphore, #tpu.memory_space<semaphore_mem>>) src(%dma_wait3A_580 : memref<2048x768xf32, #tpu.memory_space<hbm>>) dst(%arg13 : memref<16x768xf32, #tpu.memory_space<vmem>>)
    %add3A_581 = arith.constant 112 : i32
    %add3A_582 = arith.addi %mul3A_2, %add3A_581 : i32
    %dma_start3A_583 = arith.constant 0 : i32
    %dma_start3A_584 = tpu.memref_slice %arg4[%add3A_582, %dma_start3A_583] : memref<16384x768xf32, #tpu.memory_space<hbm>> -> memref<16x768xf32, #tpu.memory_space<hbm>>
    %dma_start3A_585 = arith.constant 0 : i32
    %dma_start3A_586 = tpu.memref_slice %arg4[%add3A_582, %dma_start3A_585] : memref<16384x768xf32, #tpu.memory_space<hbm>> -> memref<16x768xf32, #tpu.memory_space<hbm>>
    tpu.enqueue_dma source(%arg13 : memref<16x768xf32, #tpu.memory_space<vmem>>) target(%dma_start3A_586 : memref<16x768xf32, #tpu.memory_space<hbm>>) target_semaphore(%arg29 : memref<!tpu.dma_semaphore, #tpu.memory_space<semaphore_mem>>)
    %add3A_587 = arith.constant 112 : i32
    %add3A_588 = arith.addi %mul3A_2, %add3A_587 : i32
    %dma_wait3A_589 = arith.constant 0 : i32
    %dma_wait3A_590 = tpu.memref_slice %arg4[%add3A_588, %dma_wait3A_589] : memref<16384x768xf32, #tpu.memory_space<hbm>> -> memref<16x768xf32, #tpu.memory_space<hbm>>
    %dma_wait3A_591 = arith.constant 0 : i32
    %dma_wait3A_592 = tpu.memref_slice %arg4[%add3A_588, %dma_wait3A_591] : memref<16384x768xf32, #tpu.memory_space<hbm>> -> memref<16x768xf32, #tpu.memory_space<hbm>>
    tpu.wait_dma2 semaphore(%arg29 : memref<!tpu.dma_semaphore, #tpu.memory_space<semaphore_mem>>) src(%arg13 : memref<16x768xf32, #tpu.memory_space<vmem>>) dst(%dma_wait3A_592 : memref<16x768xf32, #tpu.memory_space<hbm>>)
    %dma_start3A_593 = arith.constant 240 : i32
    %dma_start3A_594 = tpu.memref_slice %arg5[%dma_start3A_593] : memref<512xi32, #tpu.memory_space<vmem>> -> memref<16xi32, #tpu.memory_space<vmem>>
    %dma_start3A_595 = arith.constant 0 : i32
    %dma_start3A_596 = arith.constant 0 : i32
    %dma_start3A_597 = tpu.memref_slice %arg2[%dma_start3A_595, %dma_start3A_596] : memref<2048x768xf32, #tpu.memory_space<hbm>> -> memref<2048x768xf32, #tpu.memory_space<hbm>>
    tpu.enqueue_indirect_dma source(%dma_start3A_597 : memref<2048x768xf32, #tpu.memory_space<hbm>>) target(%arg13 : memref<16x768xf32, #tpu.memory_space<vmem>>) offsets(%dma_start3A_594 : memref<16xi32, #tpu.memory_space<vmem>>) semaphore(%arg21 : memref<!tpu.dma_semaphore, #tpu.memory_space<semaphore_mem>>)
    %dma_wait3A_598 = arith.constant 128 : i32
    %dma_wait3A_599 = tpu.memref_slice %arg5[%dma_wait3A_598] : memref<512xi32, #tpu.memory_space<vmem>> -> memref<16xi32, #tpu.memory_space<vmem>>
    %dma_wait3A_600 = arith.constant 0 : i32
    %dma_wait3A_601 = arith.constant 0 : i32
    %dma_wait3A_602 = tpu.memref_slice %arg2[%dma_wait3A_600, %dma_wait3A_601] : memref<2048x768xf32, #tpu.memory_space<hbm>> -> memref<2048x768xf32, #tpu.memory_space<hbm>>
    tpu.wait_indirect_dma semaphore(%arg14 : memref<!tpu.dma_semaphore, #tpu.memory_space<semaphore_mem>>) src(%dma_wait3A_602 : memref<2048x768xf32, #tpu.memory_space<hbm>>) dst(%arg6 : memref<16x768xf32, #tpu.memory_space<vmem>>)
    %add3A_603 = arith.constant 128 : i32
    %add3A_604 = arith.addi %mul3A_2, %add3A_603 : i32
    %dma_start3A_605 = arith.constant 0 : i32
    %dma_start3A_606 = tpu.memref_slice %arg4[%add3A_604, %dma_start3A_605] : memref<16384x768xf32, #tpu.memory_space<hbm>> -> memref<16x768xf32, #tpu.memory_space<hbm>>
    %dma_start3A_607 = arith.constant 0 : i32
    %dma_start3A_608 = tpu.memref_slice %arg4[%add3A_604, %dma_start3A_607] : memref<16384x768xf32, #tpu.memory_space<hbm>> -> memref<16x768xf32, #tpu.memory_space<hbm>>
    tpu.enqueue_dma source(%arg6 : memref<16x768xf32, #tpu.memory_space<vmem>>) target(%dma_start3A_608 : memref<16x768xf32, #tpu.memory_space<hbm>>) target_semaphore(%arg22 : memref<!tpu.dma_semaphore, #tpu.memory_space<semaphore_mem>>)
    %add3A_609 = arith.constant 128 : i32
    %add3A_610 = arith.addi %mul3A_2, %add3A_609 : i32
    %dma_wait3A_611 = arith.constant 0 : i32
    %dma_wait3A_612 = tpu.memref_slice %arg4[%add3A_610, %dma_wait3A_611] : memref<16384x768xf32, #tpu.memory_space<hbm>> -> memref<16x768xf32, #tpu.memory_space<hbm>>
    %dma_wait3A_613 = arith.constant 0 : i32
    %dma_wait3A_614 = tpu.memref_slice %arg4[%add3A_610, %dma_wait3A_613] : memref<16384x768xf32, #tpu.memory_space<hbm>> -> memref<16x768xf32, #tpu.memory_space<hbm>>
    tpu.wait_dma2 semaphore(%arg22 : memref<!tpu.dma_semaphore, #tpu.memory_space<semaphore_mem>>) src(%arg6 : memref<16x768xf32, #tpu.memory_space<vmem>>) dst(%dma_wait3A_614 : memref<16x768xf32, #tpu.memory_space<hbm>>)
    %dma_start3A_615 = arith.constant 256 : i32
    %dma_start3A_616 = tpu.memref_slice %arg5[%dma_start3A_615] : memref<512xi32, #tpu.memory_space<vmem>> -> memref<16xi32, #tpu.memory_space<vmem>>
    %dma_start3A_617 = arith.constant 0 : i32
    %dma_start3A_618 = arith.constant 0 : i32
    %dma_start3A_619 = tpu.memref_slice %arg2[%dma_start3A_617, %dma_start3A_618] : memref<2048x768xf32, #tpu.memory_space<hbm>> -> memref<2048x768xf32, #tpu.memory_space<hbm>>
    tpu.enqueue_indirect_dma source(%dma_start3A_619 : memref<2048x768xf32, #tpu.memory_space<hbm>>) target(%arg6 : memref<16x768xf32, #tpu.memory_space<vmem>>) offsets(%dma_start3A_616 : memref<16xi32, #tpu.memory_space<vmem>>) semaphore(%arg14 : memref<!tpu.dma_semaphore, #tpu.memory_space<semaphore_mem>>)
    %dma_wait3A_620 = arith.constant 144 : i32
    %dma_wait3A_621 = tpu.memref_slice %arg5[%dma_wait3A_620] : memref<512xi32, #tpu.memory_space<vmem>> -> memref<16xi32, #tpu.memory_space<vmem>>
    %dma_wait3A_622 = arith.constant 0 : i32
    %dma_wait3A_623 = arith.constant 0 : i32
    %dma_wait3A_624 = tpu.memref_slice %arg2[%dma_wait3A_622, %dma_wait3A_623] : memref<2048x768xf32, #tpu.memory_space<hbm>> -> memref<2048x768xf32, #tpu.memory_space<hbm>>
    tpu.wait_indirect_dma semaphore(%arg15 : memref<!tpu.dma_semaphore, #tpu.memory_space<semaphore_mem>>) src(%dma_wait3A_624 : memref<2048x768xf32, #tpu.memory_space<hbm>>) dst(%arg7 : memref<16x768xf32, #tpu.memory_space<vmem>>)
    %add3A_625 = arith.constant 144 : i32
    %add3A_626 = arith.addi %mul3A_2, %add3A_625 : i32
    %dma_start3A_627 = arith.constant 0 : i32
    %dma_start3A_628 = tpu.memref_slice %arg4[%add3A_626, %dma_start3A_627] : memref<16384x768xf32, #tpu.memory_space<hbm>> -> memref<16x768xf32, #tpu.memory_space<hbm>>
    %dma_start3A_629 = arith.constant 0 : i32
    %dma_start3A_630 = tpu.memref_slice %arg4[%add3A_626, %dma_start3A_629] : memref<16384x768xf32, #tpu.memory_space<hbm>> -> memref<16x768xf32, #tpu.memory_space<hbm>>
    tpu.enqueue_dma source(%arg7 : memref<16x768xf32, #tpu.memory_space<vmem>>) target(%dma_start3A_630 : memref<16x768xf32, #tpu.memory_space<hbm>>) target_semaphore(%arg23 : memref<!tpu.dma_semaphore, #tpu.memory_space<semaphore_mem>>)
    %add3A_631 = arith.constant 144 : i32
    %add3A_632 = arith.addi %mul3A_2, %add3A_631 : i32
    %dma_wait3A_633 = arith.constant 0 : i32
    %dma_wait3A_634 = tpu.memref_slice %arg4[%add3A_632, %dma_wait3A_633] : memref<16384x768xf32, #tpu.memory_space<hbm>> -> memref<16x768xf32, #tpu.memory_space<hbm>>
    %dma_wait3A_635 = arith.constant 0 : i32
    %dma_wait3A_636 = tpu.memref_slice %arg4[%add3A_632, %dma_wait3A_635] : memref<16384x768xf32, #tpu.memory_space<hbm>> -> memref<16x768xf32, #tpu.memory_space<hbm>>
    tpu.wait_dma2 semaphore(%arg23 : memref<!tpu.dma_semaphore, #tpu.memory_space<semaphore_mem>>) src(%arg7 : memref<16x768xf32, #tpu.memory_space<vmem>>) dst(%dma_wait3A_636 : memref<16x768xf32, #tpu.memory_space<hbm>>)
    %dma_start3A_637 = arith.constant 272 : i32
    %dma_start3A_638 = tpu.memref_slice %arg5[%dma_start3A_637] : memref<512xi32, #tpu.memory_space<vmem>> -> memref<16xi32, #tpu.memory_space<vmem>>
    %dma_start3A_639 = arith.constant 0 : i32
    %dma_start3A_640 = arith.constant 0 : i32
    %dma_start3A_641 = tpu.memref_slice %arg2[%dma_start3A_639, %dma_start3A_640] : memref<2048x768xf32, #tpu.memory_space<hbm>> -> memref<2048x768xf32, #tpu.memory_space<hbm>>
    tpu.enqueue_indirect_dma source(%dma_start3A_641 : memref<2048x768xf32, #tpu.memory_space<hbm>>) target(%arg7 : memref<16x768xf32, #tpu.memory_space<vmem>>) offsets(%dma_start3A_638 : memref<16xi32, #tpu.memory_space<vmem>>) semaphore(%arg15 : memref<!tpu.dma_semaphore, #tpu.memory_space<semaphore_mem>>)
    %dma_wait3A_642 = arith.constant 160 : i32
    %dma_wait3A_643 = tpu.memref_slice %arg5[%dma_wait3A_642] : memref<512xi32, #tpu.memory_space<vmem>> -> memref<16xi32, #tpu.memory_space<vmem>>
    %dma_wait3A_644 = arith.constant 0 : i32
    %dma_wait3A_645 = arith.constant 0 : i32
    %dma_wait3A_646 = tpu.memref_slice %arg2[%dma_wait3A_644, %dma_wait3A_645] : memref<2048x768xf32, #tpu.memory_space<hbm>> -> memref<2048x768xf32, #tpu.memory_space<hbm>>
    tpu.wait_indirect_dma semaphore(%arg16 : memref<!tpu.dma_semaphore, #tpu.memory_space<semaphore_mem>>) src(%dma_wait3A_646 : memref<2048x768xf32, #tpu.memory_space<hbm>>) dst(%arg8 : memref<16x768xf32, #tpu.memory_space<vmem>>)
    %add3A_647 = arith.constant 160 : i32
    %add3A_648 = arith.addi %mul3A_2, %add3A_647 : i32
    %dma_start3A_649 = arith.constant 0 : i32
    %dma_start3A_650 = tpu.memref_slice %arg4[%add3A_648, %dma_start3A_649] : memref<16384x768xf32, #tpu.memory_space<hbm>> -> memref<16x768xf32, #tpu.memory_space<hbm>>
    %dma_start3A_651 = arith.constant 0 : i32
    %dma_start3A_652 = tpu.memref_slice %arg4[%add3A_648, %dma_start3A_651] : memref<16384x768xf32, #tpu.memory_space<hbm>> -> memref<16x768xf32, #tpu.memory_space<hbm>>
    tpu.enqueue_dma source(%arg8 : memref<16x768xf32, #tpu.memory_space<vmem>>) target(%dma_start3A_652 : memref<16x768xf32, #tpu.memory_space<hbm>>) target_semaphore(%arg24 : memref<!tpu.dma_semaphore, #tpu.memory_space<semaphore_mem>>)
    %add3A_653 = arith.constant 160 : i32
    %add3A_654 = arith.addi %mul3A_2, %add3A_653 : i32
    %dma_wait3A_655 = arith.constant 0 : i32
    %dma_wait3A_656 = tpu.memref_slice %arg4[%add3A_654, %dma_wait3A_655] : memref<16384x768xf32, #tpu.memory_space<hbm>> -> memref<16x768xf32, #tpu.memory_space<hbm>>
    %dma_wait3A_657 = arith.constant 0 : i32
    %dma_wait3A_658 = tpu.memref_slice %arg4[%add3A_654, %dma_wait3A_657] : memref<16384x768xf32, #tpu.memory_space<hbm>> -> memref<16x768xf32, #tpu.memory_space<hbm>>
    tpu.wait_dma2 semaphore(%arg24 : memref<!tpu.dma_semaphore, #tpu.memory_space<semaphore_mem>>) src(%arg8 : memref<16x768xf32, #tpu.memory_space<vmem>>) dst(%dma_wait3A_658 : memref<16x768xf32, #tpu.memory_space<hbm>>)
    %dma_start3A_659 = arith.constant 288 : i32
    %dma_start3A_660 = tpu.memref_slice %arg5[%dma_start3A_659] : memref<512xi32, #tpu.memory_space<vmem>> -> memref<16xi32, #tpu.memory_space<vmem>>
    %dma_start3A_661 = arith.constant 0 : i32
    %dma_start3A_662 = arith.constant 0 : i32
    %dma_start3A_663 = tpu.memref_slice %arg2[%dma_start3A_661, %dma_start3A_662] : memref<2048x768xf32, #tpu.memory_space<hbm>> -> memref<2048x768xf32, #tpu.memory_space<hbm>>
    tpu.enqueue_indirect_dma source(%dma_start3A_663 : memref<2048x768xf32, #tpu.memory_space<hbm>>) target(%arg8 : memref<16x768xf32, #tpu.memory_space<vmem>>) offsets(%dma_start3A_660 : memref<16xi32, #tpu.memory_space<vmem>>) semaphore(%arg16 : memref<!tpu.dma_semaphore, #tpu.memory_space<semaphore_mem>>)
    %dma_wait3A_664 = arith.constant 176 : i32
    %dma_wait3A_665 = tpu.memref_slice %arg5[%dma_wait3A_664] : memref<512xi32, #tpu.memory_space<vmem>> -> memref<16xi32, #tpu.memory_space<vmem>>
    %dma_wait3A_666 = arith.constant 0 : i32
    %dma_wait3A_667 = arith.constant 0 : i32
    %dma_wait3A_668 = tpu.memref_slice %arg2[%dma_wait3A_666, %dma_wait3A_667] : memref<2048x768xf32, #tpu.memory_space<hbm>> -> memref<2048x768xf32, #tpu.memory_space<hbm>>
    tpu.wait_indirect_dma semaphore(%arg17 : memref<!tpu.dma_semaphore, #tpu.memory_space<semaphore_mem>>) src(%dma_wait3A_668 : memref<2048x768xf32, #tpu.memory_space<hbm>>) dst(%arg9 : memref<16x768xf32, #tpu.memory_space<vmem>>)
    %add3A_669 = arith.constant 176 : i32
    %add3A_670 = arith.addi %mul3A_2, %add3A_669 : i32
    %dma_start3A_671 = arith.constant 0 : i32
    %dma_start3A_672 = tpu.memref_slice %arg4[%add3A_670, %dma_start3A_671] : memref<16384x768xf32, #tpu.memory_space<hbm>> -> memref<16x768xf32, #tpu.memory_space<hbm>>
    %dma_start3A_673 = arith.constant 0 : i32
    %dma_start3A_674 = tpu.memref_slice %arg4[%add3A_670, %dma_start3A_673] : memref<16384x768xf32, #tpu.memory_space<hbm>> -> memref<16x768xf32, #tpu.memory_space<hbm>>
    tpu.enqueue_dma source(%arg9 : memref<16x768xf32, #tpu.memory_space<vmem>>) target(%dma_start3A_674 : memref<16x768xf32, #tpu.memory_space<hbm>>) target_semaphore(%arg25 : memref<!tpu.dma_semaphore, #tpu.memory_space<semaphore_mem>>)
    %add3A_675 = arith.constant 176 : i32
    %add3A_676 = arith.addi %mul3A_2, %add3A_675 : i32
    %dma_wait3A_677 = arith.constant 0 : i32
    %dma_wait3A_678 = tpu.memref_slice %arg4[%add3A_676, %dma_wait3A_677] : memref<16384x768xf32, #tpu.memory_space<hbm>> -> memref<16x768xf32, #tpu.memory_space<hbm>>
    %dma_wait3A_679 = arith.constant 0 : i32
    %dma_wait3A_680 = tpu.memref_slice %arg4[%add3A_676, %dma_wait3A_679] : memref<16384x768xf32, #tpu.memory_space<hbm>> -> memref<16x768xf32, #tpu.memory_space<hbm>>
    tpu.wait_dma2 semaphore(%arg25 : memref<!tpu.dma_semaphore, #tpu.memory_space<semaphore_mem>>) src(%arg9 : memref<16x768xf32, #tpu.memory_space<vmem>>) dst(%dma_wait3A_680 : memref<16x768xf32, #tpu.memory_space<hbm>>)
    %dma_start3A_681 = arith.constant 304 : i32
    %dma_start3A_682 = tpu.memref_slice %arg5[%dma_start3A_681] : memref<512xi32, #tpu.memory_space<vmem>> -> memref<16xi32, #tpu.memory_space<vmem>>
    %dma_start3A_683 = arith.constant 0 : i32
    %dma_start3A_684 = arith.constant 0 : i32
    %dma_start3A_685 = tpu.memref_slice %arg2[%dma_start3A_683, %dma_start3A_684] : memref<2048x768xf32, #tpu.memory_space<hbm>> -> memref<2048x768xf32, #tpu.memory_space<hbm>>
    tpu.enqueue_indirect_dma source(%dma_start3A_685 : memref<2048x768xf32, #tpu.memory_space<hbm>>) target(%arg9 : memref<16x768xf32, #tpu.memory_space<vmem>>) offsets(%dma_start3A_682 : memref<16xi32, #tpu.memory_space<vmem>>) semaphore(%arg17 : memref<!tpu.dma_semaphore, #tpu.memory_space<semaphore_mem>>)
    %dma_wait3A_686 = arith.constant 192 : i32
    %dma_wait3A_687 = tpu.memref_slice %arg5[%dma_wait3A_686] : memref<512xi32, #tpu.memory_space<vmem>> -> memref<16xi32, #tpu.memory_space<vmem>>
    %dma_wait3A_688 = arith.constant 0 : i32
    %dma_wait3A_689 = arith.constant 0 : i32
    %dma_wait3A_690 = tpu.memref_slice %arg2[%dma_wait3A_688, %dma_wait3A_689] : memref<2048x768xf32, #tpu.memory_space<hbm>> -> memref<2048x768xf32, #tpu.memory_space<hbm>>
    tpu.wait_indirect_dma semaphore(%arg18 : memref<!tpu.dma_semaphore, #tpu.memory_space<semaphore_mem>>) src(%dma_wait3A_690 : memref<2048x768xf32, #tpu.memory_space<hbm>>) dst(%arg10 : memref<16x768xf32, #tpu.memory_space<vmem>>)
    %add3A_691 = arith.constant 192 : i32
    %add3A_692 = arith.addi %mul3A_2, %add3A_691 : i32
    %dma_start3A_693 = arith.constant 0 : i32
    %dma_start3A_694 = tpu.memref_slice %arg4[%add3A_692, %dma_start3A_693] : memref<16384x768xf32, #tpu.memory_space<hbm>> -> memref<16x768xf32, #tpu.memory_space<hbm>>
    %dma_start3A_695 = arith.constant 0 : i32
    %dma_start3A_696 = tpu.memref_slice %arg4[%add3A_692, %dma_start3A_695] : memref<16384x768xf32, #tpu.memory_space<hbm>> -> memref<16x768xf32, #tpu.memory_space<hbm>>
    tpu.enqueue_dma source(%arg10 : memref<16x768xf32, #tpu.memory_space<vmem>>) target(%dma_start3A_696 : memref<16x768xf32, #tpu.memory_space<hbm>>) target_semaphore(%arg26 : memref<!tpu.dma_semaphore, #tpu.memory_space<semaphore_mem>>)
    %add3A_697 = arith.constant 192 : i32
    %add3A_698 = arith.addi %mul3A_2, %add3A_697 : i32
    %dma_wait3A_699 = arith.constant 0 : i32
    %dma_wait3A_700 = tpu.memref_slice %arg4[%add3A_698, %dma_wait3A_699] : memref<16384x768xf32, #tpu.memory_space<hbm>> -> memref<16x768xf32, #tpu.memory_space<hbm>>
    %dma_wait3A_701 = arith.constant 0 : i32
    %dma_wait3A_702 = tpu.memref_slice %arg4[%add3A_698, %dma_wait3A_701] : memref<16384x768xf32, #tpu.memory_space<hbm>> -> memref<16x768xf32, #tpu.memory_space<hbm>>
    tpu.wait_dma2 semaphore(%arg26 : memref<!tpu.dma_semaphore, #tpu.memory_space<semaphore_mem>>) src(%arg10 : memref<16x768xf32, #tpu.memory_space<vmem>>) dst(%dma_wait3A_702 : memref<16x768xf32, #tpu.memory_space<hbm>>)
    %dma_start3A_703 = arith.constant 320 : i32
    %dma_start3A_704 = tpu.memref_slice %arg5[%dma_start3A_703] : memref<512xi32, #tpu.memory_space<vmem>> -> memref<16xi32, #tpu.memory_space<vmem>>
    %dma_start3A_705 = arith.constant 0 : i32
    %dma_start3A_706 = arith.constant 0 : i32
    %dma_start3A_707 = tpu.memref_slice %arg2[%dma_start3A_705, %dma_start3A_706] : memref<2048x768xf32, #tpu.memory_space<hbm>> -> memref<2048x768xf32, #tpu.memory_space<hbm>>
    tpu.enqueue_indirect_dma source(%dma_start3A_707 : memref<2048x768xf32, #tpu.memory_space<hbm>>) target(%arg10 : memref<16x768xf32, #tpu.memory_space<vmem>>) offsets(%dma_start3A_704 : memref<16xi32, #tpu.memory_space<vmem>>) semaphore(%arg18 : memref<!tpu.dma_semaphore, #tpu.memory_space<semaphore_mem>>)
    %dma_wait3A_708 = arith.constant 208 : i32
    %dma_wait3A_709 = tpu.memref_slice %arg5[%dma_wait3A_708] : memref<512xi32, #tpu.memory_space<vmem>> -> memref<16xi32, #tpu.memory_space<vmem>>
    %dma_wait3A_710 = arith.constant 0 : i32
    %dma_wait3A_711 = arith.constant 0 : i32
    %dma_wait3A_712 = tpu.memref_slice %arg2[%dma_wait3A_710, %dma_wait3A_711] : memref<2048x768xf32, #tpu.memory_space<hbm>> -> memref<2048x768xf32, #tpu.memory_space<hbm>>
    tpu.wait_indirect_dma semaphore(%arg19 : memref<!tpu.dma_semaphore, #tpu.memory_space<semaphore_mem>>) src(%dma_wait3A_712 : memref<2048x768xf32, #tpu.memory_space<hbm>>) dst(%arg11 : memref<16x768xf32, #tpu.memory_space<vmem>>)
    %add3A_713 = arith.constant 208 : i32
    %add3A_714 = arith.addi %mul3A_2, %add3A_713 : i32
    %dma_start3A_715 = arith.constant 0 : i32
    %dma_start3A_716 = tpu.memref_slice %arg4[%add3A_714, %dma_start3A_715] : memref<16384x768xf32, #tpu.memory_space<hbm>> -> memref<16x768xf32, #tpu.memory_space<hbm>>
    %dma_start3A_717 = arith.constant 0 : i32
    %dma_start3A_718 = tpu.memref_slice %arg4[%add3A_714, %dma_start3A_717] : memref<16384x768xf32, #tpu.memory_space<hbm>> -> memref<16x768xf32, #tpu.memory_space<hbm>>
    tpu.enqueue_dma source(%arg11 : memref<16x768xf32, #tpu.memory_space<vmem>>) target(%dma_start3A_718 : memref<16x768xf32, #tpu.memory_space<hbm>>) target_semaphore(%arg27 : memref<!tpu.dma_semaphore, #tpu.memory_space<semaphore_mem>>)
    %add3A_719 = arith.constant 208 : i32
    %add3A_720 = arith.addi %mul3A_2, %add3A_719 : i32
    %dma_wait3A_721 = arith.constant 0 : i32
    %dma_wait3A_722 = tpu.memref_slice %arg4[%add3A_720, %dma_wait3A_721] : memref<16384x768xf32, #tpu.memory_space<hbm>> -> memref<16x768xf32, #tpu.memory_space<hbm>>
    %dma_wait3A_723 = arith.constant 0 : i32
    %dma_wait3A_724 = tpu.memref_slice %arg4[%add3A_720, %dma_wait3A_723] : memref<16384x768xf32, #tpu.memory_space<hbm>> -> memref<16x768xf32, #tpu.memory_space<hbm>>
    tpu.wait_dma2 semaphore(%arg27 : memref<!tpu.dma_semaphore, #tpu.memory_space<semaphore_mem>>) src(%arg11 : memref<16x768xf32, #tpu.memory_space<vmem>>) dst(%dma_wait3A_724 : memref<16x768xf32, #tpu.memory_space<hbm>>)
    %dma_start3A_725 = arith.constant 336 : i32
    %dma_start3A_726 = tpu.memref_slice %arg5[%dma_start3A_725] : memref<512xi32, #tpu.memory_space<vmem>> -> memref<16xi32, #tpu.memory_space<vmem>>
    %dma_start3A_727 = arith.constant 0 : i32
    %dma_start3A_728 = arith.constant 0 : i32
    %dma_start3A_729 = tpu.memref_slice %arg2[%dma_start3A_727, %dma_start3A_728] : memref<2048x768xf32, #tpu.memory_space<hbm>> -> memref<2048x768xf32, #tpu.memory_space<hbm>>
    tpu.enqueue_indirect_dma source(%dma_start3A_729 : memref<2048x768xf32, #tpu.memory_space<hbm>>) target(%arg11 : memref<16x768xf32, #tpu.memory_space<vmem>>) offsets(%dma_start3A_726 : memref<16xi32, #tpu.memory_space<vmem>>) semaphore(%arg19 : memref<!tpu.dma_semaphore, #tpu.memory_space<semaphore_mem>>)
    %dma_wait3A_730 = arith.constant 224 : i32
    %dma_wait3A_731 = tpu.memref_slice %arg5[%dma_wait3A_730] : memref<512xi32, #tpu.memory_space<vmem>> -> memref<16xi32, #tpu.memory_space<vmem>>
    %dma_wait3A_732 = arith.constant 0 : i32
    %dma_wait3A_733 = arith.constant 0 : i32
    %dma_wait3A_734 = tpu.memref_slice %arg2[%dma_wait3A_732, %dma_wait3A_733] : memref<2048x768xf32, #tpu.memory_space<hbm>> -> memref<2048x768xf32, #tpu.memory_space<hbm>>
    tpu.wait_indirect_dma semaphore(%arg20 : memref<!tpu.dma_semaphore, #tpu.memory_space<semaphore_mem>>) src(%dma_wait3A_734 : memref<2048x768xf32, #tpu.memory_space<hbm>>) dst(%arg12 : memref<16x768xf32, #tpu.memory_space<vmem>>)
    %add3A_735 = arith.constant 224 : i32
    %add3A_736 = arith.addi %mul3A_2, %add3A_735 : i32
    %dma_start3A_737 = arith.constant 0 : i32
    %dma_start3A_738 = tpu.memref_slice %arg4[%add3A_736, %dma_start3A_737] : memref<16384x768xf32, #tpu.memory_space<hbm>> -> memref<16x768xf32, #tpu.memory_space<hbm>>
    %dma_start3A_739 = arith.constant 0 : i32
    %dma_start3A_740 = tpu.memref_slice %arg4[%add3A_736, %dma_start3A_739] : memref<16384x768xf32, #tpu.memory_space<hbm>> -> memref<16x768xf32, #tpu.memory_space<hbm>>
    tpu.enqueue_dma source(%arg12 : memref<16x768xf32, #tpu.memory_space<vmem>>) target(%dma_start3A_740 : memref<16x768xf32, #tpu.memory_space<hbm>>) target_semaphore(%arg28 : memref<!tpu.dma_semaphore, #tpu.memory_space<semaphore_mem>>)
    %add3A_741 = arith.constant 224 : i32
    %add3A_742 = arith.addi %mul3A_2, %add3A_741 : i32
    %dma_wait3A_743 = arith.constant 0 : i32
    %dma_wait3A_744 = tpu.memref_slice %arg4[%add3A_742, %dma_wait3A_743] : memref<16384x768xf32, #tpu.memory_space<hbm>> -> memref<16x768xf32, #tpu.memory_space<hbm>>
    %dma_wait3A_745 = arith.constant 0 : i32
    %dma_wait3A_746 = tpu.memref_slice %arg4[%add3A_742, %dma_wait3A_745] : memref<16384x768xf32, #tpu.memory_space<hbm>> -> memref<16x768xf32, #tpu.memory_space<hbm>>
    tpu.wait_dma2 semaphore(%arg28 : memref<!tpu.dma_semaphore, #tpu.memory_space<semaphore_mem>>) src(%arg12 : memref<16x768xf32, #tpu.memory_space<vmem>>) dst(%dma_wait3A_746 : memref<16x768xf32, #tpu.memory_space<hbm>>)
    %dma_start3A_747 = arith.constant 352 : i32
    %dma_start3A_748 = tpu.memref_slice %arg5[%dma_start3A_747] : memref<512xi32, #tpu.memory_space<vmem>> -> memref<16xi32, #tpu.memory_space<vmem>>
    %dma_start3A_749 = arith.constant 0 : i32
    %dma_start3A_750 = arith.constant 0 : i32
    %dma_start3A_751 = tpu.memref_slice %arg2[%dma_start3A_749, %dma_start3A_750] : memref<2048x768xf32, #tpu.memory_space<hbm>> -> memref<2048x768xf32, #tpu.memory_space<hbm>>
    tpu.enqueue_indirect_dma source(%dma_start3A_751 : memref<2048x768xf32, #tpu.memory_space<hbm>>) target(%arg12 : memref<16x768xf32, #tpu.memory_space<vmem>>) offsets(%dma_start3A_748 : memref<16xi32, #tpu.memory_space<vmem>>) semaphore(%arg20 : memref<!tpu.dma_semaphore, #tpu.memory_space<semaphore_mem>>)
    %dma_wait3A_752 = arith.constant 240 : i32
    %dma_wait3A_753 = tpu.memref_slice %arg5[%dma_wait3A_752] : memref<512xi32, #tpu.memory_space<vmem>> -> memref<16xi32, #tpu.memory_space<vmem>>
    %dma_wait3A_754 = arith.constant 0 : i32
    %dma_wait3A_755 = arith.constant 0 : i32
    %dma_wait3A_756 = tpu.memref_slice %arg2[%dma_wait3A_754, %dma_wait3A_755] : memref<2048x768xf32, #tpu.memory_space<hbm>> -> memref<2048x768xf32, #tpu.memory_space<hbm>>
    tpu.wait_indirect_dma semaphore(%arg21 : memref<!tpu.dma_semaphore, #tpu.memory_space<semaphore_mem>>) src(%dma_wait3A_756 : memref<2048x768xf32, #tpu.memory_space<hbm>>) dst(%arg13 : memref<16x768xf32, #tpu.memory_space<vmem>>)
    %add3A_757 = arith.constant 240 : i32
    %add3A_758 = arith.addi %mul3A_2, %add3A_757 : i32
    %dma_start3A_759 = arith.constant 0 : i32
    %dma_start3A_760 = tpu.memref_slice %arg4[%add3A_758, %dma_start3A_759] : memref<16384x768xf32, #tpu.memory_space<hbm>> -> memref<16x768xf32, #tpu.memory_space<hbm>>
    %dma_start3A_761 = arith.constant 0 : i32
    %dma_start3A_762 = tpu.memref_slice %arg4[%add3A_758, %dma_start3A_761] : memref<16384x768xf32, #tpu.memory_space<hbm>> -> memref<16x768xf32, #tpu.memory_space<hbm>>
    tpu.enqueue_dma source(%arg13 : memref<16x768xf32, #tpu.memory_space<vmem>>) target(%dma_start3A_762 : memref<16x768xf32, #tpu.memory_space<hbm>>) target_semaphore(%arg29 : memref<!tpu.dma_semaphore, #tpu.memory_space<semaphore_mem>>)
    %add3A_763 = arith.constant 240 : i32
    %add3A_764 = arith.addi %mul3A_2, %add3A_763 : i32
    %dma_wait3A_765 = arith.constant 0 : i32
    %dma_wait3A_766 = tpu.memref_slice %arg4[%add3A_764, %dma_wait3A_765] : memref<16384x768xf32, #tpu.memory_space<hbm>> -> memref<16x768xf32, #tpu.memory_space<hbm>>
    %dma_wait3A_767 = arith.constant 0 : i32
    %dma_wait3A_768 = tpu.memref_slice %arg4[%add3A_764, %dma_wait3A_767] : memref<16384x768xf32, #tpu.memory_space<hbm>> -> memref<16x768xf32, #tpu.memory_space<hbm>>
    tpu.wait_dma2 semaphore(%arg29 : memref<!tpu.dma_semaphore, #tpu.memory_space<semaphore_mem>>) src(%arg13 : memref<16x768xf32, #tpu.memory_space<vmem>>) dst(%dma_wait3A_768 : memref<16x768xf32, #tpu.memory_space<hbm>>)
    %dma_start3A_769 = arith.constant 368 : i32
    %dma_start3A_770 = tpu.memref_slice %arg5[%dma_start3A_769] : memref<512xi32, #tpu.memory_space<vmem>> -> memref<16xi32, #tpu.memory_space<vmem>>
    %dma_start3A_771 = arith.constant 0 : i32
    %dma_start3A_772 = arith.constant 0 : i32
    %dma_start3A_773 = tpu.memref_slice %arg2[%dma_start3A_771, %dma_start3A_772] : memref<2048x768xf32, #tpu.memory_space<hbm>> -> memref<2048x768xf32, #tpu.memory_space<hbm>>
    tpu.enqueue_indirect_dma source(%dma_start3A_773 : memref<2048x768xf32, #tpu.memory_space<hbm>>) target(%arg13 : memref<16x768xf32, #tpu.memory_space<vmem>>) offsets(%dma_start3A_770 : memref<16xi32, #tpu.memory_space<vmem>>) semaphore(%arg21 : memref<!tpu.dma_semaphore, #tpu.memory_space<semaphore_mem>>)
    %dma_wait3A_774 = arith.constant 256 : i32
    %dma_wait3A_775 = tpu.memref_slice %arg5[%dma_wait3A_774] : memref<512xi32, #tpu.memory_space<vmem>> -> memref<16xi32, #tpu.memory_space<vmem>>
    %dma_wait3A_776 = arith.constant 0 : i32
    %dma_wait3A_777 = arith.constant 0 : i32
    %dma_wait3A_778 = tpu.memref_slice %arg2[%dma_wait3A_776, %dma_wait3A_777] : memref<2048x768xf32, #tpu.memory_space<hbm>> -> memref<2048x768xf32, #tpu.memory_space<hbm>>
    tpu.wait_indirect_dma semaphore(%arg14 : memref<!tpu.dma_semaphore, #tpu.memory_space<semaphore_mem>>) src(%dma_wait3A_778 : memref<2048x768xf32, #tpu.memory_space<hbm>>) dst(%arg6 : memref<16x768xf32, #tpu.memory_space<vmem>>)
    %add3A_779 = arith.constant 256 : i32
    %add3A_780 = arith.addi %mul3A_2, %add3A_779 : i32
    %dma_start3A_781 = arith.constant 0 : i32
    %dma_start3A_782 = tpu.memref_slice %arg4[%add3A_780, %dma_start3A_781] : memref<16384x768xf32, #tpu.memory_space<hbm>> -> memref<16x768xf32, #tpu.memory_space<hbm>>
    %dma_start3A_783 = arith.constant 0 : i32
    %dma_start3A_784 = tpu.memref_slice %arg4[%add3A_780, %dma_start3A_783] : memref<16384x768xf32, #tpu.memory_space<hbm>> -> memref<16x768xf32, #tpu.memory_space<hbm>>
    tpu.enqueue_dma source(%arg6 : memref<16x768xf32, #tpu.memory_space<vmem>>) target(%dma_start3A_784 : memref<16x768xf32, #tpu.memory_space<hbm>>) target_semaphore(%arg22 : memref<!tpu.dma_semaphore, #tpu.memory_space<semaphore_mem>>)
    %add3A_785 = arith.constant 256 : i32
    %add3A_786 = arith.addi %mul3A_2, %add3A_785 : i32
    %dma_wait3A_787 = arith.constant 0 : i32
    %dma_wait3A_788 = tpu.memref_slice %arg4[%add3A_786, %dma_wait3A_787] : memref<16384x768xf32, #tpu.memory_space<hbm>> -> memref<16x768xf32, #tpu.memory_space<hbm>>
    %dma_wait3A_789 = arith.constant 0 : i32
    %dma_wait3A_790 = tpu.memref_slice %arg4[%add3A_786, %dma_wait3A_789] : memref<16384x768xf32, #tpu.memory_space<hbm>> -> memref<16x768xf32, #tpu.memory_space<hbm>>
    tpu.wait_dma2 semaphore(%arg22 : memref<!tpu.dma_semaphore, #tpu.memory_space<semaphore_mem>>) src(%arg6 : memref<16x768xf32, #tpu.memory_space<vmem>>) dst(%dma_wait3A_790 : memref<16x768xf32, #tpu.memory_space<hbm>>)
    %dma_start3A_791 = arith.constant 384 : i32
    %dma_start3A_792 = tpu.memref_slice %arg5[%dma_start3A_791] : memref<512xi32, #tpu.memory_space<vmem>> -> memref<16xi32, #tpu.memory_space<vmem>>
    %dma_start3A_793 = arith.constant 0 : i32
    %dma_start3A_794 = arith.constant 0 : i32
    %dma_start3A_795 = tpu.memref_slice %arg2[%dma_start3A_793, %dma_start3A_794] : memref<2048x768xf32, #tpu.memory_space<hbm>> -> memref<2048x768xf32, #tpu.memory_space<hbm>>
    tpu.enqueue_indirect_dma source(%dma_start3A_795 : memref<2048x768xf32, #tpu.memory_space<hbm>>) target(%arg6 : memref<16x768xf32, #tpu.memory_space<vmem>>) offsets(%dma_start3A_792 : memref<16xi32, #tpu.memory_space<vmem>>) semaphore(%arg14 : memref<!tpu.dma_semaphore, #tpu.memory_space<semaphore_mem>>)
    %dma_wait3A_796 = arith.constant 272 : i32
    %dma_wait3A_797 = tpu.memref_slice %arg5[%dma_wait3A_796] : memref<512xi32, #tpu.memory_space<vmem>> -> memref<16xi32, #tpu.memory_space<vmem>>
    %dma_wait3A_798 = arith.constant 0 : i32
    %dma_wait3A_799 = arith.constant 0 : i32
    %dma_wait3A_800 = tpu.memref_slice %arg2[%dma_wait3A_798, %dma_wait3A_799] : memref<2048x768xf32, #tpu.memory_space<hbm>> -> memref<2048x768xf32, #tpu.memory_space<hbm>>
    tpu.wait_indirect_dma semaphore(%arg15 : memref<!tpu.dma_semaphore, #tpu.memory_space<semaphore_mem>>) src(%dma_wait3A_800 : memref<2048x768xf32, #tpu.memory_space<hbm>>) dst(%arg7 : memref<16x768xf32, #tpu.memory_space<vmem>>)
    %add3A_801 = arith.constant 272 : i32
    %add3A_802 = arith.addi %mul3A_2, %add3A_801 : i32
    %dma_start3A_803 = arith.constant 0 : i32
    %dma_start3A_804 = tpu.memref_slice %arg4[%add3A_802, %dma_start3A_803] : memref<16384x768xf32, #tpu.memory_space<hbm>> -> memref<16x768xf32, #tpu.memory_space<hbm>>
    %dma_start3A_805 = arith.constant 0 : i32
    %dma_start3A_806 = tpu.memref_slice %arg4[%add3A_802, %dma_start3A_805] : memref<16384x768xf32, #tpu.memory_space<hbm>> -> memref<16x768xf32, #tpu.memory_space<hbm>>
    tpu.enqueue_dma source(%arg7 : memref<16x768xf32, #tpu.memory_space<vmem>>) target(%dma_start3A_806 : memref<16x768xf32, #tpu.memory_space<hbm>>) target_semaphore(%arg23 : memref<!tpu.dma_semaphore, #tpu.memory_space<semaphore_mem>>)
    %add3A_807 = arith.constant 272 : i32
    %add3A_808 = arith.addi %mul3A_2, %add3A_807 : i32
    %dma_wait3A_809 = arith.constant 0 : i32
    %dma_wait3A_810 = tpu.memref_slice %arg4[%add3A_808, %dma_wait3A_809] : memref<16384x768xf32, #tpu.memory_space<hbm>> -> memref<16x768xf32, #tpu.memory_space<hbm>>
    %dma_wait3A_811 = arith.constant 0 : i32
    %dma_wait3A_812 = tpu.memref_slice %arg4[%add3A_808, %dma_wait3A_811] : memref<16384x768xf32, #tpu.memory_space<hbm>> -> memref<16x768xf32, #tpu.memory_space<hbm>>
    tpu.wait_dma2 semaphore(%arg23 : memref<!tpu.dma_semaphore, #tpu.memory_space<semaphore_mem>>) src(%arg7 : memref<16x768xf32, #tpu.memory_space<vmem>>) dst(%dma_wait3A_812 : memref<16x768xf32, #tpu.memory_space<hbm>>)
    %dma_start3A_813 = arith.constant 400 : i32
    %dma_start3A_814 = tpu.memref_slice %arg5[%dma_start3A_813] : memref<512xi32, #tpu.memory_space<vmem>> -> memref<16xi32, #tpu.memory_space<vmem>>
    %dma_start3A_815 = arith.constant 0 : i32
    %dma_start3A_816 = arith.constant 0 : i32
    %dma_start3A_817 = tpu.memref_slice %arg2[%dma_start3A_815, %dma_start3A_816] : memref<2048x768xf32, #tpu.memory_space<hbm>> -> memref<2048x768xf32, #tpu.memory_space<hbm>>
    tpu.enqueue_indirect_dma source(%dma_start3A_817 : memref<2048x768xf32, #tpu.memory_space<hbm>>) target(%arg7 : memref<16x768xf32, #tpu.memory_space<vmem>>) offsets(%dma_start3A_814 : memref<16xi32, #tpu.memory_space<vmem>>) semaphore(%arg15 : memref<!tpu.dma_semaphore, #tpu.memory_space<semaphore_mem>>)
    %dma_wait3A_818 = arith.constant 288 : i32
    %dma_wait3A_819 = tpu.memref_slice %arg5[%dma_wait3A_818] : memref<512xi32, #tpu.memory_space<vmem>> -> memref<16xi32, #tpu.memory_space<vmem>>
    %dma_wait3A_820 = arith.constant 0 : i32
    %dma_wait3A_821 = arith.constant 0 : i32
    %dma_wait3A_822 = tpu.memref_slice %arg2[%dma_wait3A_820, %dma_wait3A_821] : memref<2048x768xf32, #tpu.memory_space<hbm>> -> memref<2048x768xf32, #tpu.memory_space<hbm>>
    tpu.wait_indirect_dma semaphore(%arg16 : memref<!tpu.dma_semaphore, #tpu.memory_space<semaphore_mem>>) src(%dma_wait3A_822 : memref<2048x768xf32, #tpu.memory_space<hbm>>) dst(%arg8 : memref<16x768xf32, #tpu.memory_space<vmem>>)
    %add3A_823 = arith.constant 288 : i32
    %add3A_824 = arith.addi %mul3A_2, %add3A_823 : i32
    %dma_start3A_825 = arith.constant 0 : i32
    %dma_start3A_826 = tpu.memref_slice %arg4[%add3A_824, %dma_start3A_825] : memref<16384x768xf32, #tpu.memory_space<hbm>> -> memref<16x768xf32, #tpu.memory_space<hbm>>
    %dma_start3A_827 = arith.constant 0 : i32
    %dma_start3A_828 = tpu.memref_slice %arg4[%add3A_824, %dma_start3A_827] : memref<16384x768xf32, #tpu.memory_space<hbm>> -> memref<16x768xf32, #tpu.memory_space<hbm>>
    tpu.enqueue_dma source(%arg8 : memref<16x768xf32, #tpu.memory_space<vmem>>) target(%dma_start3A_828 : memref<16x768xf32, #tpu.memory_space<hbm>>) target_semaphore(%arg24 : memref<!tpu.dma_semaphore, #tpu.memory_space<semaphore_mem>>)
    %add3A_829 = arith.constant 288 : i32
    %add3A_830 = arith.addi %mul3A_2, %add3A_829 : i32
    %dma_wait3A_831 = arith.constant 0 : i32
    %dma_wait3A_832 = tpu.memref_slice %arg4[%add3A_830, %dma_wait3A_831] : memref<16384x768xf32, #tpu.memory_space<hbm>> -> memref<16x768xf32, #tpu.memory_space<hbm>>
    %dma_wait3A_833 = arith.constant 0 : i32
    %dma_wait3A_834 = tpu.memref_slice %arg4[%add3A_830, %dma_wait3A_833] : memref<16384x768xf32, #tpu.memory_space<hbm>> -> memref<16x768xf32, #tpu.memory_space<hbm>>
    tpu.wait_dma2 semaphore(%arg24 : memref<!tpu.dma_semaphore, #tpu.memory_space<semaphore_mem>>) src(%arg8 : memref<16x768xf32, #tpu.memory_space<vmem>>) dst(%dma_wait3A_834 : memref<16x768xf32, #tpu.memory_space<hbm>>)
    %dma_start3A_835 = arith.constant 416 : i32
    %dma_start3A_836 = tpu.memref_slice %arg5[%dma_start3A_835] : memref<512xi32, #tpu.memory_space<vmem>> -> memref<16xi32, #tpu.memory_space<vmem>>
    %dma_start3A_837 = arith.constant 0 : i32
    %dma_start3A_838 = arith.constant 0 : i32
    %dma_start3A_839 = tpu.memref_slice %arg2[%dma_start3A_837, %dma_start3A_838] : memref<2048x768xf32, #tpu.memory_space<hbm>> -> memref<2048x768xf32, #tpu.memory_space<hbm>>
    tpu.enqueue_indirect_dma source(%dma_start3A_839 : memref<2048x768xf32, #tpu.memory_space<hbm>>) target(%arg8 : memref<16x768xf32, #tpu.memory_space<vmem>>) offsets(%dma_start3A_836 : memref<16xi32, #tpu.memory_space<vmem>>) semaphore(%arg16 : memref<!tpu.dma_semaphore, #tpu.memory_space<semaphore_mem>>)
    %dma_wait3A_840 = arith.constant 304 : i32
    %dma_wait3A_841 = tpu.memref_slice %arg5[%dma_wait3A_840] : memref<512xi32, #tpu.memory_space<vmem>> -> memref<16xi32, #tpu.memory_space<vmem>>
    %dma_wait3A_842 = arith.constant 0 : i32
    %dma_wait3A_843 = arith.constant 0 : i32
    %dma_wait3A_844 = tpu.memref_slice %arg2[%dma_wait3A_842, %dma_wait3A_843] : memref<2048x768xf32, #tpu.memory_space<hbm>> -> memref<2048x768xf32, #tpu.memory_space<hbm>>
    tpu.wait_indirect_dma semaphore(%arg17 : memref<!tpu.dma_semaphore, #tpu.memory_space<semaphore_mem>>) src(%dma_wait3A_844 : memref<2048x768xf32, #tpu.memory_space<hbm>>) dst(%arg9 : memref<16x768xf32, #tpu.memory_space<vmem>>)
    %add3A_845 = arith.constant 304 : i32
    %add3A_846 = arith.addi %mul3A_2, %add3A_845 : i32
    %dma_start3A_847 = arith.constant 0 : i32
    %dma_start3A_848 = tpu.memref_slice %arg4[%add3A_846, %dma_start3A_847] : memref<16384x768xf32, #tpu.memory_space<hbm>> -> memref<16x768xf32, #tpu.memory_space<hbm>>
    %dma_start3A_849 = arith.constant 0 : i32
    %dma_start3A_850 = tpu.memref_slice %arg4[%add3A_846, %dma_start3A_849] : memref<16384x768xf32, #tpu.memory_space<hbm>> -> memref<16x768xf32, #tpu.memory_space<hbm>>
    tpu.enqueue_dma source(%arg9 : memref<16x768xf32, #tpu.memory_space<vmem>>) target(%dma_start3A_850 : memref<16x768xf32, #tpu.memory_space<hbm>>) target_semaphore(%arg25 : memref<!tpu.dma_semaphore, #tpu.memory_space<semaphore_mem>>)
    %add3A_851 = arith.constant 304 : i32
    %add3A_852 = arith.addi %mul3A_2, %add3A_851 : i32
    %dma_wait3A_853 = arith.constant 0 : i32
    %dma_wait3A_854 = tpu.memref_slice %arg4[%add3A_852, %dma_wait3A_853] : memref<16384x768xf32, #tpu.memory_space<hbm>> -> memref<16x768xf32, #tpu.memory_space<hbm>>
    %dma_wait3A_855 = arith.constant 0 : i32
    %dma_wait3A_856 = tpu.memref_slice %arg4[%add3A_852, %dma_wait3A_855] : memref<16384x768xf32, #tpu.memory_space<hbm>> -> memref<16x768xf32, #tpu.memory_space<hbm>>
    tpu.wait_dma2 semaphore(%arg25 : memref<!tpu.dma_semaphore, #tpu.memory_space<semaphore_mem>>) src(%arg9 : memref<16x768xf32, #tpu.memory_space<vmem>>) dst(%dma_wait3A_856 : memref<16x768xf32, #tpu.memory_space<hbm>>)
    %dma_start3A_857 = arith.constant 432 : i32
    %dma_start3A_858 = tpu.memref_slice %arg5[%dma_start3A_857] : memref<512xi32, #tpu.memory_space<vmem>> -> memref<16xi32, #tpu.memory_space<vmem>>
    %dma_start3A_859 = arith.constant 0 : i32
    %dma_start3A_860 = arith.constant 0 : i32
    %dma_start3A_861 = tpu.memref_slice %arg2[%dma_start3A_859, %dma_start3A_860] : memref<2048x768xf32, #tpu.memory_space<hbm>> -> memref<2048x768xf32, #tpu.memory_space<hbm>>
    tpu.enqueue_indirect_dma source(%dma_start3A_861 : memref<2048x768xf32, #tpu.memory_space<hbm>>) target(%arg9 : memref<16x768xf32, #tpu.memory_space<vmem>>) offsets(%dma_start3A_858 : memref<16xi32, #tpu.memory_space<vmem>>) semaphore(%arg17 : memref<!tpu.dma_semaphore, #tpu.memory_space<semaphore_mem>>)
    %dma_wait3A_862 = arith.constant 320 : i32
    %dma_wait3A_863 = tpu.memref_slice %arg5[%dma_wait3A_862] : memref<512xi32, #tpu.memory_space<vmem>> -> memref<16xi32, #tpu.memory_space<vmem>>
    %dma_wait3A_864 = arith.constant 0 : i32
    %dma_wait3A_865 = arith.constant 0 : i32
    %dma_wait3A_866 = tpu.memref_slice %arg2[%dma_wait3A_864, %dma_wait3A_865] : memref<2048x768xf32, #tpu.memory_space<hbm>> -> memref<2048x768xf32, #tpu.memory_space<hbm>>
    tpu.wait_indirect_dma semaphore(%arg18 : memref<!tpu.dma_semaphore, #tpu.memory_space<semaphore_mem>>) src(%dma_wait3A_866 : memref<2048x768xf32, #tpu.memory_space<hbm>>) dst(%arg10 : memref<16x768xf32, #tpu.memory_space<vmem>>)
    %add3A_867 = arith.constant 320 : i32
    %add3A_868 = arith.addi %mul3A_2, %add3A_867 : i32
    %dma_start3A_869 = arith.constant 0 : i32
    %dma_start3A_870 = tpu.memref_slice %arg4[%add3A_868, %dma_start3A_869] : memref<16384x768xf32, #tpu.memory_space<hbm>> -> memref<16x768xf32, #tpu.memory_space<hbm>>
    %dma_start3A_871 = arith.constant 0 : i32
    %dma_start3A_872 = tpu.memref_slice %arg4[%add3A_868, %dma_start3A_871] : memref<16384x768xf32, #tpu.memory_space<hbm>> -> memref<16x768xf32, #tpu.memory_space<hbm>>
    tpu.enqueue_dma source(%arg10 : memref<16x768xf32, #tpu.memory_space<vmem>>) target(%dma_start3A_872 : memref<16x768xf32, #tpu.memory_space<hbm>>) target_semaphore(%arg26 : memref<!tpu.dma_semaphore, #tpu.memory_space<semaphore_mem>>)
    %add3A_873 = arith.constant 320 : i32
    %add3A_874 = arith.addi %mul3A_2, %add3A_873 : i32
    %dma_wait3A_875 = arith.constant 0 : i32
    %dma_wait3A_876 = tpu.memref_slice %arg4[%add3A_874, %dma_wait3A_875] : memref<16384x768xf32, #tpu.memory_space<hbm>> -> memref<16x768xf32, #tpu.memory_space<hbm>>
    %dma_wait3A_877 = arith.constant 0 : i32
    %dma_wait3A_878 = tpu.memref_slice %arg4[%add3A_874, %dma_wait3A_877] : memref<16384x768xf32, #tpu.memory_space<hbm>> -> memref<16x768xf32, #tpu.memory_space<hbm>>
    tpu.wait_dma2 semaphore(%arg26 : memref<!tpu.dma_semaphore, #tpu.memory_space<semaphore_mem>>) src(%arg10 : memref<16x768xf32, #tpu.memory_space<vmem>>) dst(%dma_wait3A_878 : memref<16x768xf32, #tpu.memory_space<hbm>>)
    %dma_start3A_879 = arith.constant 448 : i32
    %dma_start3A_880 = tpu.memref_slice %arg5[%dma_start3A_879] : memref<512xi32, #tpu.memory_space<vmem>> -> memref<16xi32, #tpu.memory_space<vmem>>
    %dma_start3A_881 = arith.constant 0 : i32
    %dma_start3A_882 = arith.constant 0 : i32
    %dma_start3A_883 = tpu.memref_slice %arg2[%dma_start3A_881, %dma_start3A_882] : memref<2048x768xf32, #tpu.memory_space<hbm>> -> memref<2048x768xf32, #tpu.memory_space<hbm>>
    tpu.enqueue_indirect_dma source(%dma_start3A_883 : memref<2048x768xf32, #tpu.memory_space<hbm>>) target(%arg10 : memref<16x768xf32, #tpu.memory_space<vmem>>) offsets(%dma_start3A_880 : memref<16xi32, #tpu.memory_space<vmem>>) semaphore(%arg18 : memref<!tpu.dma_semaphore, #tpu.memory_space<semaphore_mem>>)
    %dma_wait3A_884 = arith.constant 336 : i32
    %dma_wait3A_885 = tpu.memref_slice %arg5[%dma_wait3A_884] : memref<512xi32, #tpu.memory_space<vmem>> -> memref<16xi32, #tpu.memory_space<vmem>>
    %dma_wait3A_886 = arith.constant 0 : i32
    %dma_wait3A_887 = arith.constant 0 : i32
    %dma_wait3A_888 = tpu.memref_slice %arg2[%dma_wait3A_886, %dma_wait3A_887] : memref<2048x768xf32, #tpu.memory_space<hbm>> -> memref<2048x768xf32, #tpu.memory_space<hbm>>
    tpu.wait_indirect_dma semaphore(%arg19 : memref<!tpu.dma_semaphore, #tpu.memory_space<semaphore_mem>>) src(%dma_wait3A_888 : memref<2048x768xf32, #tpu.memory_space<hbm>>) dst(%arg11 : memref<16x768xf32, #tpu.memory_space<vmem>>)
    %add3A_889 = arith.constant 336 : i32
    %add3A_890 = arith.addi %mul3A_2, %add3A_889 : i32
    %dma_start3A_891 = arith.constant 0 : i32
    %dma_start3A_892 = tpu.memref_slice %arg4[%add3A_890, %dma_start3A_891] : memref<16384x768xf32, #tpu.memory_space<hbm>> -> memref<16x768xf32, #tpu.memory_space<hbm>>
    %dma_start3A_893 = arith.constant 0 : i32
    %dma_start3A_894 = tpu.memref_slice %arg4[%add3A_890, %dma_start3A_893] : memref<16384x768xf32, #tpu.memory_space<hbm>> -> memref<16x768xf32, #tpu.memory_space<hbm>>
    tpu.enqueue_dma source(%arg11 : memref<16x768xf32, #tpu.memory_space<vmem>>) target(%dma_start3A_894 : memref<16x768xf32, #tpu.memory_space<hbm>>) target_semaphore(%arg27 : memref<!tpu.dma_semaphore, #tpu.memory_space<semaphore_mem>>)
    %add3A_895 = arith.constant 336 : i32
    %add3A_896 = arith.addi %mul3A_2, %add3A_895 : i32
    %dma_wait3A_897 = arith.constant 0 : i32
    %dma_wait3A_898 = tpu.memref_slice %arg4[%add3A_896, %dma_wait3A_897] : memref<16384x768xf32, #tpu.memory_space<hbm>> -> memref<16x768xf32, #tpu.memory_space<hbm>>
    %dma_wait3A_899 = arith.constant 0 : i32
    %dma_wait3A_900 = tpu.memref_slice %arg4[%add3A_896, %dma_wait3A_899] : memref<16384x768xf32, #tpu.memory_space<hbm>> -> memref<16x768xf32, #tpu.memory_space<hbm>>
    tpu.wait_dma2 semaphore(%arg27 : memref<!tpu.dma_semaphore, #tpu.memory_space<semaphore_mem>>) src(%arg11 : memref<16x768xf32, #tpu.memory_space<vmem>>) dst(%dma_wait3A_900 : memref<16x768xf32, #tpu.memory_space<hbm>>)
    %dma_start3A_901 = arith.constant 464 : i32
    %dma_start3A_902 = tpu.memref_slice %arg5[%dma_start3A_901] : memref<512xi32, #tpu.memory_space<vmem>> -> memref<16xi32, #tpu.memory_space<vmem>>
    %dma_start3A_903 = arith.constant 0 : i32
    %dma_start3A_904 = arith.constant 0 : i32
    %dma_start3A_905 = tpu.memref_slice %arg2[%dma_start3A_903, %dma_start3A_904] : memref<2048x768xf32, #tpu.memory_space<hbm>> -> memref<2048x768xf32, #tpu.memory_space<hbm>>
    tpu.enqueue_indirect_dma source(%dma_start3A_905 : memref<2048x768xf32, #tpu.memory_space<hbm>>) target(%arg11 : memref<16x768xf32, #tpu.memory_space<vmem>>) offsets(%dma_start3A_902 : memref<16xi32, #tpu.memory_space<vmem>>) semaphore(%arg19 : memref<!tpu.dma_semaphore, #tpu.memory_space<semaphore_mem>>)
    %dma_wait3A_906 = arith.constant 352 : i32
    %dma_wait3A_907 = tpu.memref_slice %arg5[%dma_wait3A_906] : memref<512xi32, #tpu.memory_space<vmem>> -> memref<16xi32, #tpu.memory_space<vmem>>
    %dma_wait3A_908 = arith.constant 0 : i32
    %dma_wait3A_909 = arith.constant 0 : i32
    %dma_wait3A_910 = tpu.memref_slice %arg2[%dma_wait3A_908, %dma_wait3A_909] : memref<2048x768xf32, #tpu.memory_space<hbm>> -> memref<2048x768xf32, #tpu.memory_space<hbm>>
    tpu.wait_indirect_dma semaphore(%arg20 : memref<!tpu.dma_semaphore, #tpu.memory_space<semaphore_mem>>) src(%dma_wait3A_910 : memref<2048x768xf32, #tpu.memory_space<hbm>>) dst(%arg12 : memref<16x768xf32, #tpu.memory_space<vmem>>)
    %add3A_911 = arith.constant 352 : i32
    %add3A_912 = arith.addi %mul3A_2, %add3A_911 : i32
    %dma_start3A_913 = arith.constant 0 : i32
    %dma_start3A_914 = tpu.memref_slice %arg4[%add3A_912, %dma_start3A_913] : memref<16384x768xf32, #tpu.memory_space<hbm>> -> memref<16x768xf32, #tpu.memory_space<hbm>>
    %dma_start3A_915 = arith.constant 0 : i32
    %dma_start3A_916 = tpu.memref_slice %arg4[%add3A_912, %dma_start3A_915] : memref<16384x768xf32, #tpu.memory_space<hbm>> -> memref<16x768xf32, #tpu.memory_space<hbm>>
    tpu.enqueue_dma source(%arg12 : memref<16x768xf32, #tpu.memory_space<vmem>>) target(%dma_start3A_916 : memref<16x768xf32, #tpu.memory_space<hbm>>) target_semaphore(%arg28 : memref<!tpu.dma_semaphore, #tpu.memory_space<semaphore_mem>>)
    %add3A_917 = arith.constant 352 : i32
    %add3A_918 = arith.addi %mul3A_2, %add3A_917 : i32
    %dma_wait3A_919 = arith.constant 0 : i32
    %dma_wait3A_920 = tpu.memref_slice %arg4[%add3A_918, %dma_wait3A_919] : memref<16384x768xf32, #tpu.memory_space<hbm>> -> memref<16x768xf32, #tpu.memory_space<hbm>>
    %dma_wait3A_921 = arith.constant 0 : i32
    %dma_wait3A_922 = tpu.memref_slice %arg4[%add3A_918, %dma_wait3A_921] : memref<16384x768xf32, #tpu.memory_space<hbm>> -> memref<16x768xf32, #tpu.memory_space<hbm>>
    tpu.wait_dma2 semaphore(%arg28 : memref<!tpu.dma_semaphore, #tpu.memory_space<semaphore_mem>>) src(%arg12 : memref<16x768xf32, #tpu.memory_space<vmem>>) dst(%dma_wait3A_922 : memref<16x768xf32, #tpu.memory_space<hbm>>)
    %dma_start3A_923 = arith.constant 480 : i32
    %dma_start3A_924 = tpu.memref_slice %arg5[%dma_start3A_923] : memref<512xi32, #tpu.memory_space<vmem>> -> memref<16xi32, #tpu.memory_space<vmem>>
    %dma_start3A_925 = arith.constant 0 : i32
    %dma_start3A_926 = arith.constant 0 : i32
    %dma_start3A_927 = tpu.memref_slice %arg2[%dma_start3A_925, %dma_start3A_926] : memref<2048x768xf32, #tpu.memory_space<hbm>> -> memref<2048x768xf32, #tpu.memory_space<hbm>>
    tpu.enqueue_indirect_dma source(%dma_start3A_927 : memref<2048x768xf32, #tpu.memory_space<hbm>>) target(%arg12 : memref<16x768xf32, #tpu.memory_space<vmem>>) offsets(%dma_start3A_924 : memref<16xi32, #tpu.memory_space<vmem>>) semaphore(%arg20 : memref<!tpu.dma_semaphore, #tpu.memory_space<semaphore_mem>>)
    %dma_wait3A_928 = arith.constant 368 : i32
    %dma_wait3A_929 = tpu.memref_slice %arg5[%dma_wait3A_928] : memref<512xi32, #tpu.memory_space<vmem>> -> memref<16xi32, #tpu.memory_space<vmem>>
    %dma_wait3A_930 = arith.constant 0 : i32
    %dma_wait3A_931 = arith.constant 0 : i32
    %dma_wait3A_932 = tpu.memref_slice %arg2[%dma_wait3A_930, %dma_wait3A_931] : memref<2048x768xf32, #tpu.memory_space<hbm>> -> memref<2048x768xf32, #tpu.memory_space<hbm>>
    tpu.wait_indirect_dma semaphore(%arg21 : memref<!tpu.dma_semaphore, #tpu.memory_space<semaphore_mem>>) src(%dma_wait3A_932 : memref<2048x768xf32, #tpu.memory_space<hbm>>) dst(%arg13 : memref<16x768xf32, #tpu.memory_space<vmem>>)
    %add3A_933 = arith.constant 368 : i32
    %add3A_934 = arith.addi %mul3A_2, %add3A_933 : i32
    %dma_start3A_935 = arith.constant 0 : i32
    %dma_start3A_936 = tpu.memref_slice %arg4[%add3A_934, %dma_start3A_935] : memref<16384x768xf32, #tpu.memory_space<hbm>> -> memref<16x768xf32, #tpu.memory_space<hbm>>
    %dma_start3A_937 = arith.constant 0 : i32
    %dma_start3A_938 = tpu.memref_slice %arg4[%add3A_934, %dma_start3A_937] : memref<16384x768xf32, #tpu.memory_space<hbm>> -> memref<16x768xf32, #tpu.memory_space<hbm>>
    tpu.enqueue_dma source(%arg13 : memref<16x768xf32, #tpu.memory_space<vmem>>) target(%dma_start3A_938 : memref<16x768xf32, #tpu.memory_space<hbm>>) target_semaphore(%arg29 : memref<!tpu.dma_semaphore, #tpu.memory_space<semaphore_mem>>)
    %add3A_939 = arith.constant 368 : i32
    %add3A_940 = arith.addi %mul3A_2, %add3A_939 : i32
    %dma_wait3A_941 = arith.constant 0 : i32
    %dma_wait3A_942 = tpu.memref_slice %arg4[%add3A_940, %dma_wait3A_941] : memref<16384x768xf32, #tpu.memory_space<hbm>> -> memref<16x768xf32, #tpu.memory_space<hbm>>
    %dma_wait3A_943 = arith.constant 0 : i32
    %dma_wait3A_944 = tpu.memref_slice %arg4[%add3A_940, %dma_wait3A_943] : memref<16384x768xf32, #tpu.memory_space<hbm>> -> memref<16x768xf32, #tpu.memory_space<hbm>>
    tpu.wait_dma2 semaphore(%arg29 : memref<!tpu.dma_semaphore, #tpu.memory_space<semaphore_mem>>) src(%arg13 : memref<16x768xf32, #tpu.memory_space<vmem>>) dst(%dma_wait3A_944 : memref<16x768xf32, #tpu.memory_space<hbm>>)
    %dma_start3A_945 = arith.constant 496 : i32
    %dma_start3A_946 = tpu.memref_slice %arg5[%dma_start3A_945] : memref<512xi32, #tpu.memory_space<vmem>> -> memref<16xi32, #tpu.memory_space<vmem>>
    %dma_start3A_947 = arith.constant 0 : i32
    %dma_start3A_948 = arith.constant 0 : i32
    %dma_start3A_949 = tpu.memref_slice %arg2[%dma_start3A_947, %dma_start3A_948] : memref<2048x768xf32, #tpu.memory_space<hbm>> -> memref<2048x768xf32, #tpu.memory_space<hbm>>
    tpu.enqueue_indirect_dma source(%dma_start3A_949 : memref<2048x768xf32, #tpu.memory_space<hbm>>) target(%arg13 : memref<16x768xf32, #tpu.memory_space<vmem>>) offsets(%dma_start3A_946 : memref<16xi32, #tpu.memory_space<vmem>>) semaphore(%arg21 : memref<!tpu.dma_semaphore, #tpu.memory_space<semaphore_mem>>)
    %dma_wait3A_950 = arith.constant 384 : i32
    %dma_wait3A_951 = tpu.memref_slice %arg5[%dma_wait3A_950] : memref<512xi32, #tpu.memory_space<vmem>> -> memref<16xi32, #tpu.memory_space<vmem>>
    %dma_wait3A_952 = arith.constant 0 : i32
    %dma_wait3A_953 = arith.constant 0 : i32
    %dma_wait3A_954 = tpu.memref_slice %arg2[%dma_wait3A_952, %dma_wait3A_953] : memref<2048x768xf32, #tpu.memory_space<hbm>> -> memref<2048x768xf32, #tpu.memory_space<hbm>>
    tpu.wait_indirect_dma semaphore(%arg14 : memref<!tpu.dma_semaphore, #tpu.memory_space<semaphore_mem>>) src(%dma_wait3A_954 : memref<2048x768xf32, #tpu.memory_space<hbm>>) dst(%arg6 : memref<16x768xf32, #tpu.memory_space<vmem>>)
    %add3A_955 = arith.constant 384 : i32
    %add3A_956 = arith.addi %mul3A_2, %add3A_955 : i32
    %dma_start3A_957 = arith.constant 0 : i32
    %dma_start3A_958 = tpu.memref_slice %arg4[%add3A_956, %dma_start3A_957] : memref<16384x768xf32, #tpu.memory_space<hbm>> -> memref<16x768xf32, #tpu.memory_space<hbm>>
    %dma_start3A_959 = arith.constant 0 : i32
    %dma_start3A_960 = tpu.memref_slice %arg4[%add3A_956, %dma_start3A_959] : memref<16384x768xf32, #tpu.memory_space<hbm>> -> memref<16x768xf32, #tpu.memory_space<hbm>>
    tpu.enqueue_dma source(%arg6 : memref<16x768xf32, #tpu.memory_space<vmem>>) target(%dma_start3A_960 : memref<16x768xf32, #tpu.memory_space<hbm>>) target_semaphore(%arg22 : memref<!tpu.dma_semaphore, #tpu.memory_space<semaphore_mem>>)
    %dma_wait3A_961 = arith.constant 400 : i32
    %dma_wait3A_962 = tpu.memref_slice %arg5[%dma_wait3A_961] : memref<512xi32, #tpu.memory_space<vmem>> -> memref<16xi32, #tpu.memory_space<vmem>>
    %dma_wait3A_963 = arith.constant 0 : i32
    %dma_wait3A_964 = arith.constant 0 : i32
    %dma_wait3A_965 = tpu.memref_slice %arg2[%dma_wait3A_963, %dma_wait3A_964] : memref<2048x768xf32, #tpu.memory_space<hbm>> -> memref<2048x768xf32, #tpu.memory_space<hbm>>
    tpu.wait_indirect_dma semaphore(%arg15 : memref<!tpu.dma_semaphore, #tpu.memory_space<semaphore_mem>>) src(%dma_wait3A_965 : memref<2048x768xf32, #tpu.memory_space<hbm>>) dst(%arg7 : memref<16x768xf32, #tpu.memory_space<vmem>>)
    %add3A_966 = arith.constant 400 : i32
    %add3A_967 = arith.addi %mul3A_2, %add3A_966 : i32
    %dma_start3A_968 = arith.constant 0 : i32
    %dma_start3A_969 = tpu.memref_slice %arg4[%add3A_967, %dma_start3A_968] : memref<16384x768xf32, #tpu.memory_space<hbm>> -> memref<16x768xf32, #tpu.memory_space<hbm>>
    %dma_start3A_970 = arith.constant 0 : i32
    %dma_start3A_971 = tpu.memref_slice %arg4[%add3A_967, %dma_start3A_970] : memref<16384x768xf32, #tpu.memory_space<hbm>> -> memref<16x768xf32, #tpu.memory_space<hbm>>
    tpu.enqueue_dma source(%arg7 : memref<16x768xf32, #tpu.memory_space<vmem>>) target(%dma_start3A_971 : memref<16x768xf32, #tpu.memory_space<hbm>>) target_semaphore(%arg23 : memref<!tpu.dma_semaphore, #tpu.memory_space<semaphore_mem>>)
    %dma_wait3A_972 = arith.constant 416 : i32
    %dma_wait3A_973 = tpu.memref_slice %arg5[%dma_wait3A_972] : memref<512xi32, #tpu.memory_space<vmem>> -> memref<16xi32, #tpu.memory_space<vmem>>
    %dma_wait3A_974 = arith.constant 0 : i32
    %dma_wait3A_975 = arith.constant 0 : i32
    %dma_wait3A_976 = tpu.memref_slice %arg2[%dma_wait3A_974, %dma_wait3A_975] : memref<2048x768xf32, #tpu.memory_space<hbm>> -> memref<2048x768xf32, #tpu.memory_space<hbm>>
    tpu.wait_indirect_dma semaphore(%arg16 : memref<!tpu.dma_semaphore, #tpu.memory_space<semaphore_mem>>) src(%dma_wait3A_976 : memref<2048x768xf32, #tpu.memory_space<hbm>>) dst(%arg8 : memref<16x768xf32, #tpu.memory_space<vmem>>)
    %add3A_977 = arith.constant 416 : i32
    %add3A_978 = arith.addi %mul3A_2, %add3A_977 : i32
    %dma_start3A_979 = arith.constant 0 : i32
    %dma_start3A_980 = tpu.memref_slice %arg4[%add3A_978, %dma_start3A_979] : memref<16384x768xf32, #tpu.memory_space<hbm>> -> memref<16x768xf32, #tpu.memory_space<hbm>>
    %dma_start3A_981 = arith.constant 0 : i32
    %dma_start3A_982 = tpu.memref_slice %arg4[%add3A_978, %dma_start3A_981] : memref<16384x768xf32, #tpu.memory_space<hbm>> -> memref<16x768xf32, #tpu.memory_space<hbm>>
    tpu.enqueue_dma source(%arg8 : memref<16x768xf32, #tpu.memory_space<vmem>>) target(%dma_start3A_982 : memref<16x768xf32, #tpu.memory_space<hbm>>) target_semaphore(%arg24 : memref<!tpu.dma_semaphore, #tpu.memory_space<semaphore_mem>>)
    %dma_wait3A_983 = arith.constant 432 : i32
    %dma_wait3A_984 = tpu.memref_slice %arg5[%dma_wait3A_983] : memref<512xi32, #tpu.memory_space<vmem>> -> memref<16xi32, #tpu.memory_space<vmem>>
    %dma_wait3A_985 = arith.constant 0 : i32
    %dma_wait3A_986 = arith.constant 0 : i32
    %dma_wait3A_987 = tpu.memref_slice %arg2[%dma_wait3A_985, %dma_wait3A_986] : memref<2048x768xf32, #tpu.memory_space<hbm>> -> memref<2048x768xf32, #tpu.memory_space<hbm>>
    tpu.wait_indirect_dma semaphore(%arg17 : memref<!tpu.dma_semaphore, #tpu.memory_space<semaphore_mem>>) src(%dma_wait3A_987 : memref<2048x768xf32, #tpu.memory_space<hbm>>) dst(%arg9 : memref<16x768xf32, #tpu.memory_space<vmem>>)
    %add3A_988 = arith.constant 432 : i32
    %add3A_989 = arith.addi %mul3A_2, %add3A_988 : i32
    %dma_start3A_990 = arith.constant 0 : i32
    %dma_start3A_991 = tpu.memref_slice %arg4[%add3A_989, %dma_start3A_990] : memref<16384x768xf32, #tpu.memory_space<hbm>> -> memref<16x768xf32, #tpu.memory_space<hbm>>
    %dma_start3A_992 = arith.constant 0 : i32
    %dma_start3A_993 = tpu.memref_slice %arg4[%add3A_989, %dma_start3A_992] : memref<16384x768xf32, #tpu.memory_space<hbm>> -> memref<16x768xf32, #tpu.memory_space<hbm>>
    tpu.enqueue_dma source(%arg9 : memref<16x768xf32, #tpu.memory_space<vmem>>) target(%dma_start3A_993 : memref<16x768xf32, #tpu.memory_space<hbm>>) target_semaphore(%arg25 : memref<!tpu.dma_semaphore, #tpu.memory_space<semaphore_mem>>)
    %dma_wait3A_994 = arith.constant 448 : i32
    %dma_wait3A_995 = tpu.memref_slice %arg5[%dma_wait3A_994] : memref<512xi32, #tpu.memory_space<vmem>> -> memref<16xi32, #tpu.memory_space<vmem>>
    %dma_wait3A_996 = arith.constant 0 : i32
    %dma_wait3A_997 = arith.constant 0 : i32
    %dma_wait3A_998 = tpu.memref_slice %arg2[%dma_wait3A_996, %dma_wait3A_997] : memref<2048x768xf32, #tpu.memory_space<hbm>> -> memref<2048x768xf32, #tpu.memory_space<hbm>>
    tpu.wait_indirect_dma semaphore(%arg18 : memref<!tpu.dma_semaphore, #tpu.memory_space<semaphore_mem>>) src(%dma_wait3A_998 : memref<2048x768xf32, #tpu.memory_space<hbm>>) dst(%arg10 : memref<16x768xf32, #tpu.memory_space<vmem>>)
    %add3A_999 = arith.constant 448 : i32
    %add3A_1000 = arith.addi %mul3A_2, %add3A_999 : i32
    %dma_start3A_1001 = arith.constant 0 : i32
    %dma_start3A_1002 = tpu.memref_slice %arg4[%add3A_1000, %dma_start3A_1001] : memref<16384x768xf32, #tpu.memory_space<hbm>> -> memref<16x768xf32, #tpu.memory_space<hbm>>
    %dma_start3A_1003 = arith.constant 0 : i32
    %dma_start3A_1004 = tpu.memref_slice %arg4[%add3A_1000, %dma_start3A_1003] : memref<16384x768xf32, #tpu.memory_space<hbm>> -> memref<16x768xf32, #tpu.memory_space<hbm>>
    tpu.enqueue_dma source(%arg10 : memref<16x768xf32, #tpu.memory_space<vmem>>) target(%dma_start3A_1004 : memref<16x768xf32, #tpu.memory_space<hbm>>) target_semaphore(%arg26 : memref<!tpu.dma_semaphore, #tpu.memory_space<semaphore_mem>>)
    %dma_wait3A_1005 = arith.constant 464 : i32
    %dma_wait3A_1006 = tpu.memref_slice %arg5[%dma_wait3A_1005] : memref<512xi32, #tpu.memory_space<vmem>> -> memref<16xi32, #tpu.memory_space<vmem>>
    %dma_wait3A_1007 = arith.constant 0 : i32
    %dma_wait3A_1008 = arith.constant 0 : i32
    %dma_wait3A_1009 = tpu.memref_slice %arg2[%dma_wait3A_1007, %dma_wait3A_1008] : memref<2048x768xf32, #tpu.memory_space<hbm>> -> memref<2048x768xf32, #tpu.memory_space<hbm>>
    tpu.wait_indirect_dma semaphore(%arg19 : memref<!tpu.dma_semaphore, #tpu.memory_space<semaphore_mem>>) src(%dma_wait3A_1009 : memref<2048x768xf32, #tpu.memory_space<hbm>>) dst(%arg11 : memref<16x768xf32, #tpu.memory_space<vmem>>)
    %add3A_1010 = arith.constant 464 : i32
    %add3A_1011 = arith.addi %mul3A_2, %add3A_1010 : i32
    %dma_start3A_1012 = arith.constant 0 : i32
    %dma_start3A_1013 = tpu.memref_slice %arg4[%add3A_1011, %dma_start3A_1012] : memref<16384x768xf32, #tpu.memory_space<hbm>> -> memref<16x768xf32, #tpu.memory_space<hbm>>
    %dma_start3A_1014 = arith.constant 0 : i32
    %dma_start3A_1015 = tpu.memref_slice %arg4[%add3A_1011, %dma_start3A_1014] : memref<16384x768xf32, #tpu.memory_space<hbm>> -> memref<16x768xf32, #tpu.memory_space<hbm>>
    tpu.enqueue_dma source(%arg11 : memref<16x768xf32, #tpu.memory_space<vmem>>) target(%dma_start3A_1015 : memref<16x768xf32, #tpu.memory_space<hbm>>) target_semaphore(%arg27 : memref<!tpu.dma_semaphore, #tpu.memory_space<semaphore_mem>>)
    %dma_wait3A_1016 = arith.constant 480 : i32
    %dma_wait3A_1017 = tpu.memref_slice %arg5[%dma_wait3A_1016] : memref<512xi32, #tpu.memory_space<vmem>> -> memref<16xi32, #tpu.memory_space<vmem>>
    %dma_wait3A_1018 = arith.constant 0 : i32
    %dma_wait3A_1019 = arith.constant 0 : i32
    %dma_wait3A_1020 = tpu.memref_slice %arg2[%dma_wait3A_1018, %dma_wait3A_1019] : memref<2048x768xf32, #tpu.memory_space<hbm>> -> memref<2048x768xf32, #tpu.memory_space<hbm>>
    tpu.wait_indirect_dma semaphore(%arg20 : memref<!tpu.dma_semaphore, #tpu.memory_space<semaphore_mem>>) src(%dma_wait3A_1020 : memref<2048x768xf32, #tpu.memory_space<hbm>>) dst(%arg12 : memref<16x768xf32, #tpu.memory_space<vmem>>)
    %add3A_1021 = arith.constant 480 : i32
    %add3A_1022 = arith.addi %mul3A_2, %add3A_1021 : i32
    %dma_start3A_1023 = arith.constant 0 : i32
    %dma_start3A_1024 = tpu.memref_slice %arg4[%add3A_1022, %dma_start3A_1023] : memref<16384x768xf32, #tpu.memory_space<hbm>> -> memref<16x768xf32, #tpu.memory_space<hbm>>
    %dma_start3A_1025 = arith.constant 0 : i32
    %dma_start3A_1026 = tpu.memref_slice %arg4[%add3A_1022, %dma_start3A_1025] : memref<16384x768xf32, #tpu.memory_space<hbm>> -> memref<16x768xf32, #tpu.memory_space<hbm>>
    tpu.enqueue_dma source(%arg12 : memref<16x768xf32, #tpu.memory_space<vmem>>) target(%dma_start3A_1026 : memref<16x768xf32, #tpu.memory_space<hbm>>) target_semaphore(%arg28 : memref<!tpu.dma_semaphore, #tpu.memory_space<semaphore_mem>>)
    %dma_wait3A_1027 = arith.constant 496 : i32
    %dma_wait3A_1028 = tpu.memref_slice %arg5[%dma_wait3A_1027] : memref<512xi32, #tpu.memory_space<vmem>> -> memref<16xi32, #tpu.memory_space<vmem>>
    %dma_wait3A_1029 = arith.constant 0 : i32
    %dma_wait3A_1030 = arith.constant 0 : i32
    %dma_wait3A_1031 = tpu.memref_slice %arg2[%dma_wait3A_1029, %dma_wait3A_1030] : memref<2048x768xf32, #tpu.memory_space<hbm>> -> memref<2048x768xf32, #tpu.memory_space<hbm>>
    tpu.wait_indirect_dma semaphore(%arg21 : memref<!tpu.dma_semaphore, #tpu.memory_space<semaphore_mem>>) src(%dma_wait3A_1031 : memref<2048x768xf32, #tpu.memory_space<hbm>>) dst(%arg13 : memref<16x768xf32, #tpu.memory_space<vmem>>)
    %add3A_1032 = arith.constant 496 : i32
    %add3A_1033 = arith.addi %mul3A_2, %add3A_1032 : i32
    %dma_start3A_1034 = arith.constant 0 : i32
    %dma_start3A_1035 = tpu.memref_slice %arg4[%add3A_1033, %dma_start3A_1034] : memref<16384x768xf32, #tpu.memory_space<hbm>> -> memref<16x768xf32, #tpu.memory_space<hbm>>
    %dma_start3A_1036 = arith.constant 0 : i32
    %dma_start3A_1037 = tpu.memref_slice %arg4[%add3A_1033, %dma_start3A_1036] : memref<16384x768xf32, #tpu.memory_space<hbm>> -> memref<16x768xf32, #tpu.memory_space<hbm>>
    tpu.enqueue_dma source(%arg13 : memref<16x768xf32, #tpu.memory_space<vmem>>) target(%dma_start3A_1037 : memref<16x768xf32, #tpu.memory_space<hbm>>) target_semaphore(%arg29 : memref<!tpu.dma_semaphore, #tpu.memory_space<semaphore_mem>>)
    %add3A_1038 = arith.constant 384 : i32
    %add3A_1039 = arith.addi %mul3A_2, %add3A_1038 : i32
    %dma_wait3A_1040 = arith.constant 0 : i32
    %dma_wait3A_1041 = tpu.memref_slice %arg4[%add3A_1039, %dma_wait3A_1040] : memref<16384x768xf32, #tpu.memory_space<hbm>> -> memref<16x768xf32, #tpu.memory_space<hbm>>
    %dma_wait3A_1042 = arith.constant 0 : i32
    %dma_wait3A_1043 = tpu.memref_slice %arg4[%add3A_1039, %dma_wait3A_1042] : memref<16384x768xf32, #tpu.memory_space<hbm>> -> memref<16x768xf32, #tpu.memory_space<hbm>>
    tpu.wait_dma2 semaphore(%arg22 : memref<!tpu.dma_semaphore, #tpu.memory_space<semaphore_mem>>) src(%arg6 : memref<16x768xf32, #tpu.memory_space<vmem>>) dst(%dma_wait3A_1043 : memref<16x768xf32, #tpu.memory_space<hbm>>)
    %add3A_1044 = arith.constant 400 : i32
    %add3A_1045 = arith.addi %mul3A_2, %add3A_1044 : i32
    %dma_wait3A_1046 = arith.constant 0 : i32
    %dma_wait3A_1047 = tpu.memref_slice %arg4[%add3A_1045, %dma_wait3A_1046] : memref<16384x768xf32, #tpu.memory_space<hbm>> -> memref<16x768xf32, #tpu.memory_space<hbm>>
    %dma_wait3A_1048 = arith.constant 0 : i32
    %dma_wait3A_1049 = tpu.memref_slice %arg4[%add3A_1045, %dma_wait3A_1048] : memref<16384x768xf32, #tpu.memory_space<hbm>> -> memref<16x768xf32, #tpu.memory_space<hbm>>
    tpu.wait_dma2 semaphore(%arg23 : memref<!tpu.dma_semaphore, #tpu.memory_space<semaphore_mem>>) src(%arg7 : memref<16x768xf32, #tpu.memory_space<vmem>>) dst(%dma_wait3A_1049 : memref<16x768xf32, #tpu.memory_space<hbm>>)
    %add3A_1050 = arith.constant 416 : i32
    %add3A_1051 = arith.addi %mul3A_2, %add3A_1050 : i32
    %dma_wait3A_1052 = arith.constant 0 : i32
    %dma_wait3A_1053 = tpu.memref_slice %arg4[%add3A_1051, %dma_wait3A_1052] : memref<16384x768xf32, #tpu.memory_space<hbm>> -> memref<16x768xf32, #tpu.memory_space<hbm>>
    %dma_wait3A_1054 = arith.constant 0 : i32
    %dma_wait3A_1055 = tpu.memref_slice %arg4[%add3A_1051, %dma_wait3A_1054] : memref<16384x768xf32, #tpu.memory_space<hbm>> -> memref<16x768xf32, #tpu.memory_space<hbm>>
    tpu.wait_dma2 semaphore(%arg24 : memref<!tpu.dma_semaphore, #tpu.memory_space<semaphore_mem>>) src(%arg8 : memref<16x768xf32, #tpu.memory_space<vmem>>) dst(%dma_wait3A_1055 : memref<16x768xf32, #tpu.memory_space<hbm>>)
    %add3A_1056 = arith.constant 432 : i32
    %add3A_1057 = arith.addi %mul3A_2, %add3A_1056 : i32
    %dma_wait3A_1058 = arith.constant 0 : i32
    %dma_wait3A_1059 = tpu.memref_slice %arg4[%add3A_1057, %dma_wait3A_1058] : memref<16384x768xf32, #tpu.memory_space<hbm>> -> memref<16x768xf32, #tpu.memory_space<hbm>>
    %dma_wait3A_1060 = arith.constant 0 : i32
    %dma_wait3A_1061 = tpu.memref_slice %arg4[%add3A_1057, %dma_wait3A_1060] : memref<16384x768xf32, #tpu.memory_space<hbm>> -> memref<16x768xf32, #tpu.memory_space<hbm>>
    tpu.wait_dma2 semaphore(%arg25 : memref<!tpu.dma_semaphore, #tpu.memory_space<semaphore_mem>>) src(%arg9 : memref<16x768xf32, #tpu.memory_space<vmem>>) dst(%dma_wait3A_1061 : memref<16x768xf32, #tpu.memory_space<hbm>>)
    %add3A_1062 = arith.constant 448 : i32
    %add3A_1063 = arith.addi %mul3A_2, %add3A_1062 : i32
    %dma_wait3A_1064 = arith.constant 0 : i32
    %dma_wait3A_1065 = tpu.memref_slice %arg4[%add3A_1063, %dma_wait3A_1064] : memref<16384x768xf32, #tpu.memory_space<hbm>> -> memref<16x768xf32, #tpu.memory_space<hbm>>
    %dma_wait3A_1066 = arith.constant 0 : i32
    %dma_wait3A_1067 = tpu.memref_slice %arg4[%add3A_1063, %dma_wait3A_1066] : memref<16384x768xf32, #tpu.memory_space<hbm>> -> memref<16x768xf32, #tpu.memory_space<hbm>>
    tpu.wait_dma2 semaphore(%arg26 : memref<!tpu.dma_semaphore, #tpu.memory_space<semaphore_mem>>) src(%arg10 : memref<16x768xf32, #tpu.memory_space<vmem>>) dst(%dma_wait3A_1067 : memref<16x768xf32, #tpu.memory_space<hbm>>)
    %add3A_1068 = arith.constant 464 : i32
    %add3A_1069 = arith.addi %mul3A_2, %add3A_1068 : i32
    %dma_wait3A_1070 = arith.constant 0 : i32
    %dma_wait3A_1071 = tpu.memref_slice %arg4[%add3A_1069, %dma_wait3A_1070] : memref<16384x768xf32, #tpu.memory_space<hbm>> -> memref<16x768xf32, #tpu.memory_space<hbm>>
    %dma_wait3A_1072 = arith.constant 0 : i32
    %dma_wait3A_1073 = tpu.memref_slice %arg4[%add3A_1069, %dma_wait3A_1072] : memref<16384x768xf32, #tpu.memory_space<hbm>> -> memref<16x768xf32, #tpu.memory_space<hbm>>
    tpu.wait_dma2 semaphore(%arg27 : memref<!tpu.dma_semaphore, #tpu.memory_space<semaphore_mem>>) src(%arg11 : memref<16x768xf32, #tpu.memory_space<vmem>>) dst(%dma_wait3A_1073 : memref<16x768xf32, #tpu.memory_space<hbm>>)
    %add3A_1074 = arith.constant 480 : i32
    %add3A_1075 = arith.addi %mul3A_2, %add3A_1074 : i32
    %dma_wait3A_1076 = arith.constant 0 : i32
    %dma_wait3A_1077 = tpu.memref_slice %arg4[%add3A_1075, %dma_wait3A_1076] : memref<16384x768xf32, #tpu.memory_space<hbm>> -> memref<16x768xf32, #tpu.memory_space<hbm>>
    %dma_wait3A_1078 = arith.constant 0 : i32
    %dma_wait3A_1079 = tpu.memref_slice %arg4[%add3A_1075, %dma_wait3A_1078] : memref<16384x768xf32, #tpu.memory_space<hbm>> -> memref<16x768xf32, #tpu.memory_space<hbm>>
    tpu.wait_dma2 semaphore(%arg28 : memref<!tpu.dma_semaphore, #tpu.memory_space<semaphore_mem>>) src(%arg12 : memref<16x768xf32, #tpu.memory_space<vmem>>) dst(%dma_wait3A_1079 : memref<16x768xf32, #tpu.memory_space<hbm>>)
    %add3A_1080 = arith.constant 496 : i32
    %add3A_1081 = arith.addi %mul3A_2, %add3A_1080 : i32
    %dma_wait3A_1082 = arith.constant 0 : i32
    %dma_wait3A_1083 = tpu.memref_slice %arg4[%add3A_1081, %dma_wait3A_1082] : memref<16384x768xf32, #tpu.memory_space<hbm>> -> memref<16x768xf32, #tpu.memory_space<hbm>>
    %dma_wait3A_1084 = arith.constant 0 : i32
    %dma_wait3A_1085 = tpu.memref_slice %arg4[%add3A_1081, %dma_wait3A_1084] : memref<16384x768xf32, #tpu.memory_space<hbm>> -> memref<16x768xf32, #tpu.memory_space<hbm>>
    tpu.wait_dma2 semaphore(%arg29 : memref<!tpu.dma_semaphore, #tpu.memory_space<semaphore_mem>>) src(%arg13 : memref<16x768xf32, #tpu.memory_space<vmem>>) dst(%dma_wait3A_1085 : memref<16x768xf32, #tpu.memory_space<hbm>>)
    return
  }
}

module attributes {stable_mosaic.version = 14 : i64} {
  func.func @_mlp_body(%arg0: memref<16x512xf32, #tpu.memory_space<vmem>>, %arg1: memref<512x512xf32, #tpu.memory_space<vmem>>, %arg2: memref<1x512xf32, #tpu.memory_space<vmem>>, %arg3: memref<512x768xf32, #tpu.memory_space<vmem>>, %arg4: memref<1x768xf32, #tpu.memory_space<vmem>>, %arg5: memref<2048x768xf32, #tpu.memory_space<vmem>>) attributes {dimension_semantics = [], scalar_prefetch = 0 : i64, scratch_operands = 0 : i64, tpu.core_type = #tpu.core_type<tc>} {
    %get3A = arith.constant 0 : index
    %get3A_0 = arith.constant 0 : index
    %get3A_1 = vector.load %arg0[%get3A, %get3A_0] : memref<16x512xf32, #tpu.memory_space<vmem>>, vector<16x512xf32>
    %get3A_2 = arith.constant 0 : index
    %get3A_3 = arith.constant 0 : index
    %get3A_4 = vector.load %arg1[%get3A_2, %get3A_3] : memref<512x512xf32, #tpu.memory_space<vmem>>, vector<512x512xf32>
    %dot_general3A = arith.constant dense<0.000000e+00> : vector<16x512xf32>
    %dot_general3A_5 = tpu.matmul %get3A_1, %get3A_4, %dot_general3A {dimension_numbers = #tpu.dot_dimension_numbers<[1], [0], [0], [1], [0, 0, 1, 1], [], []>, transpose_lhs_hint = false} : vector<16x512xf32>, vector<512x512xf32>, vector<16x512xf32> -> vector<16x512xf32>
    %get3A_6 = arith.constant 0 : index
    %get3A_7 = arith.constant 0 : index
    %get3A_8 = vector.load %arg2[%get3A_6, %get3A_7] : memref<1x512xf32, #tpu.memory_space<vmem>>, vector<1x512xf32>
    %add3A = vector.broadcast %get3A_8 : vector<1x512xf32> to vector<16x512xf32>
    %add3A_9 = arith.addf %dot_general3A_5, %add3A : vector<16x512xf32>
    %logistic3A = arith.negf %add3A_9 : vector<16x512xf32>
    %logistic3A_10 = math.exp %logistic3A : vector<16x512xf32>
    %logistic3A_11 = arith.constant 1.000000e+00 : f32
    %logistic3A_12 = vector.broadcast %logistic3A_11 : f32 to vector<16x512xf32>
    %logistic3A_13 = arith.addf %logistic3A_12, %logistic3A_10 : vector<16x512xf32>
    %logistic3A_14 = arith.divf %logistic3A_12, %logistic3A_13 : vector<16x512xf32>
    %mul3A = arith.mulf %add3A_9, %logistic3A_14 : vector<16x512xf32>
    %get3A_15 = arith.constant 0 : index
    %get3A_16 = arith.constant 0 : index
    %get3A_17 = vector.load %arg3[%get3A_15, %get3A_16] : memref<512x768xf32, #tpu.memory_space<vmem>>, vector<512x768xf32>
    %dot_general3A_18 = arith.constant dense<0.000000e+00> : vector<16x768xf32>
    %dot_general3A_19 = tpu.matmul %mul3A, %get3A_17, %dot_general3A_18 {dimension_numbers = #tpu.dot_dimension_numbers<[1], [0], [0], [1], [0, 0, 1, 1], [], []>, transpose_lhs_hint = false} : vector<16x512xf32>, vector<512x768xf32>, vector<16x768xf32> -> vector<16x768xf32>
    %get3A_20 = arith.constant 0 : index
    %get3A_21 = arith.constant 0 : index
    %get3A_22 = vector.load %arg4[%get3A_20, %get3A_21] : memref<1x768xf32, #tpu.memory_space<vmem>>, vector<1x768xf32>
    %add3A_23 = vector.broadcast %get3A_22 : vector<1x768xf32> to vector<16x768xf32>
    %add3A_24 = arith.addf %dot_general3A_19, %add3A_23 : vector<16x768xf32>
    %swap3A = arith.constant 0 : index
    %swap3A_25 = arith.constant 0 : index
    %swap3A_26 = vector.load %arg5[%swap3A, %swap3A_25] : memref<2048x768xf32, #tpu.memory_space<vmem>>, vector<16x768xf32>
    tpu.vector_store %arg5[%swap3A, %swap3A_25], %add3A_24 {strides = array<i32>} : memref<2048x768xf32, #tpu.memory_space<vmem>>, vector<16x768xf32>,
    %swap3A_27 = arith.constant 16 : index
    %swap3A_28 = arith.constant 0 : index
    %swap3A_29 = vector.load %arg5[%swap3A_27, %swap3A_28] : memref<2048x768xf32, #tpu.memory_space<vmem>>, vector<16x768xf32>
    tpu.vector_store %arg5[%swap3A_27, %swap3A_28], %add3A_24 {strides = array<i32>} : memref<2048x768xf32, #tpu.memory_space<vmem>>, vector<16x768xf32>,
    %swap3A_30 = arith.constant 32 : index
    %swap3A_31 = arith.constant 0 : index
    %swap3A_32 = vector.load %arg5[%swap3A_30, %swap3A_31] : memref<2048x768xf32, #tpu.memory_space<vmem>>, vector<16x768xf32>
    tpu.vector_store %arg5[%swap3A_30, %swap3A_31], %add3A_24 {strides = array<i32>} : memref<2048x768xf32, #tpu.memory_space<vmem>>, vector<16x768xf32>,
    %swap3A_33 = arith.constant 48 : index
    %swap3A_34 = arith.constant 0 : index
    %swap3A_35 = vector.load %arg5[%swap3A_33, %swap3A_34] : memref<2048x768xf32, #tpu.memory_space<vmem>>, vector<16x768xf32>
    tpu.vector_store %arg5[%swap3A_33, %swap3A_34], %add3A_24 {strides = array<i32>} : memref<2048x768xf32, #tpu.memory_space<vmem>>, vector<16x768xf32>,
    %swap3A_36 = arith.constant 64 : index
    %swap3A_37 = arith.constant 0 : index
    %swap3A_38 = vector.load %arg5[%swap3A_36, %swap3A_37] : memref<2048x768xf32, #tpu.memory_space<vmem>>, vector<16x768xf32>
    tpu.vector_store %arg5[%swap3A_36, %swap3A_37], %add3A_24 {strides = array<i32>} : memref<2048x768xf32, #tpu.memory_space<vmem>>, vector<16x768xf32>,
    %swap3A_39 = arith.constant 80 : index
    %swap3A_40 = arith.constant 0 : index
    %swap3A_41 = vector.load %arg5[%swap3A_39, %swap3A_40] : memref<2048x768xf32, #tpu.memory_space<vmem>>, vector<16x768xf32>
    tpu.vector_store %arg5[%swap3A_39, %swap3A_40], %add3A_24 {strides = array<i32>} : memref<2048x768xf32, #tpu.memory_space<vmem>>, vector<16x768xf32>,
    %swap3A_42 = arith.constant 96 : index
    %swap3A_43 = arith.constant 0 : index
    %swap3A_44 = vector.load %arg5[%swap3A_42, %swap3A_43] : memref<2048x768xf32, #tpu.memory_space<vmem>>, vector<16x768xf32>
    tpu.vector_store %arg5[%swap3A_42, %swap3A_43], %add3A_24 {strides = array<i32>} : memref<2048x768xf32, #tpu.memory_space<vmem>>, vector<16x768xf32>,
    %swap3A_45 = arith.constant 112 : index
    %swap3A_46 = arith.constant 0 : index
    %swap3A_47 = vector.load %arg5[%swap3A_45, %swap3A_46] : memref<2048x768xf32, #tpu.memory_space<vmem>>, vector<16x768xf32>
    tpu.vector_store %arg5[%swap3A_45, %swap3A_46], %add3A_24 {strides = array<i32>} : memref<2048x768xf32, #tpu.memory_space<vmem>>, vector<16x768xf32>,
    %swap3A_48 = arith.constant 128 : index
    %swap3A_49 = arith.constant 0 : index
    %swap3A_50 = vector.load %arg5[%swap3A_48, %swap3A_49] : memref<2048x768xf32, #tpu.memory_space<vmem>>, vector<16x768xf32>
    tpu.vector_store %arg5[%swap3A_48, %swap3A_49], %add3A_24 {strides = array<i32>} : memref<2048x768xf32, #tpu.memory_space<vmem>>, vector<16x768xf32>,
    %swap3A_51 = arith.constant 144 : index
    %swap3A_52 = arith.constant 0 : index
    %swap3A_53 = vector.load %arg5[%swap3A_51, %swap3A_52] : memref<2048x768xf32, #tpu.memory_space<vmem>>, vector<16x768xf32>
    tpu.vector_store %arg5[%swap3A_51, %swap3A_52], %add3A_24 {strides = array<i32>} : memref<2048x768xf32, #tpu.memory_space<vmem>>, vector<16x768xf32>,
    %swap3A_54 = arith.constant 160 : index
    %swap3A_55 = arith.constant 0 : index
    %swap3A_56 = vector.load %arg5[%swap3A_54, %swap3A_55] : memref<2048x768xf32, #tpu.memory_space<vmem>>, vector<16x768xf32>
    tpu.vector_store %arg5[%swap3A_54, %swap3A_55], %add3A_24 {strides = array<i32>} : memref<2048x768xf32, #tpu.memory_space<vmem>>, vector<16x768xf32>,
    %swap3A_57 = arith.constant 176 : index
    %swap3A_58 = arith.constant 0 : index
    %swap3A_59 = vector.load %arg5[%swap3A_57, %swap3A_58] : memref<2048x768xf32, #tpu.memory_space<vmem>>, vector<16x768xf32>
    tpu.vector_store %arg5[%swap3A_57, %swap3A_58], %add3A_24 {strides = array<i32>} : memref<2048x768xf32, #tpu.memory_space<vmem>>, vector<16x768xf32>,
    %swap3A_60 = arith.constant 192 : index
    %swap3A_61 = arith.constant 0 : index
    %swap3A_62 = vector.load %arg5[%swap3A_60, %swap3A_61] : memref<2048x768xf32, #tpu.memory_space<vmem>>, vector<16x768xf32>
    tpu.vector_store %arg5[%swap3A_60, %swap3A_61], %add3A_24 {strides = array<i32>} : memref<2048x768xf32, #tpu.memory_space<vmem>>, vector<16x768xf32>,
    %swap3A_63 = arith.constant 208 : index
    %swap3A_64 = arith.constant 0 : index
    %swap3A_65 = vector.load %arg5[%swap3A_63, %swap3A_64] : memref<2048x768xf32, #tpu.memory_space<vmem>>, vector<16x768xf32>
    tpu.vector_store %arg5[%swap3A_63, %swap3A_64], %add3A_24 {strides = array<i32>} : memref<2048x768xf32, #tpu.memory_space<vmem>>, vector<16x768xf32>,
    %swap3A_66 = arith.constant 224 : index
    %swap3A_67 = arith.constant 0 : index
    %swap3A_68 = vector.load %arg5[%swap3A_66, %swap3A_67] : memref<2048x768xf32, #tpu.memory_space<vmem>>, vector<16x768xf32>
    tpu.vector_store %arg5[%swap3A_66, %swap3A_67], %add3A_24 {strides = array<i32>} : memref<2048x768xf32, #tpu.memory_space<vmem>>, vector<16x768xf32>,
    %swap3A_69 = arith.constant 240 : index
    %swap3A_70 = arith.constant 0 : index
    %swap3A_71 = vector.load %arg5[%swap3A_69, %swap3A_70] : memref<2048x768xf32, #tpu.memory_space<vmem>>, vector<16x768xf32>
    tpu.vector_store %arg5[%swap3A_69, %swap3A_70], %add3A_24 {strides = array<i32>} : memref<2048x768xf32, #tpu.memory_space<vmem>>, vector<16x768xf32>,
    %swap3A_72 = arith.constant 256 : index
    %swap3A_73 = arith.constant 0 : index
    %swap3A_74 = vector.load %arg5[%swap3A_72, %swap3A_73] : memref<2048x768xf32, #tpu.memory_space<vmem>>, vector<16x768xf32>
    tpu.vector_store %arg5[%swap3A_72, %swap3A_73], %add3A_24 {strides = array<i32>} : memref<2048x768xf32, #tpu.memory_space<vmem>>, vector<16x768xf32>,
    %swap3A_75 = arith.constant 272 : index
    %swap3A_76 = arith.constant 0 : index
    %swap3A_77 = vector.load %arg5[%swap3A_75, %swap3A_76] : memref<2048x768xf32, #tpu.memory_space<vmem>>, vector<16x768xf32>
    tpu.vector_store %arg5[%swap3A_75, %swap3A_76], %add3A_24 {strides = array<i32>} : memref<2048x768xf32, #tpu.memory_space<vmem>>, vector<16x768xf32>,
    %swap3A_78 = arith.constant 288 : index
    %swap3A_79 = arith.constant 0 : index
    %swap3A_80 = vector.load %arg5[%swap3A_78, %swap3A_79] : memref<2048x768xf32, #tpu.memory_space<vmem>>, vector<16x768xf32>
    tpu.vector_store %arg5[%swap3A_78, %swap3A_79], %add3A_24 {strides = array<i32>} : memref<2048x768xf32, #tpu.memory_space<vmem>>, vector<16x768xf32>,
    %swap3A_81 = arith.constant 304 : index
    %swap3A_82 = arith.constant 0 : index
    %swap3A_83 = vector.load %arg5[%swap3A_81, %swap3A_82] : memref<2048x768xf32, #tpu.memory_space<vmem>>, vector<16x768xf32>
    tpu.vector_store %arg5[%swap3A_81, %swap3A_82], %add3A_24 {strides = array<i32>} : memref<2048x768xf32, #tpu.memory_space<vmem>>, vector<16x768xf32>,
    %swap3A_84 = arith.constant 320 : index
    %swap3A_85 = arith.constant 0 : index
    %swap3A_86 = vector.load %arg5[%swap3A_84, %swap3A_85] : memref<2048x768xf32, #tpu.memory_space<vmem>>, vector<16x768xf32>
    tpu.vector_store %arg5[%swap3A_84, %swap3A_85], %add3A_24 {strides = array<i32>} : memref<2048x768xf32, #tpu.memory_space<vmem>>, vector<16x768xf32>,
    %swap3A_87 = arith.constant 336 : index
    %swap3A_88 = arith.constant 0 : index
    %swap3A_89 = vector.load %arg5[%swap3A_87, %swap3A_88] : memref<2048x768xf32, #tpu.memory_space<vmem>>, vector<16x768xf32>
    tpu.vector_store %arg5[%swap3A_87, %swap3A_88], %add3A_24 {strides = array<i32>} : memref<2048x768xf32, #tpu.memory_space<vmem>>, vector<16x768xf32>,
    %swap3A_90 = arith.constant 352 : index
    %swap3A_91 = arith.constant 0 : index
    %swap3A_92 = vector.load %arg5[%swap3A_90, %swap3A_91] : memref<2048x768xf32, #tpu.memory_space<vmem>>, vector<16x768xf32>
    tpu.vector_store %arg5[%swap3A_90, %swap3A_91], %add3A_24 {strides = array<i32>} : memref<2048x768xf32, #tpu.memory_space<vmem>>, vector<16x768xf32>,
    %swap3A_93 = arith.constant 368 : index
    %swap3A_94 = arith.constant 0 : index
    %swap3A_95 = vector.load %arg5[%swap3A_93, %swap3A_94] : memref<2048x768xf32, #tpu.memory_space<vmem>>, vector<16x768xf32>
    tpu.vector_store %arg5[%swap3A_93, %swap3A_94], %add3A_24 {strides = array<i32>} : memref<2048x768xf32, #tpu.memory_space<vmem>>, vector<16x768xf32>,
    %swap3A_96 = arith.constant 384 : index
    %swap3A_97 = arith.constant 0 : index
    %swap3A_98 = vector.load %arg5[%swap3A_96, %swap3A_97] : memref<2048x768xf32, #tpu.memory_space<vmem>>, vector<16x768xf32>
    tpu.vector_store %arg5[%swap3A_96, %swap3A_97], %add3A_24 {strides = array<i32>} : memref<2048x768xf32, #tpu.memory_space<vmem>>, vector<16x768xf32>,
    %swap3A_99 = arith.constant 400 : index
    %swap3A_100 = arith.constant 0 : index
    %swap3A_101 = vector.load %arg5[%swap3A_99, %swap3A_100] : memref<2048x768xf32, #tpu.memory_space<vmem>>, vector<16x768xf32>
    tpu.vector_store %arg5[%swap3A_99, %swap3A_100], %add3A_24 {strides = array<i32>} : memref<2048x768xf32, #tpu.memory_space<vmem>>, vector<16x768xf32>,
    %swap3A_102 = arith.constant 416 : index
    %swap3A_103 = arith.constant 0 : index
    %swap3A_104 = vector.load %arg5[%swap3A_102, %swap3A_103] : memref<2048x768xf32, #tpu.memory_space<vmem>>, vector<16x768xf32>
    tpu.vector_store %arg5[%swap3A_102, %swap3A_103], %add3A_24 {strides = array<i32>} : memref<2048x768xf32, #tpu.memory_space<vmem>>, vector<16x768xf32>,
    %swap3A_105 = arith.constant 432 : index
    %swap3A_106 = arith.constant 0 : index
    %swap3A_107 = vector.load %arg5[%swap3A_105, %swap3A_106] : memref<2048x768xf32, #tpu.memory_space<vmem>>, vector<16x768xf32>
    tpu.vector_store %arg5[%swap3A_105, %swap3A_106], %add3A_24 {strides = array<i32>} : memref<2048x768xf32, #tpu.memory_space<vmem>>, vector<16x768xf32>,
    %swap3A_108 = arith.constant 448 : index
    %swap3A_109 = arith.constant 0 : index
    %swap3A_110 = vector.load %arg5[%swap3A_108, %swap3A_109] : memref<2048x768xf32, #tpu.memory_space<vmem>>, vector<16x768xf32>
    tpu.vector_store %arg5[%swap3A_108, %swap3A_109], %add3A_24 {strides = array<i32>} : memref<2048x768xf32, #tpu.memory_space<vmem>>, vector<16x768xf32>,
    %swap3A_111 = arith.constant 464 : index
    %swap3A_112 = arith.constant 0 : index
    %swap3A_113 = vector.load %arg5[%swap3A_111, %swap3A_112] : memref<2048x768xf32, #tpu.memory_space<vmem>>, vector<16x768xf32>
    tpu.vector_store %arg5[%swap3A_111, %swap3A_112], %add3A_24 {strides = array<i32>} : memref<2048x768xf32, #tpu.memory_space<vmem>>, vector<16x768xf32>,
    %swap3A_114 = arith.constant 480 : index
    %swap3A_115 = arith.constant 0 : index
    %swap3A_116 = vector.load %arg5[%swap3A_114, %swap3A_115] : memref<2048x768xf32, #tpu.memory_space<vmem>>, vector<16x768xf32>
    tpu.vector_store %arg5[%swap3A_114, %swap3A_115], %add3A_24 {strides = array<i32>} : memref<2048x768xf32, #tpu.memory_space<vmem>>, vector<16x768xf32>,
    %swap3A_117 = arith.constant 496 : index
    %swap3A_118 = arith.constant 0 : index
    %swap3A_119 = vector.load %arg5[%swap3A_117, %swap3A_118] : memref<2048x768xf32, #tpu.memory_space<vmem>>, vector<16x768xf32>
    tpu.vector_store %arg5[%swap3A_117, %swap3A_118], %add3A_24 {strides = array<i32>} : memref<2048x768xf32, #tpu.memory_space<vmem>>, vector<16x768xf32>,
    %swap3A_120 = arith.constant 512 : index
    %swap3A_121 = arith.constant 0 : index
    %swap3A_122 = vector.load %arg5[%swap3A_120, %swap3A_121] : memref<2048x768xf32, #tpu.memory_space<vmem>>, vector<16x768xf32>
    tpu.vector_store %arg5[%swap3A_120, %swap3A_121], %add3A_24 {strides = array<i32>} : memref<2048x768xf32, #tpu.memory_space<vmem>>, vector<16x768xf32>,
    %swap3A_123 = arith.constant 528 : index
    %swap3A_124 = arith.constant 0 : index
    %swap3A_125 = vector.load %arg5[%swap3A_123, %swap3A_124] : memref<2048x768xf32, #tpu.memory_space<vmem>>, vector<16x768xf32>
    tpu.vector_store %arg5[%swap3A_123, %swap3A_124], %add3A_24 {strides = array<i32>} : memref<2048x768xf32, #tpu.memory_space<vmem>>, vector<16x768xf32>,
    %swap3A_126 = arith.constant 544 : index
    %swap3A_127 = arith.constant 0 : index
    %swap3A_128 = vector.load %arg5[%swap3A_126, %swap3A_127] : memref<2048x768xf32, #tpu.memory_space<vmem>>, vector<16x768xf32>
    tpu.vector_store %arg5[%swap3A_126, %swap3A_127], %add3A_24 {strides = array<i32>} : memref<2048x768xf32, #tpu.memory_space<vmem>>, vector<16x768xf32>,
    %swap3A_129 = arith.constant 560 : index
    %swap3A_130 = arith.constant 0 : index
    %swap3A_131 = vector.load %arg5[%swap3A_129, %swap3A_130] : memref<2048x768xf32, #tpu.memory_space<vmem>>, vector<16x768xf32>
    tpu.vector_store %arg5[%swap3A_129, %swap3A_130], %add3A_24 {strides = array<i32>} : memref<2048x768xf32, #tpu.memory_space<vmem>>, vector<16x768xf32>,
    %swap3A_132 = arith.constant 576 : index
    %swap3A_133 = arith.constant 0 : index
    %swap3A_134 = vector.load %arg5[%swap3A_132, %swap3A_133] : memref<2048x768xf32, #tpu.memory_space<vmem>>, vector<16x768xf32>
    tpu.vector_store %arg5[%swap3A_132, %swap3A_133], %add3A_24 {strides = array<i32>} : memref<2048x768xf32, #tpu.memory_space<vmem>>, vector<16x768xf32>,
    %swap3A_135 = arith.constant 592 : index
    %swap3A_136 = arith.constant 0 : index
    %swap3A_137 = vector.load %arg5[%swap3A_135, %swap3A_136] : memref<2048x768xf32, #tpu.memory_space<vmem>>, vector<16x768xf32>
    tpu.vector_store %arg5[%swap3A_135, %swap3A_136], %add3A_24 {strides = array<i32>} : memref<2048x768xf32, #tpu.memory_space<vmem>>, vector<16x768xf32>,
    %swap3A_138 = arith.constant 608 : index
    %swap3A_139 = arith.constant 0 : index
    %swap3A_140 = vector.load %arg5[%swap3A_138, %swap3A_139] : memref<2048x768xf32, #tpu.memory_space<vmem>>, vector<16x768xf32>
    tpu.vector_store %arg5[%swap3A_138, %swap3A_139], %add3A_24 {strides = array<i32>} : memref<2048x768xf32, #tpu.memory_space<vmem>>, vector<16x768xf32>,
    %swap3A_141 = arith.constant 624 : index
    %swap3A_142 = arith.constant 0 : index
    %swap3A_143 = vector.load %arg5[%swap3A_141, %swap3A_142] : memref<2048x768xf32, #tpu.memory_space<vmem>>, vector<16x768xf32>
    tpu.vector_store %arg5[%swap3A_141, %swap3A_142], %add3A_24 {strides = array<i32>} : memref<2048x768xf32, #tpu.memory_space<vmem>>, vector<16x768xf32>,
    %swap3A_144 = arith.constant 640 : index
    %swap3A_145 = arith.constant 0 : index
    %swap3A_146 = vector.load %arg5[%swap3A_144, %swap3A_145] : memref<2048x768xf32, #tpu.memory_space<vmem>>, vector<16x768xf32>
    tpu.vector_store %arg5[%swap3A_144, %swap3A_145], %add3A_24 {strides = array<i32>} : memref<2048x768xf32, #tpu.memory_space<vmem>>, vector<16x768xf32>,
    %swap3A_147 = arith.constant 656 : index
    %swap3A_148 = arith.constant 0 : index
    %swap3A_149 = vector.load %arg5[%swap3A_147, %swap3A_148] : memref<2048x768xf32, #tpu.memory_space<vmem>>, vector<16x768xf32>
    tpu.vector_store %arg5[%swap3A_147, %swap3A_148], %add3A_24 {strides = array<i32>} : memref<2048x768xf32, #tpu.memory_space<vmem>>, vector<16x768xf32>,
    %swap3A_150 = arith.constant 672 : index
    %swap3A_151 = arith.constant 0 : index
    %swap3A_152 = vector.load %arg5[%swap3A_150, %swap3A_151] : memref<2048x768xf32, #tpu.memory_space<vmem>>, vector<16x768xf32>
    tpu.vector_store %arg5[%swap3A_150, %swap3A_151], %add3A_24 {strides = array<i32>} : memref<2048x768xf32, #tpu.memory_space<vmem>>, vector<16x768xf32>,
    %swap3A_153 = arith.constant 688 : index
    %swap3A_154 = arith.constant 0 : index
    %swap3A_155 = vector.load %arg5[%swap3A_153, %swap3A_154] : memref<2048x768xf32, #tpu.memory_space<vmem>>, vector<16x768xf32>
    tpu.vector_store %arg5[%swap3A_153, %swap3A_154], %add3A_24 {strides = array<i32>} : memref<2048x768xf32, #tpu.memory_space<vmem>>, vector<16x768xf32>,
    %swap3A_156 = arith.constant 704 : index
    %swap3A_157 = arith.constant 0 : index
    %swap3A_158 = vector.load %arg5[%swap3A_156, %swap3A_157] : memref<2048x768xf32, #tpu.memory_space<vmem>>, vector<16x768xf32>
    tpu.vector_store %arg5[%swap3A_156, %swap3A_157], %add3A_24 {strides = array<i32>} : memref<2048x768xf32, #tpu.memory_space<vmem>>, vector<16x768xf32>,
    %swap3A_159 = arith.constant 720 : index
    %swap3A_160 = arith.constant 0 : index
    %swap3A_161 = vector.load %arg5[%swap3A_159, %swap3A_160] : memref<2048x768xf32, #tpu.memory_space<vmem>>, vector<16x768xf32>
    tpu.vector_store %arg5[%swap3A_159, %swap3A_160], %add3A_24 {strides = array<i32>} : memref<2048x768xf32, #tpu.memory_space<vmem>>, vector<16x768xf32>,
    %swap3A_162 = arith.constant 736 : index
    %swap3A_163 = arith.constant 0 : index
    %swap3A_164 = vector.load %arg5[%swap3A_162, %swap3A_163] : memref<2048x768xf32, #tpu.memory_space<vmem>>, vector<16x768xf32>
    tpu.vector_store %arg5[%swap3A_162, %swap3A_163], %add3A_24 {strides = array<i32>} : memref<2048x768xf32, #tpu.memory_space<vmem>>, vector<16x768xf32>,
    %swap3A_165 = arith.constant 752 : index
    %swap3A_166 = arith.constant 0 : index
    %swap3A_167 = vector.load %arg5[%swap3A_165, %swap3A_166] : memref<2048x768xf32, #tpu.memory_space<vmem>>, vector<16x768xf32>
    tpu.vector_store %arg5[%swap3A_165, %swap3A_166], %add3A_24 {strides = array<i32>} : memref<2048x768xf32, #tpu.memory_space<vmem>>, vector<16x768xf32>,
    %swap3A_168 = arith.constant 768 : index
    %swap3A_169 = arith.constant 0 : index
    %swap3A_170 = vector.load %arg5[%swap3A_168, %swap3A_169] : memref<2048x768xf32, #tpu.memory_space<vmem>>, vector<16x768xf32>
    tpu.vector_store %arg5[%swap3A_168, %swap3A_169], %add3A_24 {strides = array<i32>} : memref<2048x768xf32, #tpu.memory_space<vmem>>, vector<16x768xf32>,
    %swap3A_171 = arith.constant 784 : index
    %swap3A_172 = arith.constant 0 : index
    %swap3A_173 = vector.load %arg5[%swap3A_171, %swap3A_172] : memref<2048x768xf32, #tpu.memory_space<vmem>>, vector<16x768xf32>
    tpu.vector_store %arg5[%swap3A_171, %swap3A_172], %add3A_24 {strides = array<i32>} : memref<2048x768xf32, #tpu.memory_space<vmem>>, vector<16x768xf32>,
    %swap3A_174 = arith.constant 800 : index
    %swap3A_175 = arith.constant 0 : index
    %swap3A_176 = vector.load %arg5[%swap3A_174, %swap3A_175] : memref<2048x768xf32, #tpu.memory_space<vmem>>, vector<16x768xf32>
    tpu.vector_store %arg5[%swap3A_174, %swap3A_175], %add3A_24 {strides = array<i32>} : memref<2048x768xf32, #tpu.memory_space<vmem>>, vector<16x768xf32>,
    %swap3A_177 = arith.constant 816 : index
    %swap3A_178 = arith.constant 0 : index
    %swap3A_179 = vector.load %arg5[%swap3A_177, %swap3A_178] : memref<2048x768xf32, #tpu.memory_space<vmem>>, vector<16x768xf32>
    tpu.vector_store %arg5[%swap3A_177, %swap3A_178], %add3A_24 {strides = array<i32>} : memref<2048x768xf32, #tpu.memory_space<vmem>>, vector<16x768xf32>,
    %swap3A_180 = arith.constant 832 : index
    %swap3A_181 = arith.constant 0 : index
    %swap3A_182 = vector.load %arg5[%swap3A_180, %swap3A_181] : memref<2048x768xf32, #tpu.memory_space<vmem>>, vector<16x768xf32>
    tpu.vector_store %arg5[%swap3A_180, %swap3A_181], %add3A_24 {strides = array<i32>} : memref<2048x768xf32, #tpu.memory_space<vmem>>, vector<16x768xf32>,
    %swap3A_183 = arith.constant 848 : index
    %swap3A_184 = arith.constant 0 : index
    %swap3A_185 = vector.load %arg5[%swap3A_183, %swap3A_184] : memref<2048x768xf32, #tpu.memory_space<vmem>>, vector<16x768xf32>
    tpu.vector_store %arg5[%swap3A_183, %swap3A_184], %add3A_24 {strides = array<i32>} : memref<2048x768xf32, #tpu.memory_space<vmem>>, vector<16x768xf32>,
    %swap3A_186 = arith.constant 864 : index
    %swap3A_187 = arith.constant 0 : index
    %swap3A_188 = vector.load %arg5[%swap3A_186, %swap3A_187] : memref<2048x768xf32, #tpu.memory_space<vmem>>, vector<16x768xf32>
    tpu.vector_store %arg5[%swap3A_186, %swap3A_187], %add3A_24 {strides = array<i32>} : memref<2048x768xf32, #tpu.memory_space<vmem>>, vector<16x768xf32>,
    %swap3A_189 = arith.constant 880 : index
    %swap3A_190 = arith.constant 0 : index
    %swap3A_191 = vector.load %arg5[%swap3A_189, %swap3A_190] : memref<2048x768xf32, #tpu.memory_space<vmem>>, vector<16x768xf32>
    tpu.vector_store %arg5[%swap3A_189, %swap3A_190], %add3A_24 {strides = array<i32>} : memref<2048x768xf32, #tpu.memory_space<vmem>>, vector<16x768xf32>,
    %swap3A_192 = arith.constant 896 : index
    %swap3A_193 = arith.constant 0 : index
    %swap3A_194 = vector.load %arg5[%swap3A_192, %swap3A_193] : memref<2048x768xf32, #tpu.memory_space<vmem>>, vector<16x768xf32>
    tpu.vector_store %arg5[%swap3A_192, %swap3A_193], %add3A_24 {strides = array<i32>} : memref<2048x768xf32, #tpu.memory_space<vmem>>, vector<16x768xf32>,
    %swap3A_195 = arith.constant 912 : index
    %swap3A_196 = arith.constant 0 : index
    %swap3A_197 = vector.load %arg5[%swap3A_195, %swap3A_196] : memref<2048x768xf32, #tpu.memory_space<vmem>>, vector<16x768xf32>
    tpu.vector_store %arg5[%swap3A_195, %swap3A_196], %add3A_24 {strides = array<i32>} : memref<2048x768xf32, #tpu.memory_space<vmem>>, vector<16x768xf32>,
    %swap3A_198 = arith.constant 928 : index
    %swap3A_199 = arith.constant 0 : index
    %swap3A_200 = vector.load %arg5[%swap3A_198, %swap3A_199] : memref<2048x768xf32, #tpu.memory_space<vmem>>, vector<16x768xf32>
    tpu.vector_store %arg5[%swap3A_198, %swap3A_199], %add3A_24 {strides = array<i32>} : memref<2048x768xf32, #tpu.memory_space<vmem>>, vector<16x768xf32>,
    %swap3A_201 = arith.constant 944 : index
    %swap3A_202 = arith.constant 0 : index
    %swap3A_203 = vector.load %arg5[%swap3A_201, %swap3A_202] : memref<2048x768xf32, #tpu.memory_space<vmem>>, vector<16x768xf32>
    tpu.vector_store %arg5[%swap3A_201, %swap3A_202], %add3A_24 {strides = array<i32>} : memref<2048x768xf32, #tpu.memory_space<vmem>>, vector<16x768xf32>,
    %swap3A_204 = arith.constant 960 : index
    %swap3A_205 = arith.constant 0 : index
    %swap3A_206 = vector.load %arg5[%swap3A_204, %swap3A_205] : memref<2048x768xf32, #tpu.memory_space<vmem>>, vector<16x768xf32>
    tpu.vector_store %arg5[%swap3A_204, %swap3A_205], %add3A_24 {strides = array<i32>} : memref<2048x768xf32, #tpu.memory_space<vmem>>, vector<16x768xf32>,
    %swap3A_207 = arith.constant 976 : index
    %swap3A_208 = arith.constant 0 : index
    %swap3A_209 = vector.load %arg5[%swap3A_207, %swap3A_208] : memref<2048x768xf32, #tpu.memory_space<vmem>>, vector<16x768xf32>
    tpu.vector_store %arg5[%swap3A_207, %swap3A_208], %add3A_24 {strides = array<i32>} : memref<2048x768xf32, #tpu.memory_space<vmem>>, vector<16x768xf32>,
    %swap3A_210 = arith.constant 992 : index
    %swap3A_211 = arith.constant 0 : index
    %swap3A_212 = vector.load %arg5[%swap3A_210, %swap3A_211] : memref<2048x768xf32, #tpu.memory_space<vmem>>, vector<16x768xf32>
    tpu.vector_store %arg5[%swap3A_210, %swap3A_211], %add3A_24 {strides = array<i32>} : memref<2048x768xf32, #tpu.memory_space<vmem>>, vector<16x768xf32>,
    %swap3A_213 = arith.constant 1008 : index
    %swap3A_214 = arith.constant 0 : index
    %swap3A_215 = vector.load %arg5[%swap3A_213, %swap3A_214] : memref<2048x768xf32, #tpu.memory_space<vmem>>, vector<16x768xf32>
    tpu.vector_store %arg5[%swap3A_213, %swap3A_214], %add3A_24 {strides = array<i32>} : memref<2048x768xf32, #tpu.memory_space<vmem>>, vector<16x768xf32>,
    %swap3A_216 = arith.constant 1024 : index
    %swap3A_217 = arith.constant 0 : index
    %swap3A_218 = vector.load %arg5[%swap3A_216, %swap3A_217] : memref<2048x768xf32, #tpu.memory_space<vmem>>, vector<16x768xf32>
    tpu.vector_store %arg5[%swap3A_216, %swap3A_217], %add3A_24 {strides = array<i32>} : memref<2048x768xf32, #tpu.memory_space<vmem>>, vector<16x768xf32>,
    %swap3A_219 = arith.constant 1040 : index
    %swap3A_220 = arith.constant 0 : index
    %swap3A_221 = vector.load %arg5[%swap3A_219, %swap3A_220] : memref<2048x768xf32, #tpu.memory_space<vmem>>, vector<16x768xf32>
    tpu.vector_store %arg5[%swap3A_219, %swap3A_220], %add3A_24 {strides = array<i32>} : memref<2048x768xf32, #tpu.memory_space<vmem>>, vector<16x768xf32>,
    %swap3A_222 = arith.constant 1056 : index
    %swap3A_223 = arith.constant 0 : index
    %swap3A_224 = vector.load %arg5[%swap3A_222, %swap3A_223] : memref<2048x768xf32, #tpu.memory_space<vmem>>, vector<16x768xf32>
    tpu.vector_store %arg5[%swap3A_222, %swap3A_223], %add3A_24 {strides = array<i32>} : memref<2048x768xf32, #tpu.memory_space<vmem>>, vector<16x768xf32>,
    %swap3A_225 = arith.constant 1072 : index
    %swap3A_226 = arith.constant 0 : index
    %swap3A_227 = vector.load %arg5[%swap3A_225, %swap3A_226] : memref<2048x768xf32, #tpu.memory_space<vmem>>, vector<16x768xf32>
    tpu.vector_store %arg5[%swap3A_225, %swap3A_226], %add3A_24 {strides = array<i32>} : memref<2048x768xf32, #tpu.memory_space<vmem>>, vector<16x768xf32>,
    %swap3A_228 = arith.constant 1088 : index
    %swap3A_229 = arith.constant 0 : index
    %swap3A_230 = vector.load %arg5[%swap3A_228, %swap3A_229] : memref<2048x768xf32, #tpu.memory_space<vmem>>, vector<16x768xf32>
    tpu.vector_store %arg5[%swap3A_228, %swap3A_229], %add3A_24 {strides = array<i32>} : memref<2048x768xf32, #tpu.memory_space<vmem>>, vector<16x768xf32>,
    %swap3A_231 = arith.constant 1104 : index
    %swap3A_232 = arith.constant 0 : index
    %swap3A_233 = vector.load %arg5[%swap3A_231, %swap3A_232] : memref<2048x768xf32, #tpu.memory_space<vmem>>, vector<16x768xf32>
    tpu.vector_store %arg5[%swap3A_231, %swap3A_232], %add3A_24 {strides = array<i32>} : memref<2048x768xf32, #tpu.memory_space<vmem>>, vector<16x768xf32>,
    %swap3A_234 = arith.constant 1120 : index
    %swap3A_235 = arith.constant 0 : index
    %swap3A_236 = vector.load %arg5[%swap3A_234, %swap3A_235] : memref<2048x768xf32, #tpu.memory_space<vmem>>, vector<16x768xf32>
    tpu.vector_store %arg5[%swap3A_234, %swap3A_235], %add3A_24 {strides = array<i32>} : memref<2048x768xf32, #tpu.memory_space<vmem>>, vector<16x768xf32>,
    %swap3A_237 = arith.constant 1136 : index
    %swap3A_238 = arith.constant 0 : index
    %swap3A_239 = vector.load %arg5[%swap3A_237, %swap3A_238] : memref<2048x768xf32, #tpu.memory_space<vmem>>, vector<16x768xf32>
    tpu.vector_store %arg5[%swap3A_237, %swap3A_238], %add3A_24 {strides = array<i32>} : memref<2048x768xf32, #tpu.memory_space<vmem>>, vector<16x768xf32>,
    %swap3A_240 = arith.constant 1152 : index
    %swap3A_241 = arith.constant 0 : index
    %swap3A_242 = vector.load %arg5[%swap3A_240, %swap3A_241] : memref<2048x768xf32, #tpu.memory_space<vmem>>, vector<16x768xf32>
    tpu.vector_store %arg5[%swap3A_240, %swap3A_241], %add3A_24 {strides = array<i32>} : memref<2048x768xf32, #tpu.memory_space<vmem>>, vector<16x768xf32>,
    %swap3A_243 = arith.constant 1168 : index
    %swap3A_244 = arith.constant 0 : index
    %swap3A_245 = vector.load %arg5[%swap3A_243, %swap3A_244] : memref<2048x768xf32, #tpu.memory_space<vmem>>, vector<16x768xf32>
    tpu.vector_store %arg5[%swap3A_243, %swap3A_244], %add3A_24 {strides = array<i32>} : memref<2048x768xf32, #tpu.memory_space<vmem>>, vector<16x768xf32>,
    %swap3A_246 = arith.constant 1184 : index
    %swap3A_247 = arith.constant 0 : index
    %swap3A_248 = vector.load %arg5[%swap3A_246, %swap3A_247] : memref<2048x768xf32, #tpu.memory_space<vmem>>, vector<16x768xf32>
    tpu.vector_store %arg5[%swap3A_246, %swap3A_247], %add3A_24 {strides = array<i32>} : memref<2048x768xf32, #tpu.memory_space<vmem>>, vector<16x768xf32>,
    %swap3A_249 = arith.constant 1200 : index
    %swap3A_250 = arith.constant 0 : index
    %swap3A_251 = vector.load %arg5[%swap3A_249, %swap3A_250] : memref<2048x768xf32, #tpu.memory_space<vmem>>, vector<16x768xf32>
    tpu.vector_store %arg5[%swap3A_249, %swap3A_250], %add3A_24 {strides = array<i32>} : memref<2048x768xf32, #tpu.memory_space<vmem>>, vector<16x768xf32>,
    %swap3A_252 = arith.constant 1216 : index
    %swap3A_253 = arith.constant 0 : index
    %swap3A_254 = vector.load %arg5[%swap3A_252, %swap3A_253] : memref<2048x768xf32, #tpu.memory_space<vmem>>, vector<16x768xf32>
    tpu.vector_store %arg5[%swap3A_252, %swap3A_253], %add3A_24 {strides = array<i32>} : memref<2048x768xf32, #tpu.memory_space<vmem>>, vector<16x768xf32>,
    %swap3A_255 = arith.constant 1232 : index
    %swap3A_256 = arith.constant 0 : index
    %swap3A_257 = vector.load %arg5[%swap3A_255, %swap3A_256] : memref<2048x768xf32, #tpu.memory_space<vmem>>, vector<16x768xf32>
    tpu.vector_store %arg5[%swap3A_255, %swap3A_256], %add3A_24 {strides = array<i32>} : memref<2048x768xf32, #tpu.memory_space<vmem>>, vector<16x768xf32>,
    %swap3A_258 = arith.constant 1248 : index
    %swap3A_259 = arith.constant 0 : index
    %swap3A_260 = vector.load %arg5[%swap3A_258, %swap3A_259] : memref<2048x768xf32, #tpu.memory_space<vmem>>, vector<16x768xf32>
    tpu.vector_store %arg5[%swap3A_258, %swap3A_259], %add3A_24 {strides = array<i32>} : memref<2048x768xf32, #tpu.memory_space<vmem>>, vector<16x768xf32>,
    %swap3A_261 = arith.constant 1264 : index
    %swap3A_262 = arith.constant 0 : index
    %swap3A_263 = vector.load %arg5[%swap3A_261, %swap3A_262] : memref<2048x768xf32, #tpu.memory_space<vmem>>, vector<16x768xf32>
    tpu.vector_store %arg5[%swap3A_261, %swap3A_262], %add3A_24 {strides = array<i32>} : memref<2048x768xf32, #tpu.memory_space<vmem>>, vector<16x768xf32>,
    %swap3A_264 = arith.constant 1280 : index
    %swap3A_265 = arith.constant 0 : index
    %swap3A_266 = vector.load %arg5[%swap3A_264, %swap3A_265] : memref<2048x768xf32, #tpu.memory_space<vmem>>, vector<16x768xf32>
    tpu.vector_store %arg5[%swap3A_264, %swap3A_265], %add3A_24 {strides = array<i32>} : memref<2048x768xf32, #tpu.memory_space<vmem>>, vector<16x768xf32>,
    %swap3A_267 = arith.constant 1296 : index
    %swap3A_268 = arith.constant 0 : index
    %swap3A_269 = vector.load %arg5[%swap3A_267, %swap3A_268] : memref<2048x768xf32, #tpu.memory_space<vmem>>, vector<16x768xf32>
    tpu.vector_store %arg5[%swap3A_267, %swap3A_268], %add3A_24 {strides = array<i32>} : memref<2048x768xf32, #tpu.memory_space<vmem>>, vector<16x768xf32>,
    %swap3A_270 = arith.constant 1312 : index
    %swap3A_271 = arith.constant 0 : index
    %swap3A_272 = vector.load %arg5[%swap3A_270, %swap3A_271] : memref<2048x768xf32, #tpu.memory_space<vmem>>, vector<16x768xf32>
    tpu.vector_store %arg5[%swap3A_270, %swap3A_271], %add3A_24 {strides = array<i32>} : memref<2048x768xf32, #tpu.memory_space<vmem>>, vector<16x768xf32>,
    %swap3A_273 = arith.constant 1328 : index
    %swap3A_274 = arith.constant 0 : index
    %swap3A_275 = vector.load %arg5[%swap3A_273, %swap3A_274] : memref<2048x768xf32, #tpu.memory_space<vmem>>, vector<16x768xf32>
    tpu.vector_store %arg5[%swap3A_273, %swap3A_274], %add3A_24 {strides = array<i32>} : memref<2048x768xf32, #tpu.memory_space<vmem>>, vector<16x768xf32>,
    %swap3A_276 = arith.constant 1344 : index
    %swap3A_277 = arith.constant 0 : index
    %swap3A_278 = vector.load %arg5[%swap3A_276, %swap3A_277] : memref<2048x768xf32, #tpu.memory_space<vmem>>, vector<16x768xf32>
    tpu.vector_store %arg5[%swap3A_276, %swap3A_277], %add3A_24 {strides = array<i32>} : memref<2048x768xf32, #tpu.memory_space<vmem>>, vector<16x768xf32>,
    %swap3A_279 = arith.constant 1360 : index
    %swap3A_280 = arith.constant 0 : index
    %swap3A_281 = vector.load %arg5[%swap3A_279, %swap3A_280] : memref<2048x768xf32, #tpu.memory_space<vmem>>, vector<16x768xf32>
    tpu.vector_store %arg5[%swap3A_279, %swap3A_280], %add3A_24 {strides = array<i32>} : memref<2048x768xf32, #tpu.memory_space<vmem>>, vector<16x768xf32>,
    %swap3A_282 = arith.constant 1376 : index
    %swap3A_283 = arith.constant 0 : index
    %swap3A_284 = vector.load %arg5[%swap3A_282, %swap3A_283] : memref<2048x768xf32, #tpu.memory_space<vmem>>, vector<16x768xf32>
    tpu.vector_store %arg5[%swap3A_282, %swap3A_283], %add3A_24 {strides = array<i32>} : memref<2048x768xf32, #tpu.memory_space<vmem>>, vector<16x768xf32>,
    %swap3A_285 = arith.constant 1392 : index
    %swap3A_286 = arith.constant 0 : index
    %swap3A_287 = vector.load %arg5[%swap3A_285, %swap3A_286] : memref<2048x768xf32, #tpu.memory_space<vmem>>, vector<16x768xf32>
    tpu.vector_store %arg5[%swap3A_285, %swap3A_286], %add3A_24 {strides = array<i32>} : memref<2048x768xf32, #tpu.memory_space<vmem>>, vector<16x768xf32>,
    %swap3A_288 = arith.constant 1408 : index
    %swap3A_289 = arith.constant 0 : index
    %swap3A_290 = vector.load %arg5[%swap3A_288, %swap3A_289] : memref<2048x768xf32, #tpu.memory_space<vmem>>, vector<16x768xf32>
    tpu.vector_store %arg5[%swap3A_288, %swap3A_289], %add3A_24 {strides = array<i32>} : memref<2048x768xf32, #tpu.memory_space<vmem>>, vector<16x768xf32>,
    %swap3A_291 = arith.constant 1424 : index
    %swap3A_292 = arith.constant 0 : index
    %swap3A_293 = vector.load %arg5[%swap3A_291, %swap3A_292] : memref<2048x768xf32, #tpu.memory_space<vmem>>, vector<16x768xf32>
    tpu.vector_store %arg5[%swap3A_291, %swap3A_292], %add3A_24 {strides = array<i32>} : memref<2048x768xf32, #tpu.memory_space<vmem>>, vector<16x768xf32>,
    %swap3A_294 = arith.constant 1440 : index
    %swap3A_295 = arith.constant 0 : index
    %swap3A_296 = vector.load %arg5[%swap3A_294, %swap3A_295] : memref<2048x768xf32, #tpu.memory_space<vmem>>, vector<16x768xf32>
    tpu.vector_store %arg5[%swap3A_294, %swap3A_295], %add3A_24 {strides = array<i32>} : memref<2048x768xf32, #tpu.memory_space<vmem>>, vector<16x768xf32>,
    %swap3A_297 = arith.constant 1456 : index
    %swap3A_298 = arith.constant 0 : index
    %swap3A_299 = vector.load %arg5[%swap3A_297, %swap3A_298] : memref<2048x768xf32, #tpu.memory_space<vmem>>, vector<16x768xf32>
    tpu.vector_store %arg5[%swap3A_297, %swap3A_298], %add3A_24 {strides = array<i32>} : memref<2048x768xf32, #tpu.memory_space<vmem>>, vector<16x768xf32>,
    %swap3A_300 = arith.constant 1472 : index
    %swap3A_301 = arith.constant 0 : index
    %swap3A_302 = vector.load %arg5[%swap3A_300, %swap3A_301] : memref<2048x768xf32, #tpu.memory_space<vmem>>, vector<16x768xf32>
    tpu.vector_store %arg5[%swap3A_300, %swap3A_301], %add3A_24 {strides = array<i32>} : memref<2048x768xf32, #tpu.memory_space<vmem>>, vector<16x768xf32>,
    %swap3A_303 = arith.constant 1488 : index
    %swap3A_304 = arith.constant 0 : index
    %swap3A_305 = vector.load %arg5[%swap3A_303, %swap3A_304] : memref<2048x768xf32, #tpu.memory_space<vmem>>, vector<16x768xf32>
    tpu.vector_store %arg5[%swap3A_303, %swap3A_304], %add3A_24 {strides = array<i32>} : memref<2048x768xf32, #tpu.memory_space<vmem>>, vector<16x768xf32>,
    %swap3A_306 = arith.constant 1504 : index
    %swap3A_307 = arith.constant 0 : index
    %swap3A_308 = vector.load %arg5[%swap3A_306, %swap3A_307] : memref<2048x768xf32, #tpu.memory_space<vmem>>, vector<16x768xf32>
    tpu.vector_store %arg5[%swap3A_306, %swap3A_307], %add3A_24 {strides = array<i32>} : memref<2048x768xf32, #tpu.memory_space<vmem>>, vector<16x768xf32>,
    %swap3A_309 = arith.constant 1520 : index
    %swap3A_310 = arith.constant 0 : index
    %swap3A_311 = vector.load %arg5[%swap3A_309, %swap3A_310] : memref<2048x768xf32, #tpu.memory_space<vmem>>, vector<16x768xf32>
    tpu.vector_store %arg5[%swap3A_309, %swap3A_310], %add3A_24 {strides = array<i32>} : memref<2048x768xf32, #tpu.memory_space<vmem>>, vector<16x768xf32>,
    %swap3A_312 = arith.constant 1536 : index
    %swap3A_313 = arith.constant 0 : index
    %swap3A_314 = vector.load %arg5[%swap3A_312, %swap3A_313] : memref<2048x768xf32, #tpu.memory_space<vmem>>, vector<16x768xf32>
    tpu.vector_store %arg5[%swap3A_312, %swap3A_313], %add3A_24 {strides = array<i32>} : memref<2048x768xf32, #tpu.memory_space<vmem>>, vector<16x768xf32>,
    %swap3A_315 = arith.constant 1552 : index
    %swap3A_316 = arith.constant 0 : index
    %swap3A_317 = vector.load %arg5[%swap3A_315, %swap3A_316] : memref<2048x768xf32, #tpu.memory_space<vmem>>, vector<16x768xf32>
    tpu.vector_store %arg5[%swap3A_315, %swap3A_316], %add3A_24 {strides = array<i32>} : memref<2048x768xf32, #tpu.memory_space<vmem>>, vector<16x768xf32>,
    %swap3A_318 = arith.constant 1568 : index
    %swap3A_319 = arith.constant 0 : index
    %swap3A_320 = vector.load %arg5[%swap3A_318, %swap3A_319] : memref<2048x768xf32, #tpu.memory_space<vmem>>, vector<16x768xf32>
    tpu.vector_store %arg5[%swap3A_318, %swap3A_319], %add3A_24 {strides = array<i32>} : memref<2048x768xf32, #tpu.memory_space<vmem>>, vector<16x768xf32>,
    %swap3A_321 = arith.constant 1584 : index
    %swap3A_322 = arith.constant 0 : index
    %swap3A_323 = vector.load %arg5[%swap3A_321, %swap3A_322] : memref<2048x768xf32, #tpu.memory_space<vmem>>, vector<16x768xf32>
    tpu.vector_store %arg5[%swap3A_321, %swap3A_322], %add3A_24 {strides = array<i32>} : memref<2048x768xf32, #tpu.memory_space<vmem>>, vector<16x768xf32>,
    %swap3A_324 = arith.constant 1600 : index
    %swap3A_325 = arith.constant 0 : index
    %swap3A_326 = vector.load %arg5[%swap3A_324, %swap3A_325] : memref<2048x768xf32, #tpu.memory_space<vmem>>, vector<16x768xf32>
    tpu.vector_store %arg5[%swap3A_324, %swap3A_325], %add3A_24 {strides = array<i32>} : memref<2048x768xf32, #tpu.memory_space<vmem>>, vector<16x768xf32>,
    %swap3A_327 = arith.constant 1616 : index
    %swap3A_328 = arith.constant 0 : index
    %swap3A_329 = vector.load %arg5[%swap3A_327, %swap3A_328] : memref<2048x768xf32, #tpu.memory_space<vmem>>, vector<16x768xf32>
    tpu.vector_store %arg5[%swap3A_327, %swap3A_328], %add3A_24 {strides = array<i32>} : memref<2048x768xf32, #tpu.memory_space<vmem>>, vector<16x768xf32>,
    %swap3A_330 = arith.constant 1632 : index
    %swap3A_331 = arith.constant 0 : index
    %swap3A_332 = vector.load %arg5[%swap3A_330, %swap3A_331] : memref<2048x768xf32, #tpu.memory_space<vmem>>, vector<16x768xf32>
    tpu.vector_store %arg5[%swap3A_330, %swap3A_331], %add3A_24 {strides = array<i32>} : memref<2048x768xf32, #tpu.memory_space<vmem>>, vector<16x768xf32>,
    %swap3A_333 = arith.constant 1648 : index
    %swap3A_334 = arith.constant 0 : index
    %swap3A_335 = vector.load %arg5[%swap3A_333, %swap3A_334] : memref<2048x768xf32, #tpu.memory_space<vmem>>, vector<16x768xf32>
    tpu.vector_store %arg5[%swap3A_333, %swap3A_334], %add3A_24 {strides = array<i32>} : memref<2048x768xf32, #tpu.memory_space<vmem>>, vector<16x768xf32>,
    %swap3A_336 = arith.constant 1664 : index
    %swap3A_337 = arith.constant 0 : index
    %swap3A_338 = vector.load %arg5[%swap3A_336, %swap3A_337] : memref<2048x768xf32, #tpu.memory_space<vmem>>, vector<16x768xf32>
    tpu.vector_store %arg5[%swap3A_336, %swap3A_337], %add3A_24 {strides = array<i32>} : memref<2048x768xf32, #tpu.memory_space<vmem>>, vector<16x768xf32>,
    %swap3A_339 = arith.constant 1680 : index
    %swap3A_340 = arith.constant 0 : index
    %swap3A_341 = vector.load %arg5[%swap3A_339, %swap3A_340] : memref<2048x768xf32, #tpu.memory_space<vmem>>, vector<16x768xf32>
    tpu.vector_store %arg5[%swap3A_339, %swap3A_340], %add3A_24 {strides = array<i32>} : memref<2048x768xf32, #tpu.memory_space<vmem>>, vector<16x768xf32>,
    %swap3A_342 = arith.constant 1696 : index
    %swap3A_343 = arith.constant 0 : index
    %swap3A_344 = vector.load %arg5[%swap3A_342, %swap3A_343] : memref<2048x768xf32, #tpu.memory_space<vmem>>, vector<16x768xf32>
    tpu.vector_store %arg5[%swap3A_342, %swap3A_343], %add3A_24 {strides = array<i32>} : memref<2048x768xf32, #tpu.memory_space<vmem>>, vector<16x768xf32>,
    %swap3A_345 = arith.constant 1712 : index
    %swap3A_346 = arith.constant 0 : index
    %swap3A_347 = vector.load %arg5[%swap3A_345, %swap3A_346] : memref<2048x768xf32, #tpu.memory_space<vmem>>, vector<16x768xf32>
    tpu.vector_store %arg5[%swap3A_345, %swap3A_346], %add3A_24 {strides = array<i32>} : memref<2048x768xf32, #tpu.memory_space<vmem>>, vector<16x768xf32>,
    %swap3A_348 = arith.constant 1728 : index
    %swap3A_349 = arith.constant 0 : index
    %swap3A_350 = vector.load %arg5[%swap3A_348, %swap3A_349] : memref<2048x768xf32, #tpu.memory_space<vmem>>, vector<16x768xf32>
    tpu.vector_store %arg5[%swap3A_348, %swap3A_349], %add3A_24 {strides = array<i32>} : memref<2048x768xf32, #tpu.memory_space<vmem>>, vector<16x768xf32>,
    %swap3A_351 = arith.constant 1744 : index
    %swap3A_352 = arith.constant 0 : index
    %swap3A_353 = vector.load %arg5[%swap3A_351, %swap3A_352] : memref<2048x768xf32, #tpu.memory_space<vmem>>, vector<16x768xf32>
    tpu.vector_store %arg5[%swap3A_351, %swap3A_352], %add3A_24 {strides = array<i32>} : memref<2048x768xf32, #tpu.memory_space<vmem>>, vector<16x768xf32>,
    %swap3A_354 = arith.constant 1760 : index
    %swap3A_355 = arith.constant 0 : index
    %swap3A_356 = vector.load %arg5[%swap3A_354, %swap3A_355] : memref<2048x768xf32, #tpu.memory_space<vmem>>, vector<16x768xf32>
    tpu.vector_store %arg5[%swap3A_354, %swap3A_355], %add3A_24 {strides = array<i32>} : memref<2048x768xf32, #tpu.memory_space<vmem>>, vector<16x768xf32>,
    %swap3A_357 = arith.constant 1776 : index
    %swap3A_358 = arith.constant 0 : index
    %swap3A_359 = vector.load %arg5[%swap3A_357, %swap3A_358] : memref<2048x768xf32, #tpu.memory_space<vmem>>, vector<16x768xf32>
    tpu.vector_store %arg5[%swap3A_357, %swap3A_358], %add3A_24 {strides = array<i32>} : memref<2048x768xf32, #tpu.memory_space<vmem>>, vector<16x768xf32>,
    %swap3A_360 = arith.constant 1792 : index
    %swap3A_361 = arith.constant 0 : index
    %swap3A_362 = vector.load %arg5[%swap3A_360, %swap3A_361] : memref<2048x768xf32, #tpu.memory_space<vmem>>, vector<16x768xf32>
    tpu.vector_store %arg5[%swap3A_360, %swap3A_361], %add3A_24 {strides = array<i32>} : memref<2048x768xf32, #tpu.memory_space<vmem>>, vector<16x768xf32>,
    %swap3A_363 = arith.constant 1808 : index
    %swap3A_364 = arith.constant 0 : index
    %swap3A_365 = vector.load %arg5[%swap3A_363, %swap3A_364] : memref<2048x768xf32, #tpu.memory_space<vmem>>, vector<16x768xf32>
    tpu.vector_store %arg5[%swap3A_363, %swap3A_364], %add3A_24 {strides = array<i32>} : memref<2048x768xf32, #tpu.memory_space<vmem>>, vector<16x768xf32>,
    %swap3A_366 = arith.constant 1824 : index
    %swap3A_367 = arith.constant 0 : index
    %swap3A_368 = vector.load %arg5[%swap3A_366, %swap3A_367] : memref<2048x768xf32, #tpu.memory_space<vmem>>, vector<16x768xf32>
    tpu.vector_store %arg5[%swap3A_366, %swap3A_367], %add3A_24 {strides = array<i32>} : memref<2048x768xf32, #tpu.memory_space<vmem>>, vector<16x768xf32>,
    %swap3A_369 = arith.constant 1840 : index
    %swap3A_370 = arith.constant 0 : index
    %swap3A_371 = vector.load %arg5[%swap3A_369, %swap3A_370] : memref<2048x768xf32, #tpu.memory_space<vmem>>, vector<16x768xf32>
    tpu.vector_store %arg5[%swap3A_369, %swap3A_370], %add3A_24 {strides = array<i32>} : memref<2048x768xf32, #tpu.memory_space<vmem>>, vector<16x768xf32>,
    %swap3A_372 = arith.constant 1856 : index
    %swap3A_373 = arith.constant 0 : index
    %swap3A_374 = vector.load %arg5[%swap3A_372, %swap3A_373] : memref<2048x768xf32, #tpu.memory_space<vmem>>, vector<16x768xf32>
    tpu.vector_store %arg5[%swap3A_372, %swap3A_373], %add3A_24 {strides = array<i32>} : memref<2048x768xf32, #tpu.memory_space<vmem>>, vector<16x768xf32>,
    %swap3A_375 = arith.constant 1872 : index
    %swap3A_376 = arith.constant 0 : index
    %swap3A_377 = vector.load %arg5[%swap3A_375, %swap3A_376] : memref<2048x768xf32, #tpu.memory_space<vmem>>, vector<16x768xf32>
    tpu.vector_store %arg5[%swap3A_375, %swap3A_376], %add3A_24 {strides = array<i32>} : memref<2048x768xf32, #tpu.memory_space<vmem>>, vector<16x768xf32>,
    %swap3A_378 = arith.constant 1888 : index
    %swap3A_379 = arith.constant 0 : index
    %swap3A_380 = vector.load %arg5[%swap3A_378, %swap3A_379] : memref<2048x768xf32, #tpu.memory_space<vmem>>, vector<16x768xf32>
    tpu.vector_store %arg5[%swap3A_378, %swap3A_379], %add3A_24 {strides = array<i32>} : memref<2048x768xf32, #tpu.memory_space<vmem>>, vector<16x768xf32>,
    %swap3A_381 = arith.constant 1904 : index
    %swap3A_382 = arith.constant 0 : index
    %swap3A_383 = vector.load %arg5[%swap3A_381, %swap3A_382] : memref<2048x768xf32, #tpu.memory_space<vmem>>, vector<16x768xf32>
    tpu.vector_store %arg5[%swap3A_381, %swap3A_382], %add3A_24 {strides = array<i32>} : memref<2048x768xf32, #tpu.memory_space<vmem>>, vector<16x768xf32>,
    %swap3A_384 = arith.constant 1920 : index
    %swap3A_385 = arith.constant 0 : index
    %swap3A_386 = vector.load %arg5[%swap3A_384, %swap3A_385] : memref<2048x768xf32, #tpu.memory_space<vmem>>, vector<16x768xf32>
    tpu.vector_store %arg5[%swap3A_384, %swap3A_385], %add3A_24 {strides = array<i32>} : memref<2048x768xf32, #tpu.memory_space<vmem>>, vector<16x768xf32>,
    %swap3A_387 = arith.constant 1936 : index
    %swap3A_388 = arith.constant 0 : index
    %swap3A_389 = vector.load %arg5[%swap3A_387, %swap3A_388] : memref<2048x768xf32, #tpu.memory_space<vmem>>, vector<16x768xf32>
    tpu.vector_store %arg5[%swap3A_387, %swap3A_388], %add3A_24 {strides = array<i32>} : memref<2048x768xf32, #tpu.memory_space<vmem>>, vector<16x768xf32>,
    %swap3A_390 = arith.constant 1952 : index
    %swap3A_391 = arith.constant 0 : index
    %swap3A_392 = vector.load %arg5[%swap3A_390, %swap3A_391] : memref<2048x768xf32, #tpu.memory_space<vmem>>, vector<16x768xf32>
    tpu.vector_store %arg5[%swap3A_390, %swap3A_391], %add3A_24 {strides = array<i32>} : memref<2048x768xf32, #tpu.memory_space<vmem>>, vector<16x768xf32>,
    %swap3A_393 = arith.constant 1968 : index
    %swap3A_394 = arith.constant 0 : index
    %swap3A_395 = vector.load %arg5[%swap3A_393, %swap3A_394] : memref<2048x768xf32, #tpu.memory_space<vmem>>, vector<16x768xf32>
    tpu.vector_store %arg5[%swap3A_393, %swap3A_394], %add3A_24 {strides = array<i32>} : memref<2048x768xf32, #tpu.memory_space<vmem>>, vector<16x768xf32>,
    %swap3A_396 = arith.constant 1984 : index
    %swap3A_397 = arith.constant 0 : index
    %swap3A_398 = vector.load %arg5[%swap3A_396, %swap3A_397] : memref<2048x768xf32, #tpu.memory_space<vmem>>, vector<16x768xf32>
    tpu.vector_store %arg5[%swap3A_396, %swap3A_397], %add3A_24 {strides = array<i32>} : memref<2048x768xf32, #tpu.memory_space<vmem>>, vector<16x768xf32>,
    %swap3A_399 = arith.constant 2000 : index
    %swap3A_400 = arith.constant 0 : index
    %swap3A_401 = vector.load %arg5[%swap3A_399, %swap3A_400] : memref<2048x768xf32, #tpu.memory_space<vmem>>, vector<16x768xf32>
    tpu.vector_store %arg5[%swap3A_399, %swap3A_400], %add3A_24 {strides = array<i32>} : memref<2048x768xf32, #tpu.memory_space<vmem>>, vector<16x768xf32>,
    %swap3A_402 = arith.constant 2016 : index
    %swap3A_403 = arith.constant 0 : index
    %swap3A_404 = vector.load %arg5[%swap3A_402, %swap3A_403] : memref<2048x768xf32, #tpu.memory_space<vmem>>, vector<16x768xf32>
    tpu.vector_store %arg5[%swap3A_402, %swap3A_403], %add3A_24 {strides = array<i32>} : memref<2048x768xf32, #tpu.memory_space<vmem>>, vector<16x768xf32>,
    %swap3A_405 = arith.constant 2032 : index
    %swap3A_406 = arith.constant 0 : index
    %swap3A_407 = vector.load %arg5[%swap3A_405, %swap3A_406] : memref<2048x768xf32, #tpu.memory_space<vmem>>, vector<16x768xf32>
    tpu.vector_store %arg5[%swap3A_405, %swap3A_406], %add3A_24 {strides = array<i32>} : memref<2048x768xf32, #tpu.memory_space<vmem>>, vector<16x768xf32>,
    return
  }
}

</mosaic_0001>

<sc_bundles>
// kernel: kernel.4.cloned.1.call-start
scs
__scs_entry_jumppad:
0x0: {  	(pc) =	sbr.rel $0x88, $3  }
0x1: {  	(tag) =	ssettag $0x0;
	lr =	simm.s32 $0x1  }
0x2: {  	[smem:$0x3F9B] =	sst lr;
	_ =	strace $0xD0000000  }
0x3: {  	_ = 	snop  }
0x4: {  	_ = 	snop  }
0x5: {  	_ = 	snop  }
0x6: {  	_ = 	snop  }
0x7: {  	_ = 	snop  }
__scs_overlays_trampoline_lowered:
0x8: {  	[smem:$0x3FAA] =	sst s0  }
0x9: {  	[smem:$0x3FAB] =	sst s1  }
0xa: {  	[smem:$0x3FAC] =	sst s2  }
0xb: {  	[smem:$0x3FAD] =	sst s3  }
0xc: {  	[smem:$0x3FAE] =	sst s4  }
0xd: {  	[smem:$0x3FAF] =	sst s5  }
0xe: {  	[smem:$0x3FB0] =	sst s6  }
0xf: {  	[smem:$0x3FB1] =	sst s7  }
0x10: {  	[smem:$0x3FB2] =	sst s8  }
0x11: {  	[smem:$0x3FB3] =	sst s9;
	s0 =	simm.s32 @!p0 $0x0  }
0x12: {  	s1 =	sld [smem:$0x3F99];
	s0 =	simm.s32 @p0 $0x1  }
0x13: {  	[smem:$0x3FB4] =	sst s0;
	s0 =	simm.s32 @!p1 $0x0  }
0x14: {  	s2 =	sld [smem:$0x3F98];
	s0 =	simm.s32 @p1 $0x1  }
0x15: {  	[smem:$0x3FB5] =	sst s0;
	s0 =	simm.s32 @!p2 $0x0  }
0x16: {  	s3 =	sld [smem:$0x3FDB];
	s0 =	simm.s32 @p2 $0x1  }
0x17: {  	s4 =	simm.s32 $0x1BF5;
	[smem:$0x3FB7] =	sst s0  }
0x18: {  	s0 =	sld [smem:$0x3F9A];
	_ =	swait.ge [sflag:s4], $0x0  }
0x19: {  	s7 =	sld [smem:$0x3F9B]  }
0x1a: {  	s8 =	sadd.s32 $0xFFFFE003, lr  }
0x1b: {  	s9 =	sadd.s32 $0xFFFFFEF7, lr;
	s5 =	simm.s32 $0xFFFFFFFF;
	p2 =	slt.u32 s8, $0xFFFFF086  }
0x1c: {  	p1 =	slt.u32 s9, $0xF7A;
	s5 =	simm.s32 @!p2 $0x0  }
0x1d: {  	s5 =	simm.s32 @p1 $0x1;
	p0 =	seq.s32 s7, s2  }
0x1e: {  	s7 =	smul.u32 @!p0 $0xF7A, s2;
	p2 =	seq.s32 @!p0 s5, $0x0  }
0x1f: {  	s9 =	smul.u32 $0xF7A, s1;
	s8 =	simm.s32 @!p0 $0x1BF5;
	p2 =	por !p2, p0  }
0x20: {  	[sflag:s8] =	ssyncset.s32 @!p0 $0xFFFFF086;
	s6 =	sadd.s32 @!p0 s3, s7;
	s7 =	simm.s32 @!p0 $0x108  }
0x21: {  	s3 =	sadd.s32 s3, s9;
	s6 =	sadd.s32 @!p0 $0x88, s6;
	s7 =	simm.s32 @p2 $0x1082  }
0x22: {  	[simem:s7], [sflag:s8] =	dma.local @!p0 [hbm:s6], $0xF7A  }
0x23: {  	s9 =	sor.u32 $0xD0000000, s2;
	s6 =	simm.s32 $0x108;
	_ =	swait.ge @!p0 [sflag:s8], $0x0  }
0x24: {  	s3 =	sadd.s32 $0x88, s3;
	s6 =	simm.s32 @!p1 $0x1082;
	[sflag:s4] =	ssyncset.s32 $0xFFFFF086  }
0x25: {  	[simem:s6], [sflag:s4] =	dma.local [hbm:s3], $0xF7A  }
0x26: {  	[smem:$0x3F9B] =	sst s1;
	(tag) =	ssettag s2;
	_ =	strace s9  }
0x27: {  	s1 =	sld [smem:$0x3FAB]  }
0x28: {  	s2 =	sld [smem:$0x3FAC]  }
0x29: {  	s4 =	sld [smem:$0x3FAE]  }
0x2a: {  	p0 =	seq.s32 s5, $0x0;
	s5 =	sld [smem:$0x3FAF]  }
0x2b: {  	s6 =	sld [smem:$0x3FB0]  }
0x2c: {  	s7 =	sld [smem:$0x3FB1]  }
0x2d: {  	s3 =	simm.s32 $0x108;
	s8 =	sld [smem:$0x3FB2]  }
0x2e: {  	s3 =	simm.s32 @!p0 $0x1082;
	s9 =	sld [smem:$0x3FB3]  }
0x2f: {  	lr =	sadd.s32 s0, s3;
	s0 =	sld [smem:$0x3FAA]  }
0x30: {  	s3 =	sld [smem:$0x3FAD]  }
0x31: {  	[smem:$0x3FB6] =	sst s10  }
0x32: {  	s10 =	sld [smem:$0x3FB4];
	_ =	sdelay $0x3  }
0x33: {  	p0 =	seq.s32 s10, $0x1;
	s10 =	sld [smem:$0x3FB6];
	_ =	sdelay $0x3  }
0x34: {  	[smem:$0x3FB6] =	sst s10  }
0x35: {  	s10 =	sld [smem:$0x3FB5];
	_ =	sdelay $0x3  }
0x36: {  	p1 =	seq.s32 s10, $0x1;
	s10 =	sld [smem:$0x3FB6];
	_ =	sdelay $0x3  }
0x37: {  	[smem:$0x3FB6] =	sst s10  }
0x38: {  	s10 =	sld [smem:$0x3FB7]  }
0x39: {  	_ = 	snop;
	(pc) =	sbr.ind lr, $3  }
0x3a: {  	_ = 	snop  }
0x3b: {  	_ = 	snop  }
0x3c: {  	p2 =	seq.s32 s10, $0x1;
	s10 =	sld [smem:$0x3FB6]  }
0x3d: {  	_ =	shalt  }
0x3e: {  	_ =	shalt  }
0x3f: {  	_ =	shalt  }
0x40: {  	_ =	shalt  }
0x41: {  	_ =	shalt  }
0x42: {  	_ =	shalt  }
0x43: {  	_ =	shalt  }
0x44: {  	_ =	shalt  }
0x45: {  	_ =	shalt  }
0x46: {  	_ =	shalt  }
0x47: {  	_ =	shalt  }
0x48: {  	_ =	shalt  }
0x49: {  	_ =	shalt  }
0x4a: {  	_ =	shalt  }
0x4b: {  	_ =	shalt  }
0x4c: {  	_ =	shalt  }
0x4d: {  	_ =	shalt  }
0x4e: {  	_ =	shalt  }
0x4f: {  	_ =	shalt  }
0x50: {  	_ =	shalt  }
0x51: {  	_ =	shalt  }
0x52: {  	_ =	shalt  }
0x53: {  	_ =	shalt  }
0x54: {  	_ =	shalt  }
0x55: {  	_ =	shalt  }
0x56: {  	_ =	shalt  }
0x57: {  	_ =	shalt  }
0x58: {  	_ =	shalt  }
0x59: {  	_ =	shalt  }
0x5a: {  	_ =	shalt  }
0x5b: {  	_ =	shalt  }
0x5c: {  	_ =	shalt  }
0x5d: {  	_ =	shalt  }
0x5e: {  	_ =	shalt  }
0x5f: {  	_ =	shalt  }
0x60: {  	_ =	shalt  }
0x61: {  	_ =	shalt  }
0x62: {  	_ =	shalt  }
0x63: {  	_ =	shalt  }
0x64: {  	_ =	shalt  }
0x65: {  	_ =	shalt  }
0x66: {  	_ =	shalt  }
0x67: {  	_ =	shalt  }
0x68: {  	_ =	shalt  }
0x69: {  	_ =	shalt  }
0x6a: {  	_ =	shalt  }
0x6b: {  	_ =	shalt  }
0x6c: {  	_ =	shalt  }
0x6d: {  	_ =	shalt  }
0x6e: {  	_ =	shalt  }
0x6f: {  	_ =	shalt  }
0x70: {  	_ =	shalt  }
0x71: {  	_ =	shalt  }
0x72: {  	_ =	shalt  }
0x73: {  	_ =	shalt  }
0x74: {  	_ =	shalt  }
0x75: {  	_ =	shalt  }
0x76: {  	_ =	shalt  }
0x77: {  	_ =	shalt  }
0x78: {  	_ =	shalt  }
0x79: {  	_ =	shalt  }
0x7a: {  	_ =	shalt  }
0x7b: {  	_ =	shalt  }
0x7c: {  	_ =	shalt  }
0x7d: {  	_ =	shalt  }
0x7e: {  	_ =	shalt  }
0x7f: {  	_ =	shalt  }
0x80: {  	_ =	shalt  }
0x81: {  	_ =	shalt  }
0x82: {  	_ =	shalt  }
0x83: {  	_ =	shalt  }
0x84: {  	_ =	shalt  }
0x85: {  	_ =	shalt  }
0x86: {  	_ =	shalt  }
0x87: {  	_ =	shalt  }
.Lfunc_end0:
.L_simem_size_0:
called_computation_lowered:
.L_overlay_start_0:
0x88: {  	s2 =	sld [smem:$0x3FD9]  }
0x89: {  	s3 =	sld [smem:$0x3FFE];
	_ =	sdelay $0x1  }
0x8a: {  	s1 =	srdreg.scid  }
0x8b: {  	s0 =	sand.u32 $0x1, s1  }
0x8c: {  	s17 =	sshll.u32 s0, $0xA;
	s2 =	sadd.s32 s3, s2  }
0x8d: {  	s2 =	sadd.s32 s2, s17  }
0x8e: {  	[smem:$0x3FC2] =	sst s2  }
0x8f: {  	_ = 	snop  }
0x90: {  	s2 =	sld [smem:$0x3FC9]  }
0x91: {  	s18 =	sld [smem:$0x3FD0];
	(tm) =	ssettm $0x1  }
0x92: {  	s4 =	sld [smem:$0x3FFB];
	_ =	sdelay $0x3  }
0x93: {  	_ =	strace s4  }
0x94: {  	s4 =	sld [smem:$0x3FFC];
	_ =	sdelay $0x3  }
0x95: {  	_ =	strace s4  }
0x96: {  	s4 =	sld [smem:$0x3FFD];
	_ =	sdelay $0x3  }
0x97: {  	_ =	strace s4  }
0x98: {  	_ =	strace $0x8FFFFFFF  }
0x99: {  	s19 =	sld [smem:$0x3FDB];
	_ =	sdelay $0x1  }
0x9a: {  	s5 =	simm.s32 $_scs_section_size  }
0x9b: {  	s6 =	simm.s32 $_size__tile_overlayer_lowered;
	s7 =	simm.s32 $_tile_overlayer_lowered  }
0x9c: {  	s22 =	simm.s32 $0x1BFF;
	s21 =	sshll.u32 s7, $0x1;
	s4 =	sadd.s32 s5, s19  }
0x9d: {  	s8 =	simm.s32 $0x0;
	s20 =	sshll.u32 s6, $0x1;
	s6 =	sadd.s32 s21, s4  }
0x9e: {  	[timem:s8], [sflag:s22] =	dma.local [hbm:s6], s20  }
0x9f: {  	_ =	swait.ge [sflag:s22], s20  }
0xa0: {  	s5 =	ssub.s32 $0x0, s20;
	[sflag:s22] =	ssyncset.done $0x0  }
0xa1: {  	[sflag:s22] =	ssyncadd.s32 s5;
	_ =	sdelay $0x1  }
0xa2: {  	s23 =	simm.s32 $0x1B8B  }
0xa3: {  	_ =	swait.ge [sflag:s23], $0x1  }
0xa4: {  	[sflag:s23] =	ssyncset.done $0x0  }
0xa5: {  	s25 =	simm.s32 $0x1B8E;
	s24 =	sld [smem:$0x3FFE];
	[sflag:s23] =	ssyncadd.s32 $0xFFFFFFFF  }
0xa6: {  	s26 =	simm.s32 $execute0_lowered;
	[smem:$0x3FD2] =	sst s25  }
0xa7: {  	s6 =	sshll.u32 s26, $0x1;
	_ =	strace $0x80000046;
	[dreg:$0x1] =	wrdreg $0xFFFFFFFF  }
0xa8: {  	s28 =	simm.s32 $_size_execute0_lowered;
	s4 =	sadd.s32 s4, s6;
	[dreg:$0x0] =	wrdreg $0x0  }
0xa9: {  	s6 =	sshll.u32 s28, $0x1;
	[dreg:$0x2] =	wrdreg s4  }
0xaa: {  	[dreg:$0x3] =	wrdreg s6  }
0xab: {  	[dreg:$0x4] =	wrdreg $0xC0  }
0xac: {  	_ =	task [dreg:s8], $0x5FFFF  }
0xad: {  	[dreg:$0x1] =	wrdreg $0xFFFFFFFF  }
0xae: {  	[dreg:$0x0] =	wrdreg $0x60  }
0xaf: {  	[dreg:$0x2] =	wrdreg s24  }
0xb0: {  	[dreg:$0x3] =	wrdreg s2  }
0xb1: {  	[dreg:$0x4] =	wrdreg s18  }
0xb2: {  	[dreg:$0x5] =	wrdreg $0x9  }
0xb3: {  	_ =	task.clear_ibuf [dreg:s8], $0x6FFFF;
	_ =	strace $0x90000046  }
0xb4: {  	s29 =	simm.s32 $0x9;
	_ =	strace $0x80000048  }
0xb5: {  	_ =	swait.ge [sflag:s29], $0x1  }
0xb6: {  	[sflag:s29] =	ssyncadd.s32 $0xFFFFFFFF  }
0xb7: {  	_ =	strace $0x90000048  }
0xb8: {  	_ =	sfence  }
0xb9: {  	s30 =	sld [smem:$0x0];
	_ =	sdelay $0x2  }
0xba: {  	s31 =	sshll.u32 s1, $0xD;
	s1 =	sshrl.u32 s1, $0x2  }
0xbb: {  	s3 =	sand.u32 $0x4000, s31;
	s1 =	sadd.s32 s1, s30  }
0xbc: {  	s0 =	sor.u32 s3, s0;
	s1 =	sshll.u32 s1, $0x11  }
0xbd: {  	s0 =	sor.u32 s1, s0  }
0xbe: {  	s0 =	sadd.s32 $0x8F2B, s0  }
0xbf: {  	[sflag:s0] =	ssyncadd.remote.s32 $0x1  }
0xc0: {  	_ =	sfence.sel $0xFFFF  }
0xc1: {  	[dreg:$0x0] =	wrdreg $0xFFFFFFFF;
	(pc) =	sbr.abs _section_cstart, $3  }
0xc2: {  	[dreg:$0x1] =	wrdreg $0xFFFFFFFF  }
0xc3: {  	_ =	task.clear_ibuf [dreg:s8], $0x2FFFF;
	_ =	strace $0x9FFFFFFF  }
0xc4: {  	(tm) =	ssettm $0x7FFFFFFF  }
0xc5: {  	_ =	shalt  }
tec
execute0_lowered:
.L_overlay_start_1:
0x0: {  	(tag) =	ssettag $0x1  }
0x1: {  	s1 =	rddreg [dreg:$0x0]  }
0x2: {  	s0 =	srdreg.scid;
	s2 =	stileid.u32  }
0x3: {  	s4 =	rddreg [dreg:$0x1];
	s3 =	sand.u32 $0x1, s0;
	s22 =	sshll.u32 s2, $0x1  }
0x4: {  	s5 =	rddreg [dreg:$0x2];
	s6 =	sor.u32 s3, s22  }
0x5: {  	s2 =	simm.s32 $0x0;
	s7 =	smul.u32 $0xC000, s6;
	s0 =	sshll.u32 s6, $0x6  }
0x6: {  	[smem:$0x7FF] =	sst s2;
	s4 =	sadd.s32 s4, s0  }
0x7: {  	_ =	strace $0x80000047;
	s7 =	sadd.s32 s5, s7;
	[dreg:$0x4] =	wrdreg s4  }
0x8: {  	s23 =	sadd.s32 $0x600, s7;
	[smem:$0x7F9] =	sst s7  }
0x9: {  	s24 =	sadd.s32 $0xC00, s7;
	[dreg:$0x5] =	wrdreg s23  }
0xa: {  	s25 =	sadd.s32 $0x1200, s7;
	[dreg:$0x6] =	wrdreg s24  }
0xb: {  	s26 =	sadd.s32 $0x1800, s7;
	[dreg:$0x7] =	wrdreg s25  }
0xc: {  	s28 =	sadd.s32 $0x1E00, s7;
	[dreg:$0x8] =	wrdreg s26  }
0xd: {  	s29 =	sadd.s32 $0x2400, s7;
	[dreg:$0x9] =	wrdreg s28  }
0xe: {  	s6 =	smul.u32 $0x60000, s6;
	s30 =	sadd.s32 $0x2A00, s7;
	[dreg:$0xa] =	wrdreg s29  }
0xf: {  	s31 =	sadd.s32 $0x3000, s7;
	[dreg:$0xb] =	wrdreg s30  }
0x10: {  	s6 =	sshrl.u32 s6, $0x3;
	s8 =	sadd.s32 $0x3600, s7;
	[dreg:$0xc] =	wrdreg s31  }
0x11: {  	s9 =	sadd.s32 $0x3C00, s7;
	s5 =	sadd.s32 s5, s6;
	[dreg:$0xd] =	wrdreg s8  }
0x12: {  	[dreg:$0xe] =	wrdreg s9;
	s10 =	sadd.s32 $0x4200, s5  }
0x13: {  	s11 =	sadd.s32 $0x4800, s5;
	[dreg:$0xf] =	wrdreg s10  }
0x14: {  	s12 =	sadd.s32 $0x4E00, s5;
	[dreg:$0x10] =	wrdreg s11  }
0x15: {  	s13 =	sadd.s32 $0x5400, s5;
	[dreg:$0x11] =	wrdreg s12  }
0x16: {  	s14 =	sadd.s32 $0x5A00, s5;
	[dreg:$0x12] =	wrdreg s13  }
0x17: {  	s15 =	sadd.s32 $0x6000, s5;
	[dreg:$0x13] =	wrdreg s14  }
0x18: {  	s16 =	sadd.s32 $0x6600, s5;
	[dreg:$0x14] =	wrdreg s15  }
0x19: {  	s17 =	sadd.s32 $0x6C00, s5;
	[dreg:$0x15] =	wrdreg s16  }
0x1a: {  	s18 =	sadd.s32 $0x7200, s5;
	[dreg:$0x16] =	wrdreg s17  }
0x1b: {  	s19 =	sadd.s32 $0x7800, s5;
	[dreg:$0x17] =	wrdreg s18  }
0x1c: {  	s20 =	sadd.s32 $0x7E00, s5;
	[dreg:$0x18] =	wrdreg s19  }
0x1d: {  	s21 =	sadd.s32 $0x8400, s5;
	[dreg:$0x19] =	wrdreg s20  }
0x1e: {  	s22 =	sadd.s32 $0x8A00, s5;
	[dreg:$0x1a] =	wrdreg s21  }
0x1f: {  	s3 =	ssub.s32 $0x2, s3;
	s6 =	sadd.s32 $0x9000, s5;
	[dreg:$0x1b] =	wrdreg s22  }
0x20: {  	s4 =	sadd.s32 $0xE00, s1;
	s23 =	sadd.s32 $0x9600, s5;
	[dreg:$0x1c] =	wrdreg s6  }
0x21: {  	s24 =	sadd.s32 $0x9C00, s5;
	s25 =	sshrl.u32 s3, $0x1;
	[dreg:$0x1d] =	wrdreg s23  }
0x22: {  	s26 =	sadd.s32 $0xA200, s5;
	s28 =	sadd.s32 $0xA800, s5;
	[dreg:$0x1e] =	wrdreg s24  }
0x23: {  	s29 =	sadd.s32 $0xAE00, s5;
	s30 =	sadd.s32 $0xB400, s5;
	[dreg:$0x1f] =	wrdreg s26  }
0x24: {  	s31 =	sadd.s32 $0xBA00, s5;
	s5 =	sadd.s32 $0xF00, s1;
	[smem:$0x7FA] =	sst s28  }
0x25: {  	v6 =	vlaneseq.u32;
	s3 =	ssub.s32 s3, s25;
	s20 =	sor.u32 $0x10, s0;
	[smem:$0x7FB] =	sst s29  }
0x26: {  	vm0 =	vmmov $0xffff;
	v4 =	vand.u32 $0x7, v6;
	v5 =	vshrl.u32 v6, $0x3;
	s23 =	sor.u32 $0x20, s0;
	s25 =	sor.u32 $0x30, s0;
	[smem:$0x7FC] =	sst s30  }
0x27: {  	v6 =	vor.u32 $0x8, v6;
	v5 =	vmul.u32 $0x8, v5;
	v0 =	vmov s0;
	s6 =	sadd.s32 $0x1000, s1;
	[smem:$0x7FD] =	sst s31;
	s22 =	simm.s32 $0x15200  }
0x28: {  	s12 =	simm.s32 $0x1;
	s13 =	simm.s32 $0x9;
	s11 =	smax.u32 s3, $0x1;
	v1 =	vmov s20;
	v2 =	vmov s23;
	v3 =	vmov s25  }
.LBB2_1:
0x29: {  	s8 =	rddreg [dreg:$0x4];
	s7 =	simm.s32 $0x11  }
0x2a: {  	[tilespmem:s2], [sflag:$0x11] =	stream.linear.gather [hbm4b:s8+s2], $0x200, $0x38;
	[tilespmem:$0x18200] =	vst v63  }
0x2b: {  	_ =	swait.ge [sflag:s7], $0x200  }
0x2c: {  	[sflag:s7] =	ssyncset.done $0x0  }
0x2d: {  	[sflag:s7] =	ssyncadd.s32 $0xFFFFFE00  }
0x2e: {  	v7 =	vld [tilespmem:$0x0]  }
0x2f: {  	v8 =	vld [tilespmem:$0x10]  }
0x30: {  	v9 =	vld [tilespmem:$0x20]  }
0x31: {  	v10 =	vld [tilespmem:$0x30]  }
0x32: {  	v11 =	vld [tilespmem:$0x40]  }
0x33: {  	v13 =	vld [tilespmem:$0x50];
	v12 =	vadd.s32 v0, v7  }
0x34: {  	v14 =	vld [tilespmem:$0x60];
	v8 =	vadd.s32 v1, v8;
	[tilespmem:$0x0] =	vst v12  }
0x35: {  	v37 =	vld [tilespmem:$0x70];
	[tilespmem:$0x10] =	vst v8;
	v8 =	vadd.s32 v2, v9  }
0x36: {  	v38 =	vld [tilespmem:$0x80];
	[tilespmem:$0x20] =	vst v8;
	v8 =	vadd.s32 v3, v10  }
0x37: {  	v39 =	vld [tilespmem:$0x90];
	[tilespmem:$0x30] =	vst v8;
	v8 =	vadd.s32 v0, v11  }
0x38: {  	v40 =	vld [tilespmem:$0xA0];
	[tilespmem:$0x40] =	vst v8;
	v8 =	vadd.s32 v1, v13  }
0x39: {  	v41 =	vld [tilespmem:$0xB0];
	[tilespmem:$0x50] =	vst v8;
	v8 =	vadd.s32 v2, v14  }
0x3a: {  	v42 =	vld [tilespmem:$0xC0];
	[tilespmem:$0x60] =	vst v8;
	v8 =	vadd.s32 v3, v37  }
0x3b: {  	v43 =	vld [tilespmem:$0xD0];
	[tilespmem:$0x70] =	vst v8;
	v8 =	vadd.s32 v0, v38  }
0x3c: {  	v44 =	vld [tilespmem:$0xE0];
	[tilespmem:$0x80] =	vst v8;
	v8 =	vadd.s32 v1, v39  }
0x3d: {  	v45 =	vld [tilespmem:$0xF0];
	[tilespmem:$0x90] =	vst v8;
	v8 =	vadd.s32 v2, v40  }
0x3e: {  	v46 =	vld [tilespmem:$0x100];
	[tilespmem:$0xA0] =	vst v8;
	v8 =	vadd.s32 v3, v41  }
0x3f: {  	v47 =	vld [tilespmem:$0x110];
	[tilespmem:$0xB0] =	vst v8;
	v8 =	vadd.s32 v0, v42  }
0x40: {  	v48 =	vld [tilespmem:$0x120];
	[tilespmem:$0xC0] =	vst v8;
	v8 =	vadd.s32 v1, v43  }
0x41: {  	v49 =	vld [tilespmem:$0x130];
	[tilespmem:$0xD0] =	vst v8;
	v8 =	vadd.s32 v2, v44  }
0x42: {  	v50 =	vld [tilespmem:$0x140];
	[tilespmem:$0xE0] =	vst v8;
	v8 =	vadd.s32 v3, v45  }
0x43: {  	v51 =	vld [tilespmem:$0x150];
	[tilespmem:$0xF0] =	vst v8;
	v8 =	vadd.s32 v0, v46  }
0x44: {  	v52 =	vld [tilespmem:$0x160];
	[tilespmem:$0x100] =	vst v8;
	v8 =	vadd.s32 v1, v47  }
0x45: {  	v53 =	vld [tilespmem:$0x170];
	[tilespmem:$0x110] =	vst v8;
	v8 =	vadd.s32 v2, v48  }
0x46: {  	v54 =	vld [tilespmem:$0x180];
	[tilespmem:$0x120] =	vst v8;
	v8 =	vadd.s32 v3, v49  }
0x47: {  	v55 =	vld [tilespmem:$0x190];
	[tilespmem:$0x130] =	vst v8;
	v8 =	vadd.s32 v0, v50  }
0x48: {  	v56 =	vld [tilespmem:$0x1A0];
	[tilespmem:$0x140] =	vst v8;
	v8 =	vadd.s32 v1, v51  }
0x49: {  	v57 =	vld [tilespmem:$0x1B0];
	v12 =	vshrl.u32 v12, $0x3;
	[tilespmem:$0x150] =	vst v8;
	v8 =	vadd.s32 v2, v52  }
0x4a: {  	v58 =	vld [tilespmem:$0x1C0];
	v12 =	vmul.u32 $0x30, v12;
	[tilespmem:$0x160] =	vst v8;
	v8 =	vadd.s32 v3, v53  }
0x4b: {  	v59 =	vld [tilespmem:$0x1D0];
	v7 =	vand.u32 $0x7, v7;
	[tilespmem:$0x170] =	vst v8;
	v8 =	vadd.s32 v0, v54  }
0x4c: {  	v60 =	vld [tilespmem:$0x1E0];
	v7 =	vor.u32 v7, v12;
	[tilespmem:$0x180] =	vst v8;
	v8 =	vadd.s32 v1, v55  }
0x4d: {  	v61 =	vld [tilespmem:$0x1F0];
	v62 =	vperm.xlane v7, v4;
	[tilespmem:$0x190] =	vst v8;
	v8 =	vadd.s32 v2, v56  }
0x4e: {  	[tilespmem:$0x1A0] =	vst v8;
	v8 =	vadd.s32 v3, v57  }
0x4f: {  	v63 =	vadd.s32 v5, v62;
	[tilespmem:$0x1B0] =	vst v8;
	v8 =	vadd.s32 v0, v58  }
0x50: {  	[tilespmem:$0x1C0] =	vst v8;
	v8 =	vadd.s32 v1, v59  }
0x51: {  	[tilespmem:$0x1D0] =	vst v8;
	v8 =	vadd.s32 v2, v60  }
0x52: {  	[tilespmem:$0x1E0] =	vst v8;
	v8 =	vadd.s32 v3, v61  }
0x53: {  	s3 =	simm.s32 $0x200;
	v7 =	vperm.xlane v7, v6;
	[tilespmem:$0x1F0] =	vst v8  }
0x54: {  	[tilespmem:s3], [sflag:$0x1] =	stream.indirect_vreg.gather [hbm4b:s4+s2], $0x80, v63, vm0, $0xb8;
	[tilespmem:$0x18200] =	vst v63  }
0x55: {  	s0 =	simm.s32 $0xA00;
	v7 =	vadd.s32 v5, v7  }
0x56: {  	[tilespmem:s0], [sflag:$0x1] =	stream.indirect_vreg.gather [hbm4b:s5+s2], $0x80, v63, vm0, $0xb8;
	[tilespmem:$0x18200] =	vst v63  }
0x57: {  	s9 =	simm.s32 $0x1200  }
0x58: {  	[tilespmem:s9], [sflag:$0x1] =	stream.indirect_vreg.gather [hbm4b:s6+s2], $0x80, v63, vm0, $0xb8;
	[tilespmem:$0x18200] =	vst v63  }
0x59: {  	s10 =	simm.s32 $0x1A00  }
0x5a: {  	[tilespmem:s10], [sflag:$0x1] =	stream.indirect_vreg.gather [hbm4b:s4+s2], $0x80, v7, vm0, $0xb8;
	[tilespmem:$0x18200] =	vst v63  }
0x5b: {  	s15 =	simm.s32 $0x2200  }
0x5c: {  	[tilespmem:s15], [sflag:$0x1] =	stream.indirect_vreg.gather [hbm4b:s5+s2], $0x80, v7, vm0, $0xb8;
	[tilespmem:$0x18200] =	vst v63  }
0x5d: {  	s18 =	simm.s32 $0x2A00  }
0x5e: {  	[tilespmem:s18], [sflag:$0x1] =	stream.indirect_vreg.gather [hbm4b:s6+s2], $0x80, v7, vm0, $0xb8;
	[tilespmem:$0x18200] =	vst v63  }
0x5f: {  	v7 =	vld [tilespmem:$0x10];
	_ =	sdelay $0x4  }
0x60: {  	v8 =	vshrl.u32 v7, $0x3  }
0x61: {  	v8 =	vmul.u32 $0x30, v8  }
0x62: {  	v7 =	vand.u32 $0x7, v7  }
0x63: {  	v7 =	vor.u32 v7, v8  }
0x64: {  	v8 =	vperm.xlane v7, v4;
	_ =	sdelay $0x1  }
0x65: {  	v8 =	vadd.s32 v5, v8;
	_ =	sdelay $0x3  }
0x66: {  	s19 =	simm.s32 $0x3200;
	v7 =	vperm.xlane v7, v6  }
0x67: {  	[tilespmem:s19], [sflag:$0x2] =	stream.indirect_vreg.gather [hbm4b:s4+s2], $0x80, v8, vm0, $0xb8;
	[tilespmem:$0x18200] =	vst v63  }
0x68: {  	s20 =	simm.s32 $0x3A00;
	v7 =	vadd.s32 v5, v7  }
0x69: {  	[tilespmem:s20], [sflag:$0x2] =	stream.indirect_vreg.gather [hbm4b:s5+s2], $0x80, v8, vm0, $0xb8;
	[tilespmem:$0x18200] =	vst v63  }
0x6a: {  	s21 =	simm.s32 $0x4200  }
0x6b: {  	[tilespmem:s21], [sflag:$0x2] =	stream.indirect_vreg.gather [hbm4b:s6+s2], $0x80, v8, vm0, $0xb8;
	[tilespmem:$0x18200] =	vst v63  }
0x6c: {  	s25 =	simm.s32 $0x4A00  }
0x6d: {  	[tilespmem:s25], [sflag:$0x2] =	stream.indirect_vreg.gather [hbm4b:s4+s2], $0x80, v7, vm0, $0xb8;
	[tilespmem:$0x18200] =	vst v63  }
0x6e: {  	s26 =	simm.s32 $0x5200  }
0x6f: {  	[tilespmem:s26], [sflag:$0x2] =	stream.indirect_vreg.gather [hbm4b:s5+s2], $0x80, v7, vm0, $0xb8;
	[tilespmem:$0x18200] =	vst v63  }
0x70: {  	s28 =	simm.s32 $0x5A00  }
0x71: {  	[tilespmem:s28], [sflag:$0x2] =	stream.indirect_vreg.gather [hbm4b:s6+s2], $0x80, v7, vm0, $0xb8;
	[tilespmem:$0x18200] =	vst v63  }
0x72: {  	v7 =	vld [tilespmem:$0x20];
	_ =	sdelay $0x4  }
0x73: {  	v8 =	vshrl.u32 v7, $0x3  }
0x74: {  	v8 =	vmul.u32 $0x30, v8  }
0x75: {  	v7 =	vand.u32 $0x7, v7  }
0x76: {  	v7 =	vor.u32 v7, v8  }
0x77: {  	v8 =	vperm.xlane v7, v4;
	_ =	sdelay $0x1  }
0x78: {  	v8 =	vadd.s32 v5, v8;
	_ =	sdelay $0x3  }
0x79: {  	s29 =	simm.s32 $0x6200;
	v7 =	vperm.xlane v7, v6  }
0x7a: {  	[tilespmem:s29], [sflag:$0x3] =	stream.indirect_vreg.gather [hbm4b:s4+s2], $0x80, v8, vm0, $0xb8;
	[tilespmem:$0x18200] =	vst v63  }
0x7b: {  	s30 =	simm.s32 $0x6A00;
	v7 =	vadd.s32 v5, v7  }
0x7c: {  	[tilespmem:s30], [sflag:$0x3] =	stream.indirect_vreg.gather [hbm4b:s5+s2], $0x80, v8, vm0, $0xb8;
	[tilespmem:$0x18200] =	vst v63  }
0x7d: {  	s31 =	simm.s32 $0x7200  }
0x7e: {  	[tilespmem:s31], [sflag:$0x3] =	stream.indirect_vreg.gather [hbm4b:s6+s2], $0x80, v8, vm0, $0xb8;
	[tilespmem:$0x18200] =	vst v63  }
0x7f: {  	s0 =	simm.s32 $0x7A00  }
0x80: {  	[tilespmem:s0], [sflag:$0x3] =	stream.indirect_vreg.gather [hbm4b:s4+s2], $0x80, v7, vm0, $0xb8;
	[tilespmem:$0x18200] =	vst v63  }
0x81: {  	s1 =	simm.s32 $0x8200  }
0x82: {  	[tilespmem:s1], [sflag:$0x3] =	stream.indirect_vreg.gather [hbm4b:s5+s2], $0x80, v7, vm0, $0xb8;
	[tilespmem:$0x18200] =	vst v63  }
0x83: {  	s8 =	simm.s32 $0x8A00  }
0x84: {  	[tilespmem:s8], [sflag:$0x3] =	stream.indirect_vreg.gather [hbm4b:s6+s2], $0x80, v7, vm0, $0xb8;
	[tilespmem:$0x18200] =	vst v63  }
0x85: {  	v7 =	vld [tilespmem:$0x30];
	_ =	sdelay $0x4  }
0x86: {  	v8 =	vshrl.u32 v7, $0x3  }
0x87: {  	v8 =	vmul.u32 $0x30, v8  }
0x88: {  	v7 =	vand.u32 $0x7, v7  }
0x89: {  	v7 =	vor.u32 v7, v8  }
0x8a: {  	v8 =	vperm.xlane v7, v4;
	_ =	sdelay $0x1  }
0x8b: {  	v8 =	vadd.s32 v5, v8;
	_ =	sdelay $0x3  }
0x8c: {  	s10 =	simm.s32 $0x9200;
	v7 =	vperm.xlane v7, v6  }
0x8d: {  	[tilespmem:s10], [sflag:$0x4] =	stream.indirect_vreg.gather [hbm4b:s4+s2], $0x80, v8, vm0, $0xb8;
	[tilespmem:$0x18200] =	vst v63  }
0x8e: {  	s15 =	simm.s32 $0x9A00;
	v7 =	vadd.s32 v5, v7  }
0x8f: {  	[tilespmem:s15], [sflag:$0x4] =	stream.indirect_vreg.gather [hbm4b:s5+s2], $0x80, v8, vm0, $0xb8;
	[tilespmem:$0x18200] =	vst v63  }
0x90: {  	s21 =	simm.s32 $0xA200  }
0x91: {  	[tilespmem:s21], [sflag:$0x4] =	stream.indirect_vreg.gather [hbm4b:s6+s2], $0x80, v8, vm0, $0xb8;
	[tilespmem:$0x18200] =	vst v63  }
0x92: {  	s26 =	simm.s32 $0xAA00  }
0x93: {  	[tilespmem:s26], [sflag:$0x4] =	stream.indirect_vreg.gather [hbm4b:s4+s2], $0x80, v7, vm0, $0xb8;
	[tilespmem:$0x18200] =	vst v63  }
0x94: {  	s28 =	simm.s32 $0xB200  }
0x95: {  	[tilespmem:s28], [sflag:$0x4] =	stream.indirect_vreg.gather [hbm4b:s5+s2], $0x80, v7, vm0, $0xb8;
	[tilespmem:$0x18200] =	vst v63  }
0x96: {  	s29 =	simm.s32 $0xBA00  }
0x97: {  	[tilespmem:s29], [sflag:$0x4] =	stream.indirect_vreg.gather [hbm4b:s6+s2], $0x80, v7, vm0, $0xb8;
	[tilespmem:$0x18200] =	vst v63  }
0x98: {  	v7 =	vld [tilespmem:$0x40];
	_ =	sdelay $0x4  }
0x99: {  	v8 =	vshrl.u32 v7, $0x3  }
0x9a: {  	v8 =	vmul.u32 $0x30, v8  }
0x9b: {  	v7 =	vand.u32 $0x7, v7  }
0x9c: {  	v7 =	vor.u32 v7, v8  }
0x9d: {  	v8 =	vperm.xlane v7, v4;
	_ =	sdelay $0x1  }
0x9e: {  	v8 =	vadd.s32 v5, v8;
	_ =	sdelay $0x3  }
0x9f: {  	s31 =	simm.s32 $0xC200;
	v7 =	vperm.xlane v7, v6  }
0xa0: {  	[tilespmem:s31], [sflag:$0x5] =	stream.indirect_vreg.gather [hbm4b:s4+s2], $0x80, v8, vm0, $0xb8;
	[tilespmem:$0x18200] =	vst v63  }
0xa1: {  	s0 =	simm.s32 $0xCA00;
	v7 =	vadd.s32 v5, v7  }
0xa2: {  	[tilespmem:s0], [sflag:$0x5] =	stream.indirect_vreg.gather [hbm4b:s5+s2], $0x80, v8, vm0, $0xb8;
	[tilespmem:$0x18200] =	vst v63  }
0xa3: {  	s3 =	simm.s32 $0xD200  }
0xa4: {  	[tilespmem:s3], [sflag:$0x5] =	stream.indirect_vreg.gather [hbm4b:s6+s2], $0x80, v8, vm0, $0xb8;
	[tilespmem:$0x18200] =	vst v63  }
0xa5: {  	s15 =	simm.s32 $0xDA00  }
0xa6: {  	[tilespmem:s15], [sflag:$0x5] =	stream.indirect_vreg.gather [hbm4b:s4+s2], $0x80, v7, vm0, $0xb8;
	[tilespmem:$0x18200] =	vst v63  }
0xa7: {  	s21 =	simm.s32 $0xE200  }
0xa8: {  	[tilespmem:s21], [sflag:$0x5] =	stream.indirect_vreg.gather [hbm4b:s5+s2], $0x80, v7, vm0, $0xb8;
	[tilespmem:$0x18200] =	vst v63  }
0xa9: {  	s28 =	simm.s32 $0xEA00  }
0xaa: {  	[tilespmem:s28], [sflag:$0x5] =	stream.indirect_vreg.gather [hbm4b:s6+s2], $0x80, v7, vm0, $0xb8;
	[tilespmem:$0x18200] =	vst v63  }
0xab: {  	v7 =	vld [tilespmem:$0x50];
	_ =	sdelay $0x4  }
0xac: {  	v8 =	vshrl.u32 v7, $0x3  }
0xad: {  	v8 =	vmul.u32 $0x30, v8  }
0xae: {  	v7 =	vand.u32 $0x7, v7  }
0xaf: {  	v7 =	vor.u32 v7, v8  }
0xb0: {  	v8 =	vperm.xlane v7, v4;
	_ =	sdelay $0x1  }
0xb1: {  	v8 =	vadd.s32 v5, v8;
	_ =	sdelay $0x3  }
0xb2: {  	s31 =	simm.s32 $0xF200;
	v7 =	vperm.xlane v7, v6  }
0xb3: {  	[tilespmem:s31], [sflag:$0x6] =	stream.indirect_vreg.gather [hbm4b:s4+s2], $0x80, v8, vm0, $0xb8;
	[tilespmem:$0x18200] =	vst v63  }
0xb4: {  	s3 =	simm.s32 $0xFA00;
	v7 =	vadd.s32 v5, v7  }
0xb5: {  	[tilespmem:s3], [sflag:$0x6] =	stream.indirect_vreg.gather [hbm4b:s5+s2], $0x80, v8, vm0, $0xb8;
	[tilespmem:$0x18200] =	vst v63  }
0xb6: {  	s15 =	simm.s32 $0x10200  }
0xb7: {  	[tilespmem:s15], [sflag:$0x6] =	stream.indirect_vreg.gather [hbm4b:s6+s2], $0x80, v8, vm0, $0xb8;
	[tilespmem:$0x18200] =	vst v63  }
0xb8: {  	s28 =	simm.s32 $0x10A00  }
0xb9: {  	[tilespmem:s28], [sflag:$0x6] =	stream.indirect_vreg.gather [hbm4b:s4+s2], $0x80, v7, vm0, $0xb8;
	[tilespmem:$0x18200] =	vst v63  }
0xba: {  	s0 =	simm.s32 $0x11200  }
0xbb: {  	[tilespmem:s0], [sflag:$0x6] =	stream.indirect_vreg.gather [hbm4b:s5+s2], $0x80, v7, vm0, $0xb8;
	[tilespmem:$0x18200] =	vst v63  }
0xbc: {  	s3 =	simm.s32 $0x11A00  }
0xbd: {  	[tilespmem:s3], [sflag:$0x6] =	stream.indirect_vreg.gather [hbm4b:s6+s2], $0x80, v7, vm0, $0xb8;
	[tilespmem:$0x18200] =	vst v63  }
0xbe: {  	v7 =	vld [tilespmem:$0x60];
	_ =	sdelay $0x4  }
0xbf: {  	v8 =	vshrl.u32 v7, $0x3  }
0xc0: {  	v8 =	vmul.u32 $0x30, v8  }
0xc1: {  	v7 =	vand.u32 $0x7, v7  }
0xc2: {  	v7 =	vor.u32 v7, v8  }
0xc3: {  	v8 =	vperm.xlane v7, v4;
	_ =	sdelay $0x1  }
0xc4: {  	v8 =	vadd.s32 v5, v8;
	_ =	sdelay $0x3  }
0xc5: {  	s8 =	simm.s32 $0x12200;
	v7 =	vperm.xlane v7, v6  }
0xc6: {  	[tilespmem:s8], [sflag:$0x7] =	stream.indirect_vreg.gather [hbm4b:s4+s2], $0x80, v8, vm0, $0xb8;
	[tilespmem:$0x18200] =	vst v63  }
0xc7: {  	s15 =	simm.s32 $0x12A00;
	v7 =	vadd.s32 v5, v7  }
0xc8: {  	[tilespmem:s15], [sflag:$0x7] =	stream.indirect_vreg.gather [hbm4b:s5+s2], $0x80, v8, vm0, $0xb8;
	[tilespmem:$0x18200] =	vst v63  }
0xc9: {  	s28 =	simm.s32 $0x13200  }
0xca: {  	[tilespmem:s28], [sflag:$0x7] =	stream.indirect_vreg.gather [hbm4b:s6+s2], $0x80, v8, vm0, $0xb8;
	[tilespmem:$0x18200] =	vst v63  }
0xcb: {  	s0 =	simm.s32 $0x13A00  }
0xcc: {  	[tilespmem:s0], [sflag:$0x7] =	stream.indirect_vreg.gather [hbm4b:s4+s2], $0x80, v7, vm0, $0xb8;
	[tilespmem:$0x18200] =	vst v63  }
0xcd: {  	s3 =	simm.s32 $0x14200  }
0xce: {  	[tilespmem:s3], [sflag:$0x7] =	stream.indirect_vreg.gather [hbm4b:s5+s2], $0x80, v7, vm0, $0xb8;
	[tilespmem:$0x18200] =	vst v63  }
0xcf: {  	s15 =	simm.s32 $0x14A00  }
0xd0: {  	[tilespmem:s15], [sflag:$0x7] =	stream.indirect_vreg.gather [hbm4b:s6+s2], $0x80, v7, vm0, $0xb8;
	[tilespmem:$0x18200] =	vst v63  }
0xd1: {  	v7 =	vld [tilespmem:$0x70];
	_ =	sdelay $0x4  }
0xd2: {  	v8 =	vshrl.u32 v7, $0x3  }
0xd3: {  	v8 =	vmul.u32 $0x30, v8  }
0xd4: {  	v7 =	vand.u32 $0x7, v7  }
0xd5: {  	v7 =	vor.u32 v7, v8  }
0xd6: {  	v8 =	vperm.xlane v7, v4;
	_ =	sdelay $0x1  }
0xd7: {  	v8 =	vadd.s32 v5, v8;
	_ =	sdelay $0x3  }
0xd8: {  	v7 =	vperm.xlane v7, v6  }
0xd9: {  	[tilespmem:s22], [sflag:$0x8] =	stream.indirect_vreg.gather [hbm4b:s4+s2], $0x80, v8, vm0, $0xb8;
	[tilespmem:$0x18200] =	vst v63  }
0xda: {  	s28 =	simm.s32 $0x15A00;
	v7 =	vadd.s32 v5, v7  }
0xdb: {  	[tilespmem:s28], [sflag:$0x8] =	stream.indirect_vreg.gather [hbm4b:s5+s2], $0x80, v8, vm0, $0xb8;
	[tilespmem:$0x18200] =	vst v63  }
0xdc: {  	s0 =	simm.s32 $0x16200  }
0xdd: {  	[tilespmem:s0], [sflag:$0x8] =	stream.indirect_vreg.gather [hbm4b:s6+s2], $0x80, v8, vm0, $0xb8;
	[tilespmem:$0x18200] =	vst v63  }
0xde: {  	s3 =	simm.s32 $0x16A00  }
0xdf: {  	[tilespmem:s3], [sflag:$0x8] =	stream.indirect_vreg.gather [hbm4b:s4+s2], $0x80, v7, vm0, $0xb8;
	[tilespmem:$0x18200] =	vst v63  }
0xe0: {  	s15 =	simm.s32 $0x17200  }
0xe1: {  	[tilespmem:s15], [sflag:$0x8] =	stream.indirect_vreg.gather [hbm4b:s5+s2], $0x80, v7, vm0, $0xb8;
	[tilespmem:$0x18200] =	vst v63  }
0xe2: {  	s28 =	simm.s32 $0x17A00  }
0xe3: {  	[tilespmem:s28], [sflag:$0x8] =	stream.indirect_vreg.gather [hbm4b:s6+s2], $0x80, v7, vm0, $0xb8;
	[tilespmem:$0x18200] =	vst v63  }
0xe4: {  	_ =	swait.ge [sflag:s12], $0x3000  }
0xe5: {  	s0 =	sld [smem:$0x7F9]  }
0xe6: {  	[sflag:s12] =	ssyncset.done $0x0  }
0xe7: {  	s28 =	simm.s32 $0x200;
	[sflag:s12] =	ssyncadd.s32 $0xFFFFD000  }
0xe8: {  	[hbm4b:s0+s2] =	stream.linear.scatter [tilespmem:s28], [sflag:$0x9], $0x3000, $0x38;
	[tilespmem:$0x18200] =	vst v63  }
0xe9: {  	_ =	swait.ge [sflag:s13], $0x3000  }
0xea: {  	[sflag:s13] =	ssyncset.done $0x0  }
0xeb: {  	[sflag:s13] =	ssyncadd.s32 $0xFFFFD000  }
0xec: {  	v7 =	vld [tilespmem:$0x80];
	_ =	sdelay $0x4  }
0xed: {  	v8 =	vshrl.u32 v7, $0x3  }
0xee: {  	v8 =	vmul.u32 $0x30, v8  }
0xef: {  	v7 =	vand.u32 $0x7, v7  }
0xf0: {  	v7 =	vor.u32 v7, v8  }
0xf1: {  	v8 =	vperm.xlane v7, v4;
	_ =	sdelay $0x1  }
0xf2: {  	v8 =	vadd.s32 v5, v8;
	_ =	sdelay $0x3  }
0xf3: {  	v7 =	vperm.xlane v7, v6  }
0xf4: {  	[tilespmem:s28], [sflag:$0x1] =	stream.indirect_vreg.gather [hbm4b:s4+s2], $0x80, v8, vm0, $0xb8;
	[tilespmem:$0x18200] =	vst v63  }
0xf5: {  	s14 =	simm.s32 $0xA00;
	v7 =	vadd.s32 v5, v7  }
0xf6: {  	[tilespmem:s14], [sflag:$0x1] =	stream.indirect_vreg.gather [hbm4b:s5+s2], $0x80, v8, vm0, $0xb8;
	[tilespmem:$0x18200] =	vst v63  }
0xf7: {  	s16 =	simm.s32 $0x1200  }
0xf8: {  	[tilespmem:s16], [sflag:$0x1] =	stream.indirect_vreg.gather [hbm4b:s6+s2], $0x80, v8, vm0, $0xb8;
	[tilespmem:$0x18200] =	vst v63  }
0xf9: {  	s17 =	simm.s32 $0x1A00  }
0xfa: {  	[tilespmem:s17], [sflag:$0x1] =	stream.indirect_vreg.gather [hbm4b:s4+s2], $0x80, v7, vm0, $0xb8;
	[tilespmem:$0x18200] =	vst v63  }
0xfb: {  	s23 =	simm.s32 $0x2200  }
0xfc: {  	[tilespmem:s23], [sflag:$0x1] =	stream.indirect_vreg.gather [hbm4b:s5+s2], $0x80, v7, vm0, $0xb8;
	[tilespmem:$0x18200] =	vst v63  }
0xfd: {  	s24 =	simm.s32 $0x2A00;
	s16 =	simm.s32 $0x2  }
0xfe: {  	[tilespmem:s24], [sflag:$0x1] =	stream.indirect_vreg.gather [hbm4b:s6+s2], $0x80, v7, vm0, $0xb8;
	[tilespmem:$0x18200] =	vst v63  }
0xff: {  	_ =	swait.ge [sflag:s16], $0x3000  }
0x100: {  	s14 =	simm.s32 $0x3200;
	[sflag:s16] =	ssyncset.done $0x0  }
0x101: {  	s17 =	simm.s32 $0xA;
	s3 =	rddreg [dreg:$0x5];
	[sflag:s16] =	ssyncadd.s32 $0xFFFFD000  }
0x102: {  	[hbm4b:s3+s2] =	stream.linear.scatter [tilespmem:s14], [sflag:$0xA], $0x3000, $0x38;
	[tilespmem:$0x18200] =	vst v63  }
0x103: {  	_ =	swait.ge [sflag:s17], $0x3000  }
0x104: {  	[sflag:s17] =	ssyncset.done $0x0  }
0x105: {  	[sflag:s17] =	ssyncadd.s32 $0xFFFFD000  }
0x106: {  	v7 =	vld [tilespmem:$0x90];
	_ =	sdelay $0x4  }
0x107: {  	v8 =	vshrl.u32 v7, $0x3  }
0x108: {  	v8 =	vmul.u32 $0x30, v8  }
0x109: {  	v7 =	vand.u32 $0x7, v7  }
0x10a: {  	v7 =	vor.u32 v7, v8  }
0x10b: {  	v8 =	vperm.xlane v7, v4;
	_ =	sdelay $0x1  }
0x10c: {  	v8 =	vadd.s32 v5, v8;
	_ =	sdelay $0x3  }
0x10d: {  	v7 =	vperm.xlane v7, v6  }
0x10e: {  	[tilespmem:s14], [sflag:$0x2] =	stream.indirect_vreg.gather [hbm4b:s4+s2], $0x80, v8, vm0, $0xb8;
	[tilespmem:$0x18200] =	vst v63  }
0x10f: {  	s7 =	simm.s32 $0x3A00;
	v7 =	vadd.s32 v5, v7  }
0x110: {  	[tilespmem:s7], [sflag:$0x2] =	stream.indirect_vreg.gather [hbm4b:s5+s2], $0x80, v8, vm0, $0xb8;
	[tilespmem:$0x18200] =	vst v63  }
0x111: {  	s9 =	simm.s32 $0x4200  }
0x112: {  	[tilespmem:s9], [sflag:$0x2] =	stream.indirect_vreg.gather [hbm4b:s6+s2], $0x80, v8, vm0, $0xb8;
	[tilespmem:$0x18200] =	vst v63  }
0x113: {  	s18 =	simm.s32 $0x4A00  }
0x114: {  	[tilespmem:s18], [sflag:$0x2] =	stream.indirect_vreg.gather [hbm4b:s4+s2], $0x80, v7, vm0, $0xb8;
	[tilespmem:$0x18200] =	vst v63  }
0x115: {  	s19 =	simm.s32 $0x5200  }
0x116: {  	[tilespmem:s19], [sflag:$0x2] =	stream.indirect_vreg.gather [hbm4b:s5+s2], $0x80, v7, vm0, $0xb8;
	[tilespmem:$0x18200] =	vst v63  }
0x117: {  	s20 =	simm.s32 $0x5A00;
	s18 =	simm.s32 $0x3  }
0x118: {  	[tilespmem:s20], [sflag:$0x2] =	stream.indirect_vreg.gather [hbm4b:s6+s2], $0x80, v7, vm0, $0xb8;
	[tilespmem:$0x18200] =	vst v63  }
0x119: {  	_ =	swait.ge [sflag:s18], $0x3000  }
0x11a: {  	s23 =	simm.s32 $0x6200;
	[sflag:s18] =	ssyncset.done $0x0  }
0x11b: {  	s19 =	simm.s32 $0xB;
	s20 =	rddreg [dreg:$0x6];
	[sflag:s18] =	ssyncadd.s32 $0xFFFFD000  }
0x11c: {  	[hbm4b:s20+s2] =	stream.linear.scatter [tilespmem:s23], [sflag:$0xB], $0x3000, $0x38;
	[tilespmem:$0x18200] =	vst v63  }
0x11d: {  	_ =	swait.ge [sflag:s19], $0x3000  }
0x11e: {  	[sflag:s19] =	ssyncset.done $0x0  }
0x11f: {  	[sflag:s19] =	ssyncadd.s32 $0xFFFFD000  }
0x120: {  	v7 =	vld [tilespmem:$0xA0];
	_ =	sdelay $0x4  }
0x121: {  	v8 =	vshrl.u32 v7, $0x3  }
0x122: {  	v8 =	vmul.u32 $0x30, v8  }
0x123: {  	v7 =	vand.u32 $0x7, v7  }
0x124: {  	v7 =	vor.u32 v7, v8  }
0x125: {  	v8 =	vperm.xlane v7, v4;
	_ =	sdelay $0x1  }
0x126: {  	v8 =	vadd.s32 v5, v8;
	_ =	sdelay $0x3  }
0x127: {  	v7 =	vperm.xlane v7, v6  }
0x128: {  	[tilespmem:s23], [sflag:$0x3] =	stream.indirect_vreg.gather [hbm4b:s4+s2], $0x80, v8, vm0, $0xb8;
	[tilespmem:$0x18200] =	vst v63  }
0x129: {  	s30 =	simm.s32 $0x6A00;
	v7 =	vadd.s32 v5, v7  }
0x12a: {  	[tilespmem:s30], [sflag:$0x3] =	stream.indirect_vreg.gather [hbm4b:s5+s2], $0x80, v8, vm0, $0xb8;
	[tilespmem:$0x18200] =	vst v63  }
0x12b: {  	s30 =	simm.s32 $0x7200  }
0x12c: {  	[tilespmem:s30], [sflag:$0x3] =	stream.indirect_vreg.gather [hbm4b:s6+s2], $0x80, v8, vm0, $0xb8;
	[tilespmem:$0x18200] =	vst v63  }
0x12d: {  	s24 =	simm.s32 $0x7A00  }
0x12e: {  	[tilespmem:s24], [sflag:$0x3] =	stream.indirect_vreg.gather [hbm4b:s4+s2], $0x80, v7, vm0, $0xb8;
	[tilespmem:$0x18200] =	vst v63  }
0x12f: {  	s28 =	simm.s32 $0x8200  }
0x130: {  	[tilespmem:s28], [sflag:$0x3] =	stream.indirect_vreg.gather [hbm4b:s5+s2], $0x80, v7, vm0, $0xb8;
	[tilespmem:$0x18200] =	vst v63  }
0x131: {  	s1 =	simm.s32 $0x8A00;
	s20 =	simm.s32 $0x4  }
0x132: {  	[tilespmem:s1], [sflag:$0x3] =	stream.indirect_vreg.gather [hbm4b:s6+s2], $0x80, v7, vm0, $0xb8;
	[tilespmem:$0x18200] =	vst v63  }
0x133: {  	_ =	swait.ge [sflag:s20], $0x3000  }
0x134: {  	s7 =	simm.s32 $0x9200;
	[sflag:s20] =	ssyncset.done $0x0  }
0x135: {  	s23 =	simm.s32 $0xC;
	s1 =	rddreg [dreg:$0x7];
	[sflag:s20] =	ssyncadd.s32 $0xFFFFD000  }
0x136: {  	[hbm4b:s1+s2] =	stream.linear.scatter [tilespmem:s7], [sflag:$0xC], $0x3000, $0x38;
	[tilespmem:$0x18200] =	vst v63  }
0x137: {  	_ =	swait.ge [sflag:s23], $0x3000  }
0x138: {  	[sflag:s23] =	ssyncset.done $0x0  }
0x139: {  	[sflag:s23] =	ssyncadd.s32 $0xFFFFD000  }
0x13a: {  	v7 =	vld [tilespmem:$0xB0];
	_ =	sdelay $0x4  }
0x13b: {  	v8 =	vshrl.u32 v7, $0x3  }
0x13c: {  	v8 =	vmul.u32 $0x30, v8  }
0x13d: {  	v7 =	vand.u32 $0x7, v7  }
0x13e: {  	v7 =	vor.u32 v7, v8  }
0x13f: {  	v8 =	vperm.xlane v7, v4;
	_ =	sdelay $0x1  }
0x140: {  	v8 =	vadd.s32 v5, v8;
	_ =	sdelay $0x3  }
0x141: {  	v7 =	vperm.xlane v7, v6  }
0x142: {  	[tilespmem:s7], [sflag:$0x4] =	stream.indirect_vreg.gather [hbm4b:s4+s2], $0x80, v8, vm0, $0xb8;
	[tilespmem:$0x18200] =	vst v63  }
0x143: {  	s25 =	simm.s32 $0x9A00;
	v7 =	vadd.s32 v5, v7  }
0x144: {  	[tilespmem:s25], [sflag:$0x4] =	stream.indirect_vreg.gather [hbm4b:s5+s2], $0x80, v8, vm0, $0xb8;
	[tilespmem:$0x18200] =	vst v63  }
0x145: {  	s9 =	simm.s32 $0xA200  }
0x146: {  	[tilespmem:s9], [sflag:$0x4] =	stream.indirect_vreg.gather [hbm4b:s6+s2], $0x80, v8, vm0, $0xb8;
	[tilespmem:$0x18200] =	vst v63  }
0x147: {  	s24 =	simm.s32 $0xAA00  }
0x148: {  	[tilespmem:s24], [sflag:$0x4] =	stream.indirect_vreg.gather [hbm4b:s4+s2], $0x80, v7, vm0, $0xb8;
	[tilespmem:$0x18200] =	vst v63  }
0x149: {  	s25 =	simm.s32 $0xB200  }
0x14a: {  	[tilespmem:s25], [sflag:$0x4] =	stream.indirect_vreg.gather [hbm4b:s5+s2], $0x80, v7, vm0, $0xb8;
	[tilespmem:$0x18200] =	vst v63  }
0x14b: {  	s1 =	simm.s32 $0xBA00;
	s24 =	simm.s32 $0x5  }
0x14c: {  	[tilespmem:s1], [sflag:$0x4] =	stream.indirect_vreg.gather [hbm4b:s6+s2], $0x80, v7, vm0, $0xb8;
	[tilespmem:$0x18200] =	vst v63  }
0x14d: {  	_ =	swait.ge [sflag:s24], $0x3000  }
0x14e: {  	s9 =	simm.s32 $0xC200;
	[sflag:s24] =	ssyncset.done $0x0  }
0x14f: {  	s25 =	simm.s32 $0xD;
	s7 =	rddreg [dreg:$0x8];
	[sflag:s24] =	ssyncadd.s32 $0xFFFFD000  }
0x150: {  	[hbm4b:s7+s2] =	stream.linear.scatter [tilespmem:s9], [sflag:$0xD], $0x3000, $0x38;
	[tilespmem:$0x18200] =	vst v63  }
0x151: {  	_ =	swait.ge [sflag:s25], $0x3000  }
0x152: {  	[sflag:s25] =	ssyncset.done $0x0  }
0x153: {  	[sflag:s25] =	ssyncadd.s32 $0xFFFFD000  }
0x154: {  	v7 =	vld [tilespmem:$0xC0];
	_ =	sdelay $0x4  }
0x155: {  	v8 =	vshrl.u32 v7, $0x3  }
0x156: {  	v8 =	vmul.u32 $0x30, v8  }
0x157: {  	v7 =	vand.u32 $0x7, v7  }
0x158: {  	v7 =	vor.u32 v7, v8  }
0x159: {  	v8 =	vperm.xlane v7, v4;
	_ =	sdelay $0x1  }
0x15a: {  	v8 =	vadd.s32 v5, v8;
	_ =	sdelay $0x3  }
0x15b: {  	v7 =	vperm.xlane v7, v6  }
0x15c: {  	[tilespmem:s9], [sflag:$0x5] =	stream.indirect_vreg.gather [hbm4b:s4+s2], $0x80, v8, vm0, $0xb8;
	[tilespmem:$0x18200] =	vst v63  }
0x15d: {  	s10 =	simm.s32 $0xCA00;
	v7 =	vadd.s32 v5, v7  }
0x15e: {  	[tilespmem:s10], [sflag:$0x5] =	stream.indirect_vreg.gather [hbm4b:s5+s2], $0x80, v8, vm0, $0xb8;
	[tilespmem:$0x18200] =	vst v63  }
0x15f: {  	s26 =	simm.s32 $0xD200  }
0x160: {  	[tilespmem:s26], [sflag:$0x5] =	stream.indirect_vreg.gather [hbm4b:s6+s2], $0x80, v8, vm0, $0xb8;
	[tilespmem:$0x18200] =	vst v63  }
0x161: {  	s29 =	simm.s32 $0xDA00  }
0x162: {  	[tilespmem:s29], [sflag:$0x5] =	stream.indirect_vreg.gather [hbm4b:s4+s2], $0x80, v7, vm0, $0xb8;
	[tilespmem:$0x18200] =	vst v63  }
0x163: {  	s26 =	simm.s32 $0xE200  }
0x164: {  	[tilespmem:s26], [sflag:$0x5] =	stream.indirect_vreg.gather [hbm4b:s5+s2], $0x80, v7, vm0, $0xb8;
	[tilespmem:$0x18200] =	vst v63  }
0x165: {  	s29 =	simm.s32 $0xEA00;
	s26 =	simm.s32 $0x6  }
0x166: {  	[tilespmem:s29], [sflag:$0x5] =	stream.indirect_vreg.gather [hbm4b:s6+s2], $0x80, v7, vm0, $0xb8;
	[tilespmem:$0x18200] =	vst v63  }
0x167: {  	_ =	swait.ge [sflag:s26], $0x3000  }
0x168: {  	s7 =	simm.s32 $0xF200;
	[sflag:s26] =	ssyncset.done $0x0  }
0x169: {  	s29 =	simm.s32 $0xE;
	s1 =	rddreg [dreg:$0x9];
	[sflag:s26] =	ssyncadd.s32 $0xFFFFD000  }
0x16a: {  	[hbm4b:s1+s2] =	stream.linear.scatter [tilespmem:s7], [sflag:$0xE], $0x3000, $0x38;
	[tilespmem:$0x18200] =	vst v63  }
0x16b: {  	_ =	swait.ge [sflag:s29], $0x3000  }
0x16c: {  	[sflag:s29] =	ssyncset.done $0x0  }
0x16d: {  	[sflag:s29] =	ssyncadd.s32 $0xFFFFD000  }
0x16e: {  	v7 =	vld [tilespmem:$0xD0];
	_ =	sdelay $0x4  }
0x16f: {  	v8 =	vshrl.u32 v7, $0x3  }
0x170: {  	v8 =	vmul.u32 $0x30, v8  }
0x171: {  	v7 =	vand.u32 $0x7, v7  }
0x172: {  	v7 =	vor.u32 v7, v8  }
0x173: {  	v8 =	vperm.xlane v7, v4;
	_ =	sdelay $0x1  }
0x174: {  	v8 =	vadd.s32 v5, v8;
	_ =	sdelay $0x3  }
0x175: {  	v7 =	vperm.xlane v7, v6  }
0x176: {  	[tilespmem:s7], [sflag:$0x6] =	stream.indirect_vreg.gather [hbm4b:s4+s2], $0x80, v8, vm0, $0xb8;
	[tilespmem:$0x18200] =	vst v63  }
0x177: {  	s21 =	simm.s32 $0xFA00;
	v7 =	vadd.s32 v5, v7  }
0x178: {  	[tilespmem:s21], [sflag:$0x6] =	stream.indirect_vreg.gather [hbm4b:s5+s2], $0x80, v8, vm0, $0xb8;
	[tilespmem:$0x18200] =	vst v63  }
0x179: {  	s31 =	simm.s32 $0x10200  }
0x17a: {  	[tilespmem:s31], [sflag:$0x6] =	stream.indirect_vreg.gather [hbm4b:s6+s2], $0x80, v8, vm0, $0xb8;
	[tilespmem:$0x18200] =	vst v63  }
0x17b: {  	s8 =	simm.s32 $0x10A00  }
0x17c: {  	[tilespmem:s8], [sflag:$0x6] =	stream.indirect_vreg.gather [hbm4b:s4+s2], $0x80, v7, vm0, $0xb8;
	[tilespmem:$0x18200] =	vst v63  }
0x17d: {  	s21 =	simm.s32 $0x11200  }
0x17e: {  	[tilespmem:s21], [sflag:$0x6] =	stream.indirect_vreg.gather [hbm4b:s5+s2], $0x80, v7, vm0, $0xb8;
	[tilespmem:$0x18200] =	vst v63  }
0x17f: {  	s31 =	simm.s32 $0x11A00  }
0x180: {  	[tilespmem:s31], [sflag:$0x6] =	stream.indirect_vreg.gather [hbm4b:s6+s2], $0x80, v7, vm0, $0xb8;
	[tilespmem:$0x18200] =	vst v63  }
0x181: {  	s31 =	simm.s32 $0x7  }
0x182: {  	_ =	swait.ge [sflag:s31], $0x3000  }
0x183: {  	[sflag:s31] =	ssyncset.done $0x0  }
0x184: {  	s7 =	simm.s32 $0x12200;
	s1 =	rddreg [dreg:$0xa];
	[sflag:s31] =	ssyncadd.s32 $0xFFFFD000  }
0x185: {  	[hbm4b:s1+s2] =	stream.linear.scatter [tilespmem:s7], [sflag:$0xF], $0x3000, $0x38;
	[tilespmem:$0x18200] =	vst v63  }
0x186: {  	s1 =	simm.s32 $0xF  }
0x187: {  	_ =	swait.ge [sflag:s1], $0x3000  }
0x188: {  	[sflag:s1] =	ssyncset.done $0x0  }
0x189: {  	[sflag:s1] =	ssyncadd.s32 $0xFFFFD000  }
0x18a: {  	v7 =	vld [tilespmem:$0xE0];
	_ =	sdelay $0x4  }
0x18b: {  	v8 =	vshrl.u32 v7, $0x3  }
0x18c: {  	v8 =	vmul.u32 $0x30, v8  }
0x18d: {  	v7 =	vand.u32 $0x7, v7  }
0x18e: {  	v7 =	vor.u32 v7, v8  }
0x18f: {  	v8 =	vperm.xlane v7, v4;
	_ =	sdelay $0x1  }
0x190: {  	v8 =	vadd.s32 v5, v8;
	_ =	sdelay $0x3  }
0x191: {  	v7 =	vperm.xlane v7, v6  }
0x192: {  	[tilespmem:s7], [sflag:$0x7] =	stream.indirect_vreg.gather [hbm4b:s4+s2], $0x80, v8, vm0, $0xb8;
	[tilespmem:$0x18200] =	vst v63  }
0x193: {  	s8 =	simm.s32 $0x12A00;
	v7 =	vadd.s32 v5, v7  }
0x194: {  	[tilespmem:s8], [sflag:$0x7] =	stream.indirect_vreg.gather [hbm4b:s5+s2], $0x80, v8, vm0, $0xb8;
	[tilespmem:$0x18200] =	vst v63  }
0x195: {  	s7 =	simm.s32 $0x13200  }
0x196: {  	[tilespmem:s7], [sflag:$0x7] =	stream.indirect_vreg.gather [hbm4b:s6+s2], $0x80, v8, vm0, $0xb8;
	[tilespmem:$0x18200] =	vst v63  }
0x197: {  	s8 =	simm.s32 $0x13A00  }
0x198: {  	[tilespmem:s8], [sflag:$0x7] =	stream.indirect_vreg.gather [hbm4b:s4+s2], $0x80, v7, vm0, $0xb8;
	[tilespmem:$0x18200] =	vst v63  }
0x199: {  	s7 =	simm.s32 $0x14200  }
0x19a: {  	[tilespmem:s7], [sflag:$0x7] =	stream.indirect_vreg.gather [hbm4b:s5+s2], $0x80, v7, vm0, $0xb8;
	[tilespmem:$0x18200] =	vst v63  }
0x19b: {  	s0 =	simm.s32 $0x8;
	s8 =	simm.s32 $0x14A00  }
0x19c: {  	[tilespmem:s8], [sflag:$0x7] =	stream.indirect_vreg.gather [hbm4b:s6+s2], $0x80, v7, vm0, $0xb8;
	[tilespmem:$0x18200] =	vst v63  }
0x19d: {  	_ =	swait.ge [sflag:s0], $0x3000  }
0x19e: {  	[sflag:s0] =	ssyncset.done $0x0  }
0x19f: {  	s7 =	rddreg [dreg:$0xb];
	[sflag:s0] =	ssyncadd.s32 $0xFFFFD000  }
0x1a0: {  	[hbm4b:s7+s2] =	stream.linear.scatter [tilespmem:s22], [sflag:$0x10], $0x3000, $0x38;
	[tilespmem:$0x18200] =	vst v63  }
0x1a1: {  	s7 =	simm.s32 $0x10  }
0x1a2: {  	_ =	swait.ge [sflag:s7], $0x3000  }
0x1a3: {  	[sflag:s7] =	ssyncset.done $0x0  }
0x1a4: {  	[sflag:s7] =	ssyncadd.s32 $0xFFFFD000  }
0x1a5: {  	v7 =	vld [tilespmem:$0xF0];
	_ =	sdelay $0x4  }
0x1a6: {  	v8 =	vshrl.u32 v7, $0x3  }
0x1a7: {  	v8 =	vmul.u32 $0x30, v8  }
0x1a8: {  	v7 =	vand.u32 $0x7, v7  }
0x1a9: {  	v7 =	vor.u32 v7, v8  }
0x1aa: {  	v8 =	vperm.xlane v7, v4;
	_ =	sdelay $0x1  }
0x1ab: {  	v8 =	vadd.s32 v5, v8;
	_ =	sdelay $0x3  }
0x1ac: {  	v7 =	vperm.xlane v7, v6  }
0x1ad: {  	[tilespmem:s22], [sflag:$0x8] =	stream.indirect_vreg.gather [hbm4b:s4+s2], $0x80, v8, vm0, $0xb8;
	[tilespmem:$0x18200] =	vst v63  }
0x1ae: {  	s8 =	simm.s32 $0x15A00;
	v7 =	vadd.s32 v5, v7  }
0x1af: {  	[tilespmem:s8], [sflag:$0x8] =	stream.indirect_vreg.gather [hbm4b:s5+s2], $0x80, v8, vm0, $0xb8;
	[tilespmem:$0x18200] =	vst v63  }
0x1b0: {  	s8 =	simm.s32 $0x16200  }
0x1b1: {  	[tilespmem:s8], [sflag:$0x8] =	stream.indirect_vreg.gather [hbm4b:s6+s2], $0x80, v8, vm0, $0xb8;
	[tilespmem:$0x18200] =	vst v63  }
0x1b2: {  	s8 =	simm.s32 $0x16A00  }
0x1b3: {  	[tilespmem:s8], [sflag:$0x8] =	stream.indirect_vreg.gather [hbm4b:s4+s2], $0x80, v7, vm0, $0xb8;
	[tilespmem:$0x18200] =	vst v63  }
0x1b4: {  	s8 =	simm.s32 $0x17200  }
0x1b5: {  	[tilespmem:s8], [sflag:$0x8] =	stream.indirect_vreg.gather [hbm4b:s5+s2], $0x80, v7, vm0, $0xb8;
	[tilespmem:$0x18200] =	vst v63  }
0x1b6: {  	s8 =	simm.s32 $0x17A00  }
0x1b7: {  	[tilespmem:s8], [sflag:$0x8] =	stream.indirect_vreg.gather [hbm4b:s6+s2], $0x80, v7, vm0, $0xb8;
	[tilespmem:$0x18200] =	vst v63  }
0x1b8: {  	_ =	swait.ge [sflag:s12], $0x3000  }
0x1b9: {  	[sflag:s12] =	ssyncset.done $0x0  }
0x1ba: {  	s15 =	simm.s32 $0x200;
	s8 =	rddreg [dreg:$0xc];
	[sflag:s12] =	ssyncadd.s32 $0xFFFFD000  }
0x1bb: {  	[hbm4b:s8+s2] =	stream.linear.scatter [tilespmem:s15], [sflag:$0x9], $0x3000, $0x38;
	[tilespmem:$0x18200] =	vst v63  }
0x1bc: {  	_ =	swait.ge [sflag:s13], $0x3000  }
0x1bd: {  	[sflag:s13] =	ssyncset.done $0x0  }
0x1be: {  	[sflag:s13] =	ssyncadd.s32 $0xFFFFD000  }
0x1bf: {  	v7 =	vld [tilespmem:$0x100];
	_ =	sdelay $0x4  }
0x1c0: {  	v8 =	vshrl.u32 v7, $0x3  }
0x1c1: {  	v8 =	vmul.u32 $0x30, v8  }
0x1c2: {  	v7 =	vand.u32 $0x7, v7  }
0x1c3: {  	v7 =	vor.u32 v7, v8  }
0x1c4: {  	v8 =	vperm.xlane v7, v4;
	_ =	sdelay $0x1  }
0x1c5: {  	v8 =	vadd.s32 v5, v8;
	_ =	sdelay $0x3  }
0x1c6: {  	v7 =	vperm.xlane v7, v6  }
0x1c7: {  	[tilespmem:s15], [sflag:$0x1] =	stream.indirect_vreg.gather [hbm4b:s4+s2], $0x80, v8, vm0, $0xb8;
	[tilespmem:$0x18200] =	vst v63  }
0x1c8: {  	v7 =	vadd.s32 v5, v7;
	s15 =	simm.s32 $0xA00  }
0x1c9: {  	[tilespmem:s15], [sflag:$0x1] =	stream.indirect_vreg.gather [hbm4b:s5+s2], $0x80, v8, vm0, $0xb8;
	[tilespmem:$0x18200] =	vst v63  }
0x1ca: {  	s15 =	simm.s32 $0x1200  }
0x1cb: {  	[tilespmem:s15], [sflag:$0x1] =	stream.indirect_vreg.gather [hbm4b:s6+s2], $0x80, v8, vm0, $0xb8;
	[tilespmem:$0x18200] =	vst v63  }
0x1cc: {  	s15 =	simm.s32 $0x1A00  }
0x1cd: {  	[tilespmem:s15], [sflag:$0x1] =	stream.indirect_vreg.gather [hbm4b:s4+s2], $0x80, v7, vm0, $0xb8;
	[tilespmem:$0x18200] =	vst v63  }
0x1ce: {  	s15 =	simm.s32 $0x2200  }
0x1cf: {  	[tilespmem:s15], [sflag:$0x1] =	stream.indirect_vreg.gather [hbm4b:s5+s2], $0x80, v7, vm0, $0xb8;
	[tilespmem:$0x18200] =	vst v63  }
0x1d0: {  	s15 =	simm.s32 $0x2A00  }
0x1d1: {  	[tilespmem:s15], [sflag:$0x1] =	stream.indirect_vreg.gather [hbm4b:s6+s2], $0x80, v7, vm0, $0xb8;
	[tilespmem:$0x18200] =	vst v63  }
0x1d2: {  	_ =	swait.ge [sflag:s16], $0x3000  }
0x1d3: {  	[sflag:s16] =	ssyncset.done $0x0  }
0x1d4: {  	s14 =	simm.s32 $0x3200;
	s15 =	rddreg [dreg:$0xd];
	[sflag:s16] =	ssyncadd.s32 $0xFFFFD000  }
0x1d5: {  	[hbm4b:s15+s2] =	stream.linear.scatter [tilespmem:s14], [sflag:$0xA], $0x3000, $0x38;
	[tilespmem:$0x18200] =	vst v63  }
0x1d6: {  	_ =	swait.ge [sflag:s17], $0x3000  }
0x1d7: {  	[sflag:s17] =	ssyncset.done $0x0  }
0x1d8: {  	[sflag:s17] =	ssyncadd.s32 $0xFFFFD000  }
0x1d9: {  	v7 =	vld [tilespmem:$0x110];
	_ =	sdelay $0x4  }
0x1da: {  	v8 =	vshrl.u32 v7, $0x3  }
0x1db: {  	v8 =	vmul.u32 $0x30, v8  }
0x1dc: {  	v7 =	vand.u32 $0x7, v7  }
0x1dd: {  	v7 =	vor.u32 v7, v8  }
0x1de: {  	v8 =	vperm.xlane v7, v4;
	_ =	sdelay $0x1  }
0x1df: {  	v8 =	vadd.s32 v5, v8;
	_ =	sdelay $0x3  }
0x1e0: {  	v7 =	vperm.xlane v7, v6  }
0x1e1: {  	[tilespmem:s14], [sflag:$0x2] =	stream.indirect_vreg.gather [hbm4b:s4+s2], $0x80, v8, vm0, $0xb8;
	[tilespmem:$0x18200] =	vst v63  }
0x1e2: {  	s15 =	simm.s32 $0x3A00;
	v7 =	vadd.s32 v5, v7  }
0x1e3: {  	[tilespmem:s15], [sflag:$0x2] =	stream.indirect_vreg.gather [hbm4b:s5+s2], $0x80, v8, vm0, $0xb8;
	[tilespmem:$0x18200] =	vst v63  }
0x1e4: {  	s14 =	simm.s32 $0x4200  }
0x1e5: {  	[tilespmem:s14], [sflag:$0x2] =	stream.indirect_vreg.gather [hbm4b:s6+s2], $0x80, v8, vm0, $0xb8;
	[tilespmem:$0x18200] =	vst v63  }
0x1e6: {  	s15 =	simm.s32 $0x4A00  }
0x1e7: {  	[tilespmem:s15], [sflag:$0x2] =	stream.indirect_vreg.gather [hbm4b:s4+s2], $0x80, v7, vm0, $0xb8;
	[tilespmem:$0x18200] =	vst v63  }
0x1e8: {  	s14 =	simm.s32 $0x5200  }
0x1e9: {  	[tilespmem:s14], [sflag:$0x2] =	stream.indirect_vreg.gather [hbm4b:s5+s2], $0x80, v7, vm0, $0xb8;
	[tilespmem:$0x18200] =	vst v63  }
0x1ea: {  	s15 =	simm.s32 $0x5A00  }
0x1eb: {  	[tilespmem:s15], [sflag:$0x2] =	stream.indirect_vreg.gather [hbm4b:s6+s2], $0x80, v7, vm0, $0xb8;
	[tilespmem:$0x18200] =	vst v63  }
0x1ec: {  	_ =	swait.ge [sflag:s18], $0x3000  }
0x1ed: {  	[sflag:s18] =	ssyncset.done $0x0  }
0x1ee: {  	s3 =	simm.s32 $0x6200;
	s14 =	rddreg [dreg:$0xe];
	[sflag:s18] =	ssyncadd.s32 $0xFFFFD000  }
0x1ef: {  	[hbm4b:s14+s2] =	stream.linear.scatter [tilespmem:s3], [sflag:$0xB], $0x3000, $0x38;
	[tilespmem:$0x18200] =	vst v63  }
0x1f0: {  	_ =	swait.ge [sflag:s19], $0x3000  }
0x1f1: {  	[sflag:s19] =	ssyncset.done $0x0  }
0x1f2: {  	[sflag:s19] =	ssyncadd.s32 $0xFFFFD000  }
0x1f3: {  	v7 =	vld [tilespmem:$0x120];
	_ =	sdelay $0x4  }
0x1f4: {  	v8 =	vshrl.u32 v7, $0x3  }
0x1f5: {  	v8 =	vmul.u32 $0x30, v8  }
0x1f6: {  	v7 =	vand.u32 $0x7, v7  }
0x1f7: {  	v7 =	vor.u32 v7, v8  }
0x1f8: {  	v8 =	vperm.xlane v7, v4;
	_ =	sdelay $0x1  }
0x1f9: {  	v8 =	vadd.s32 v5, v8;
	_ =	sdelay $0x3  }
0x1fa: {  	v7 =	vperm.xlane v7, v6  }
0x1fb: {  	[tilespmem:s3], [sflag:$0x3] =	stream.indirect_vreg.gather [hbm4b:s4+s2], $0x80, v8, vm0, $0xb8;
	[tilespmem:$0x18200] =	vst v63  }
0x1fc: {  	s15 =	simm.s32 $0x6A00;
	v7 =	vadd.s32 v5, v7  }
0x1fd: {  	[tilespmem:s15], [sflag:$0x3] =	stream.indirect_vreg.gather [hbm4b:s5+s2], $0x80, v8, vm0, $0xb8;
	[tilespmem:$0x18200] =	vst v63  }
0x1fe: {  	_ = 	snop  }
0x1ff: {  	[tilespmem:s30], [sflag:$0x3] =	stream.indirect_vreg.gather [hbm4b:s6+s2], $0x80, v8, vm0, $0xb8;
	[tilespmem:$0x18200] =	vst v63  }
0x200: {  	s8 =	simm.s32 $0x7A00  }
0x201: {  	[tilespmem:s8], [sflag:$0x3] =	stream.indirect_vreg.gather [hbm4b:s4+s2], $0x80, v7, vm0, $0xb8;
	[tilespmem:$0x18200] =	vst v63  }
0x202: {  	s14 =	simm.s32 $0x8200  }
0x203: {  	[tilespmem:s14], [sflag:$0x3] =	stream.indirect_vreg.gather [hbm4b:s5+s2], $0x80, v7, vm0, $0xb8;
	[tilespmem:$0x18200] =	vst v63  }
0x204: {  	s15 =	simm.s32 $0x8A00  }
0x205: {  	[tilespmem:s15], [sflag:$0x3] =	stream.indirect_vreg.gather [hbm4b:s6+s2], $0x80, v7, vm0, $0xb8;
	[tilespmem:$0x18200] =	vst v63  }
0x206: {  	_ =	swait.ge [sflag:s20], $0x3000  }
0x207: {  	[sflag:s20] =	ssyncset.done $0x0  }
0x208: {  	s28 =	simm.s32 $0x9200;
	s14 =	rddreg [dreg:$0xf];
	[sflag:s20] =	ssyncadd.s32 $0xFFFFD000  }
0x209: {  	[hbm4b:s14+s2] =	stream.linear.scatter [tilespmem:s28], [sflag:$0xC], $0x3000, $0x38;
	[tilespmem:$0x18200] =	vst v63  }
0x20a: {  	_ =	swait.ge [sflag:s23], $0x3000  }
0x20b: {  	[sflag:s23] =	ssyncset.done $0x0  }
0x20c: {  	[sflag:s23] =	ssyncadd.s32 $0xFFFFD000  }
0x20d: {  	v7 =	vld [tilespmem:$0x130];
	_ =	sdelay $0x4  }
0x20e: {  	v8 =	vshrl.u32 v7, $0x3  }
0x20f: {  	v8 =	vmul.u32 $0x30, v8  }
0x210: {  	v7 =	vand.u32 $0x7, v7  }
0x211: {  	v7 =	vor.u32 v7, v8  }
0x212: {  	v8 =	vperm.xlane v7, v4;
	_ =	sdelay $0x1  }
0x213: {  	v8 =	vadd.s32 v5, v8;
	_ =	sdelay $0x3  }
0x214: {  	v7 =	vperm.xlane v7, v6  }
0x215: {  	[tilespmem:s28], [sflag:$0x4] =	stream.indirect_vreg.gather [hbm4b:s4+s2], $0x80, v8, vm0, $0xb8;
	[tilespmem:$0x18200] =	vst v63  }
0x216: {  	s15 =	simm.s32 $0x9A00;
	v7 =	vadd.s32 v5, v7  }
0x217: {  	[tilespmem:s15], [sflag:$0x4] =	stream.indirect_vreg.gather [hbm4b:s5+s2], $0x80, v8, vm0, $0xb8;
	[tilespmem:$0x18200] =	vst v63  }
0x218: {  	s28 =	simm.s32 $0xA200  }
0x219: {  	[tilespmem:s28], [sflag:$0x4] =	stream.indirect_vreg.gather [hbm4b:s6+s2], $0x80, v8, vm0, $0xb8;
	[tilespmem:$0x18200] =	vst v63  }
0x21a: {  	s14 =	simm.s32 $0xAA00  }
0x21b: {  	[tilespmem:s14], [sflag:$0x4] =	stream.indirect_vreg.gather [hbm4b:s4+s2], $0x80, v7, vm0, $0xb8;
	[tilespmem:$0x18200] =	vst v63  }
0x21c: {  	s15 =	simm.s32 $0xB200  }
0x21d: {  	[tilespmem:s15], [sflag:$0x4] =	stream.indirect_vreg.gather [hbm4b:s5+s2], $0x80, v7, vm0, $0xb8;
	[tilespmem:$0x18200] =	vst v63  }
0x21e: {  	s28 =	simm.s32 $0xBA00  }
0x21f: {  	[tilespmem:s28], [sflag:$0x4] =	stream.indirect_vreg.gather [hbm4b:s6+s2], $0x80, v7, vm0, $0xb8;
	[tilespmem:$0x18200] =	vst v63  }
0x220: {  	_ =	swait.ge [sflag:s24], $0x3000  }
0x221: {  	[sflag:s24] =	ssyncset.done $0x0  }
0x222: {  	s9 =	simm.s32 $0xC200;
	s14 =	rddreg [dreg:$0x10];
	[sflag:s24] =	ssyncadd.s32 $0xFFFFD000  }
0x223: {  	[hbm4b:s14+s2] =	stream.linear.scatter [tilespmem:s9], [sflag:$0xD], $0x3000, $0x38;
	[tilespmem:$0x18200] =	vst v63  }
0x224: {  	_ =	swait.ge [sflag:s25], $0x3000  }
0x225: {  	[sflag:s25] =	ssyncset.done $0x0  }
0x226: {  	[sflag:s25] =	ssyncadd.s32 $0xFFFFD000  }
0x227: {  	v7 =	vld [tilespmem:$0x140];
	_ =	sdelay $0x4  }
0x228: {  	v8 =	vshrl.u32 v7, $0x3  }
0x229: {  	v8 =	vmul.u32 $0x30, v8  }
0x22a: {  	v7 =	vand.u32 $0x7, v7  }
0x22b: {  	v7 =	vor.u32 v7, v8  }
0x22c: {  	v8 =	vperm.xlane v7, v4;
	_ =	sdelay $0x1  }
0x22d: {  	v8 =	vadd.s32 v5, v8;
	_ =	sdelay $0x3  }
0x22e: {  	v7 =	vperm.xlane v7, v6  }
0x22f: {  	[tilespmem:s9], [sflag:$0x5] =	stream.indirect_vreg.gather [hbm4b:s4+s2], $0x80, v8, vm0, $0xb8;
	[tilespmem:$0x18200] =	vst v63  }
0x230: {  	s15 =	simm.s32 $0xCA00;
	v7 =	vadd.s32 v5, v7  }
0x231: {  	[tilespmem:s15], [sflag:$0x5] =	stream.indirect_vreg.gather [hbm4b:s5+s2], $0x80, v8, vm0, $0xb8;
	[tilespmem:$0x18200] =	vst v63  }
0x232: {  	s28 =	simm.s32 $0xD200  }
0x233: {  	[tilespmem:s28], [sflag:$0x5] =	stream.indirect_vreg.gather [hbm4b:s6+s2], $0x80, v8, vm0, $0xb8;
	[tilespmem:$0x18200] =	vst v63  }
0x234: {  	s9 =	simm.s32 $0xDA00  }
0x235: {  	[tilespmem:s9], [sflag:$0x5] =	stream.indirect_vreg.gather [hbm4b:s4+s2], $0x80, v7, vm0, $0xb8;
	[tilespmem:$0x18200] =	vst v63  }
0x236: {  	s14 =	simm.s32 $0xE200  }
0x237: {  	[tilespmem:s14], [sflag:$0x5] =	stream.indirect_vreg.gather [hbm4b:s5+s2], $0x80, v7, vm0, $0xb8;
	[tilespmem:$0x18200] =	vst v63  }
0x238: {  	s15 =	simm.s32 $0xEA00  }
0x239: {  	[tilespmem:s15], [sflag:$0x5] =	stream.indirect_vreg.gather [hbm4b:s6+s2], $0x80, v7, vm0, $0xb8;
	[tilespmem:$0x18200] =	vst v63  }
0x23a: {  	_ =	swait.ge [sflag:s26], $0x3000  }
0x23b: {  	[sflag:s26] =	ssyncset.done $0x0  }
0x23c: {  	s10 =	simm.s32 $0xF200;
	s28 =	rddreg [dreg:$0x11];
	[sflag:s26] =	ssyncadd.s32 $0xFFFFD000  }
0x23d: {  	[hbm4b:s28+s2] =	stream.linear.scatter [tilespmem:s10], [sflag:$0xE], $0x3000, $0x38;
	[tilespmem:$0x18200] =	vst v63  }
0x23e: {  	_ =	swait.ge [sflag:s29], $0x3000  }
0x23f: {  	[sflag:s29] =	ssyncset.done $0x0  }
0x240: {  	[sflag:s29] =	ssyncadd.s32 $0xFFFFD000  }
0x241: {  	v7 =	vld [tilespmem:$0x150];
	_ =	sdelay $0x4  }
0x242: {  	v8 =	vshrl.u32 v7, $0x3  }
0x243: {  	v8 =	vmul.u32 $0x30, v8  }
0x244: {  	v7 =	vand.u32 $0x7, v7  }
0x245: {  	v7 =	vor.u32 v7, v8  }
0x246: {  	v8 =	vperm.xlane v7, v4;
	_ =	sdelay $0x1  }
0x247: {  	v8 =	vadd.s32 v5, v8;
	_ =	sdelay $0x3  }
0x248: {  	v7 =	vperm.xlane v7, v6  }
0x249: {  	[tilespmem:s10], [sflag:$0x6] =	stream.indirect_vreg.gather [hbm4b:s4+s2], $0x80, v8, vm0, $0xb8;
	[tilespmem:$0x18200] =	vst v63  }
0x24a: {  	s9 =	simm.s32 $0xFA00;
	v7 =	vadd.s32 v5, v7  }
0x24b: {  	[tilespmem:s9], [sflag:$0x6] =	stream.indirect_vreg.gather [hbm4b:s5+s2], $0x80, v8, vm0, $0xb8;
	[tilespmem:$0x18200] =	vst v63  }
0x24c: {  	s10 =	simm.s32 $0x10200  }
0x24d: {  	[tilespmem:s10], [sflag:$0x6] =	stream.indirect_vreg.gather [hbm4b:s6+s2], $0x80, v8, vm0, $0xb8;
	[tilespmem:$0x18200] =	vst v63  }
0x24e: {  	s14 =	simm.s32 $0x10A00  }
0x24f: {  	[tilespmem:s14], [sflag:$0x6] =	stream.indirect_vreg.gather [hbm4b:s4+s2], $0x80, v7, vm0, $0xb8;
	[tilespmem:$0x18200] =	vst v63  }
0x250: {  	s15 =	simm.s32 $0x11200  }
0x251: {  	[tilespmem:s15], [sflag:$0x6] =	stream.indirect_vreg.gather [hbm4b:s5+s2], $0x80, v7, vm0, $0xb8;
	[tilespmem:$0x18200] =	vst v63  }
0x252: {  	s28 =	simm.s32 $0x11A00  }
0x253: {  	[tilespmem:s28], [sflag:$0x6] =	stream.indirect_vreg.gather [hbm4b:s6+s2], $0x80, v7, vm0, $0xb8;
	[tilespmem:$0x18200] =	vst v63  }
0x254: {  	_ =	swait.ge [sflag:s31], $0x3000  }
0x255: {  	[sflag:s31] =	ssyncset.done $0x0  }
0x256: {  	s21 =	simm.s32 $0x12200;
	s9 =	rddreg [dreg:$0x12];
	[sflag:s31] =	ssyncadd.s32 $0xFFFFD000  }
0x257: {  	[hbm4b:s9+s2] =	stream.linear.scatter [tilespmem:s21], [sflag:$0xF], $0x3000, $0x38;
	[tilespmem:$0x18200] =	vst v63  }
0x258: {  	_ =	swait.ge [sflag:s1], $0x3000  }
0x259: {  	[sflag:s1] =	ssyncset.done $0x0  }
0x25a: {  	[sflag:s1] =	ssyncadd.s32 $0xFFFFD000  }
0x25b: {  	v7 =	vld [tilespmem:$0x160];
	_ =	sdelay $0x4  }
0x25c: {  	v8 =	vshrl.u32 v7, $0x3  }
0x25d: {  	v8 =	vmul.u32 $0x30, v8  }
0x25e: {  	v7 =	vand.u32 $0x7, v7  }
0x25f: {  	v7 =	vor.u32 v7, v8  }
0x260: {  	v8 =	vperm.xlane v7, v4;
	_ =	sdelay $0x1  }
0x261: {  	v8 =	vadd.s32 v5, v8;
	_ =	sdelay $0x3  }
0x262: {  	v7 =	vperm.xlane v7, v6  }
0x263: {  	[tilespmem:s21], [sflag:$0x7] =	stream.indirect_vreg.gather [hbm4b:s4+s2], $0x80, v8, vm0, $0xb8;
	[tilespmem:$0x18200] =	vst v63  }
0x264: {  	s10 =	simm.s32 $0x12A00;
	v7 =	vadd.s32 v5, v7  }
0x265: {  	[tilespmem:s10], [sflag:$0x7] =	stream.indirect_vreg.gather [hbm4b:s5+s2], $0x80, v8, vm0, $0xb8;
	[tilespmem:$0x18200] =	vst v63  }
0x266: {  	s14 =	simm.s32 $0x13200  }
0x267: {  	[tilespmem:s14], [sflag:$0x7] =	stream.indirect_vreg.gather [hbm4b:s6+s2], $0x80, v8, vm0, $0xb8;
	[tilespmem:$0x18200] =	vst v63  }
0x268: {  	s15 =	simm.s32 $0x13A00  }
0x269: {  	[tilespmem:s15], [sflag:$0x7] =	stream.indirect_vreg.gather [hbm4b:s4+s2], $0x80, v7, vm0, $0xb8;
	[tilespmem:$0x18200] =	vst v63  }
0x26a: {  	s21 =	simm.s32 $0x14200  }
0x26b: {  	[tilespmem:s21], [sflag:$0x7] =	stream.indirect_vreg.gather [hbm4b:s5+s2], $0x80, v7, vm0, $0xb8;
	[tilespmem:$0x18200] =	vst v63  }
0x26c: {  	s28 =	simm.s32 $0x14A00  }
0x26d: {  	[tilespmem:s28], [sflag:$0x7] =	stream.indirect_vreg.gather [hbm4b:s6+s2], $0x80, v7, vm0, $0xb8;
	[tilespmem:$0x18200] =	vst v63  }
0x26e: {  	_ =	swait.ge [sflag:s0], $0x3000  }
0x26f: {  	[sflag:s0] =	ssyncset.done $0x0  }
0x270: {  	s9 =	rddreg [dreg:$0x13];
	[sflag:s0] =	ssyncadd.s32 $0xFFFFD000  }
0x271: {  	[hbm4b:s9+s2] =	stream.linear.scatter [tilespmem:s22], [sflag:$0x10], $0x3000, $0x38;
	[tilespmem:$0x18200] =	vst v63  }
0x272: {  	_ =	swait.ge [sflag:s7], $0x3000  }
0x273: {  	[sflag:s7] =	ssyncset.done $0x0  }
0x274: {  	[sflag:s7] =	ssyncadd.s32 $0xFFFFD000  }
0x275: {  	v7 =	vld [tilespmem:$0x170];
	_ =	sdelay $0x4  }
0x276: {  	v8 =	vshrl.u32 v7, $0x3  }
0x277: {  	v8 =	vmul.u32 $0x30, v8  }
0x278: {  	v7 =	vand.u32 $0x7, v7  }
0x279: {  	v7 =	vor.u32 v7, v8  }
0x27a: {  	v8 =	vperm.xlane v7, v4;
	_ =	sdelay $0x1  }
0x27b: {  	v8 =	vadd.s32 v5, v8;
	_ =	sdelay $0x3  }
0x27c: {  	v7 =	vperm.xlane v7, v6  }
0x27d: {  	[tilespmem:s22], [sflag:$0x8] =	stream.indirect_vreg.gather [hbm4b:s4+s2], $0x80, v8, vm0, $0xb8;
	[tilespmem:$0x18200] =	vst v63  }
0x27e: {  	s10 =	simm.s32 $0x15A00;
	v7 =	vadd.s32 v5, v7  }
0x27f: {  	[tilespmem:s10], [sflag:$0x8] =	stream.indirect_vreg.gather [hbm4b:s5+s2], $0x80, v8, vm0, $0xb8;
	[tilespmem:$0x18200] =	vst v63  }
0x280: {  	s14 =	simm.s32 $0x16200  }
0x281: {  	[tilespmem:s14], [sflag:$0x8] =	stream.indirect_vreg.gather [hbm4b:s6+s2], $0x80, v8, vm0, $0xb8;
	[tilespmem:$0x18200] =	vst v63  }
0x282: {  	s15 =	simm.s32 $0x16A00  }
0x283: {  	[tilespmem:s15], [sflag:$0x8] =	stream.indirect_vreg.gather [hbm4b:s4+s2], $0x80, v7, vm0, $0xb8;
	[tilespmem:$0x18200] =	vst v63  }
0x284: {  	s21 =	simm.s32 $0x17200  }
0x285: {  	[tilespmem:s21], [sflag:$0x8] =	stream.indirect_vreg.gather [hbm4b:s5+s2], $0x80, v7, vm0, $0xb8;
	[tilespmem:$0x18200] =	vst v63  }
0x286: {  	s28 =	simm.s32 $0x17A00  }
0x287: {  	[tilespmem:s28], [sflag:$0x8] =	stream.indirect_vreg.gather [hbm4b:s6+s2], $0x80, v7, vm0, $0xb8;
	[tilespmem:$0x18200] =	vst v63  }
0x288: {  	_ =	swait.ge [sflag:s12], $0x3000  }
0x289: {  	[sflag:s12] =	ssyncset.done $0x0  }
0x28a: {  	s10 =	simm.s32 $0x200;
	s9 =	rddreg [dreg:$0x14];
	[sflag:s12] =	ssyncadd.s32 $0xFFFFD000  }
0x28b: {  	[hbm4b:s9+s2] =	stream.linear.scatter [tilespmem:s10], [sflag:$0x9], $0x3000, $0x38;
	[tilespmem:$0x18200] =	vst v63  }
0x28c: {  	_ =	swait.ge [sflag:s13], $0x3000  }
0x28d: {  	[sflag:s13] =	ssyncset.done $0x0  }
0x28e: {  	[sflag:s13] =	ssyncadd.s32 $0xFFFFD000  }
0x28f: {  	v7 =	vld [tilespmem:$0x180];
	_ =	sdelay $0x4  }
0x290: {  	v8 =	vshrl.u32 v7, $0x3  }
0x291: {  	v8 =	vmul.u32 $0x30, v8  }
0x292: {  	v7 =	vand.u32 $0x7, v7  }
0x293: {  	v7 =	vor.u32 v7, v8  }
0x294: {  	v8 =	vperm.xlane v7, v4;
	_ =	sdelay $0x1  }
0x295: {  	v8 =	vadd.s32 v5, v8;
	_ =	sdelay $0x3  }
0x296: {  	v7 =	vperm.xlane v7, v6  }
0x297: {  	[tilespmem:s10], [sflag:$0x1] =	stream.indirect_vreg.gather [hbm4b:s4+s2], $0x80, v8, vm0, $0xb8;
	[tilespmem:$0x18200] =	vst v63  }
0x298: {  	s14 =	simm.s32 $0xA00;
	v7 =	vadd.s32 v5, v7  }
0x299: {  	[tilespmem:s14], [sflag:$0x1] =	stream.indirect_vreg.gather [hbm4b:s5+s2], $0x80, v8, vm0, $0xb8;
	[tilespmem:$0x18200] =	vst v63  }
0x29a: {  	s21 =	simm.s32 $0x1200  }
0x29b: {  	[tilespmem:s21], [sflag:$0x1] =	stream.indirect_vreg.gather [hbm4b:s6+s2], $0x80, v8, vm0, $0xb8;
	[tilespmem:$0x18200] =	vst v63  }
0x29c: {  	s28 =	simm.s32 $0x1A00  }
0x29d: {  	[tilespmem:s28], [sflag:$0x1] =	stream.indirect_vreg.gather [hbm4b:s4+s2], $0x80, v7, vm0, $0xb8;
	[tilespmem:$0x18200] =	vst v63  }
0x29e: {  	s9 =	simm.s32 $0x2200  }
0x29f: {  	[tilespmem:s9], [sflag:$0x1] =	stream.indirect_vreg.gather [hbm4b:s5+s2], $0x80, v7, vm0, $0xb8;
	[tilespmem:$0x18200] =	vst v63  }
0x2a0: {  	s10 =	simm.s32 $0x2A00  }
0x2a1: {  	[tilespmem:s10], [sflag:$0x1] =	stream.indirect_vreg.gather [hbm4b:s6+s2], $0x80, v7, vm0, $0xb8;
	[tilespmem:$0x18200] =	vst v63  }
0x2a2: {  	_ =	swait.ge [sflag:s16], $0x3000  }
0x2a3: {  	[sflag:s16] =	ssyncset.done $0x0  }
0x2a4: {  	s21 =	simm.s32 $0x3200;
	s14 =	rddreg [dreg:$0x15];
	[sflag:s16] =	ssyncadd.s32 $0xFFFFD000  }
0x2a5: {  	[hbm4b:s14+s2] =	stream.linear.scatter [tilespmem:s21], [sflag:$0xA], $0x3000, $0x38;
	[tilespmem:$0x18200] =	vst v63  }
0x2a6: {  	_ =	swait.ge [sflag:s17], $0x3000  }
0x2a7: {  	[sflag:s17] =	ssyncset.done $0x0  }
0x2a8: {  	[sflag:s17] =	ssyncadd.s32 $0xFFFFD000  }
0x2a9: {  	v7 =	vld [tilespmem:$0x190];
	_ =	sdelay $0x4  }
0x2aa: {  	v8 =	vshrl.u32 v7, $0x3  }
0x2ab: {  	v8 =	vmul.u32 $0x30, v8  }
0x2ac: {  	v7 =	vand.u32 $0x7, v7  }
0x2ad: {  	v7 =	vor.u32 v7, v8  }
0x2ae: {  	v8 =	vperm.xlane v7, v4;
	_ =	sdelay $0x1  }
0x2af: {  	v8 =	vadd.s32 v5, v8;
	_ =	sdelay $0x3  }
0x2b0: {  	v7 =	vperm.xlane v7, v6  }
0x2b1: {  	[tilespmem:s21], [sflag:$0x2] =	stream.indirect_vreg.gather [hbm4b:s4+s2], $0x80, v8, vm0, $0xb8;
	[tilespmem:$0x18200] =	vst v63  }
0x2b2: {  	s28 =	simm.s32 $0x3A00;
	v7 =	vadd.s32 v5, v7  }
0x2b3: {  	[tilespmem:s28], [sflag:$0x2] =	stream.indirect_vreg.gather [hbm4b:s5+s2], $0x80, v8, vm0, $0xb8;
	[tilespmem:$0x18200] =	vst v63  }
0x2b4: {  	s9 =	simm.s32 $0x4200  }
0x2b5: {  	[tilespmem:s9], [sflag:$0x2] =	stream.indirect_vreg.gather [hbm4b:s6+s2], $0x80, v8, vm0, $0xb8;
	[tilespmem:$0x18200] =	vst v63  }
0x2b6: {  	s10 =	simm.s32 $0x4A00  }
0x2b7: {  	[tilespmem:s10], [sflag:$0x2] =	stream.indirect_vreg.gather [hbm4b:s4+s2], $0x80, v7, vm0, $0xb8;
	[tilespmem:$0x18200] =	vst v63  }
0x2b8: {  	s21 =	simm.s32 $0x5200  }
0x2b9: {  	[tilespmem:s21], [sflag:$0x2] =	stream.indirect_vreg.gather [hbm4b:s5+s2], $0x80, v7, vm0, $0xb8;
	[tilespmem:$0x18200] =	vst v63  }
0x2ba: {  	s28 =	simm.s32 $0x5A00  }
0x2bb: {  	[tilespmem:s28], [sflag:$0x2] =	stream.indirect_vreg.gather [hbm4b:s6+s2], $0x80, v7, vm0, $0xb8;
	[tilespmem:$0x18200] =	vst v63  }
0x2bc: {  	_ =	swait.ge [sflag:s18], $0x3000  }
0x2bd: {  	[sflag:s18] =	ssyncset.done $0x0  }
0x2be: {  	s10 =	simm.s32 $0x6200;
	s9 =	rddreg [dreg:$0x16];
	[sflag:s18] =	ssyncadd.s32 $0xFFFFD000  }
0x2bf: {  	[hbm4b:s9+s2] =	stream.linear.scatter [tilespmem:s10], [sflag:$0xB], $0x3000, $0x38;
	[tilespmem:$0x18200] =	vst v63  }
0x2c0: {  	_ =	swait.ge [sflag:s19], $0x3000  }
0x2c1: {  	[sflag:s19] =	ssyncset.done $0x0  }
0x2c2: {  	[sflag:s19] =	ssyncadd.s32 $0xFFFFD000  }
0x2c3: {  	v7 =	vld [tilespmem:$0x1A0];
	_ =	sdelay $0x4  }
0x2c4: {  	v8 =	vshrl.u32 v7, $0x3  }
0x2c5: {  	v8 =	vmul.u32 $0x30, v8  }
0x2c6: {  	v7 =	vand.u32 $0x7, v7  }
0x2c7: {  	v7 =	vor.u32 v7, v8  }
0x2c8: {  	v8 =	vperm.xlane v7, v4;
	_ =	sdelay $0x1  }
0x2c9: {  	v8 =	vadd.s32 v5, v8;
	_ =	sdelay $0x3  }
0x2ca: {  	v7 =	vperm.xlane v7, v6  }
0x2cb: {  	[tilespmem:s10], [sflag:$0x3] =	stream.indirect_vreg.gather [hbm4b:s4+s2], $0x80, v8, vm0, $0xb8;
	[tilespmem:$0x18200] =	vst v63  }
0x2cc: {  	s21 =	simm.s32 $0x6A00;
	v7 =	vadd.s32 v5, v7  }
0x2cd: {  	[tilespmem:s21], [sflag:$0x3] =	stream.indirect_vreg.gather [hbm4b:s5+s2], $0x80, v8, vm0, $0xb8;
	[tilespmem:$0x18200] =	vst v63  }
0x2ce: {  	s30 =	simm.s32 $0x7200  }
0x2cf: {  	[tilespmem:s30], [sflag:$0x3] =	stream.indirect_vreg.gather [hbm4b:s6+s2], $0x80, v8, vm0, $0xb8;
	[tilespmem:$0x18200] =	vst v63  }
0x2d0: {  	s3 =	simm.s32 $0x7A00  }
0x2d1: {  	[tilespmem:s3], [sflag:$0x3] =	stream.indirect_vreg.gather [hbm4b:s4+s2], $0x80, v7, vm0, $0xb8;
	[tilespmem:$0x18200] =	vst v63  }
0x2d2: {  	s8 =	simm.s32 $0x8200  }
0x2d3: {  	[tilespmem:s8], [sflag:$0x3] =	stream.indirect_vreg.gather [hbm4b:s5+s2], $0x80, v7, vm0, $0xb8;
	[tilespmem:$0x18200] =	vst v63  }
0x2d4: {  	s9 =	simm.s32 $0x8A00  }
0x2d5: {  	[tilespmem:s9], [sflag:$0x3] =	stream.indirect_vreg.gather [hbm4b:s6+s2], $0x80, v7, vm0, $0xb8;
	[tilespmem:$0x18200] =	vst v63  }
0x2d6: {  	_ =	swait.ge [sflag:s20], $0x3000  }
0x2d7: {  	[sflag:s20] =	ssyncset.done $0x0  }
0x2d8: {  	s21 =	simm.s32 $0x9200;
	s10 =	rddreg [dreg:$0x17];
	[sflag:s20] =	ssyncadd.s32 $0xFFFFD000  }
0x2d9: {  	[hbm4b:s10+s2] =	stream.linear.scatter [tilespmem:s21], [sflag:$0xC], $0x3000, $0x38;
	[tilespmem:$0x18200] =	vst v63  }
0x2da: {  	_ =	swait.ge [sflag:s23], $0x3000  }
0x2db: {  	[sflag:s23] =	ssyncset.done $0x0  }
0x2dc: {  	[sflag:s23] =	ssyncadd.s32 $0xFFFFD000  }
0x2dd: {  	v7 =	vld [tilespmem:$0x1B0];
	_ =	sdelay $0x4  }
0x2de: {  	v8 =	vshrl.u32 v7, $0x3  }
0x2df: {  	v8 =	vmul.u32 $0x30, v8  }
0x2e0: {  	v7 =	vand.u32 $0x7, v7  }
0x2e1: {  	v7 =	vor.u32 v7, v8  }
0x2e2: {  	v8 =	vperm.xlane v7, v4;
	_ =	sdelay $0x1  }
0x2e3: {  	v8 =	vadd.s32 v5, v8;
	_ =	sdelay $0x3  }
0x2e4: {  	v7 =	vperm.xlane v7, v6  }
0x2e5: {  	[tilespmem:s21], [sflag:$0x4] =	stream.indirect_vreg.gather [hbm4b:s4+s2], $0x80, v8, vm0, $0xb8;
	[tilespmem:$0x18200] =	vst v63  }
0x2e6: {  	s30 =	simm.s32 $0x9A00;
	v7 =	vadd.s32 v5, v7  }
0x2e7: {  	[tilespmem:s30], [sflag:$0x4] =	stream.indirect_vreg.gather [hbm4b:s5+s2], $0x80, v8, vm0, $0xb8;
	[tilespmem:$0x18200] =	vst v63  }
0x2e8: {  	s8 =	simm.s32 $0xA200  }
0x2e9: {  	[tilespmem:s8], [sflag:$0x4] =	stream.indirect_vreg.gather [hbm4b:s6+s2], $0x80, v8, vm0, $0xb8;
	[tilespmem:$0x18200] =	vst v63  }
0x2ea: {  	s10 =	simm.s32 $0xAA00  }
0x2eb: {  	[tilespmem:s10], [sflag:$0x4] =	stream.indirect_vreg.gather [hbm4b:s4+s2], $0x80, v7, vm0, $0xb8;
	[tilespmem:$0x18200] =	vst v63  }
0x2ec: {  	s21 =	simm.s32 $0xB200  }
0x2ed: {  	[tilespmem:s21], [sflag:$0x4] =	stream.indirect_vreg.gather [hbm4b:s5+s2], $0x80, v7, vm0, $0xb8;
	[tilespmem:$0x18200] =	vst v63  }
0x2ee: {  	s30 =	simm.s32 $0xBA00  }
0x2ef: {  	[tilespmem:s30], [sflag:$0x4] =	stream.indirect_vreg.gather [hbm4b:s6+s2], $0x80, v7, vm0, $0xb8;
	[tilespmem:$0x18200] =	vst v63  }
0x2f0: {  	_ =	swait.ge [sflag:s24], $0x3000  }
0x2f1: {  	[sflag:s24] =	ssyncset.done $0x0  }
0x2f2: {  	s10 =	simm.s32 $0xC200;
	s3 =	rddreg [dreg:$0x18];
	[sflag:s24] =	ssyncadd.s32 $0xFFFFD000  }
0x2f3: {  	[hbm4b:s3+s2] =	stream.linear.scatter [tilespmem:s10], [sflag:$0xD], $0x3000, $0x38;
	[tilespmem:$0x18200] =	vst v63  }
0x2f4: {  	_ =	swait.ge [sflag:s25], $0x3000  }
0x2f5: {  	[sflag:s25] =	ssyncset.done $0x0  }
0x2f6: {  	[sflag:s25] =	ssyncadd.s32 $0xFFFFD000  }
0x2f7: {  	v7 =	vld [tilespmem:$0x1C0];
	_ =	sdelay $0x4  }
0x2f8: {  	v8 =	vshrl.u32 v7, $0x3  }
0x2f9: {  	v8 =	vmul.u32 $0x30, v8  }
0x2fa: {  	v7 =	vand.u32 $0x7, v7  }
0x2fb: {  	v7 =	vor.u32 v7, v8  }
0x2fc: {  	v8 =	vperm.xlane v7, v4;
	_ =	sdelay $0x1  }
0x2fd: {  	v8 =	vadd.s32 v5, v8;
	_ =	sdelay $0x3  }
0x2fe: {  	v7 =	vperm.xlane v7, v6  }
0x2ff: {  	[tilespmem:s10], [sflag:$0x5] =	stream.indirect_vreg.gather [hbm4b:s4+s2], $0x80, v8, vm0, $0xb8;
	[tilespmem:$0x18200] =	vst v63  }
0x300: {  	s21 =	simm.s32 $0xCA00;
	v7 =	vadd.s32 v5, v7  }
0x301: {  	[tilespmem:s21], [sflag:$0x5] =	stream.indirect_vreg.gather [hbm4b:s5+s2], $0x80, v8, vm0, $0xb8;
	[tilespmem:$0x18200] =	vst v63  }
0x302: {  	s30 =	simm.s32 $0xD200  }
0x303: {  	[tilespmem:s30], [sflag:$0x5] =	stream.indirect_vreg.gather [hbm4b:s6+s2], $0x80, v8, vm0, $0xb8;
	[tilespmem:$0x18200] =	vst v63  }
0x304: {  	s10 =	simm.s32 $0xDA00  }
0x305: {  	[tilespmem:s10], [sflag:$0x5] =	stream.indirect_vreg.gather [hbm4b:s4+s2], $0x80, v7, vm0, $0xb8;
	[tilespmem:$0x18200] =	vst v63  }
0x306: {  	s21 =	simm.s32 $0xE200  }
0x307: {  	[tilespmem:s21], [sflag:$0x5] =	stream.indirect_vreg.gather [hbm4b:s5+s2], $0x80, v7, vm0, $0xb8;
	[tilespmem:$0x18200] =	vst v63  }
0x308: {  	s30 =	simm.s32 $0xEA00  }
0x309: {  	[tilespmem:s30], [sflag:$0x5] =	stream.indirect_vreg.gather [hbm4b:s6+s2], $0x80, v7, vm0, $0xb8;
	[tilespmem:$0x18200] =	vst v63  }
0x30a: {  	_ =	swait.ge [sflag:s26], $0x3000  }
0x30b: {  	[sflag:s26] =	ssyncset.done $0x0  }
0x30c: {  	s21 =	simm.s32 $0xF200;
	s10 =	rddreg [dreg:$0x19];
	[sflag:s26] =	ssyncadd.s32 $0xFFFFD000  }
0x30d: {  	[hbm4b:s10+s2] =	stream.linear.scatter [tilespmem:s21], [sflag:$0xE], $0x3000, $0x38;
	[tilespmem:$0x18200] =	vst v63  }
0x30e: {  	_ =	swait.ge [sflag:s29], $0x3000  }
0x30f: {  	[sflag:s29] =	ssyncset.done $0x0  }
0x310: {  	[sflag:s29] =	ssyncadd.s32 $0xFFFFD000  }
0x311: {  	v7 =	vld [tilespmem:$0x1D0];
	_ =	sdelay $0x4  }
0x312: {  	v8 =	vshrl.u32 v7, $0x3  }
0x313: {  	v8 =	vmul.u32 $0x30, v8  }
0x314: {  	v7 =	vand.u32 $0x7, v7  }
0x315: {  	v7 =	vor.u32 v7, v8  }
0x316: {  	v8 =	vperm.xlane v7, v4;
	_ =	sdelay $0x1  }
0x317: {  	v8 =	vadd.s32 v5, v8;
	_ =	sdelay $0x3  }
0x318: {  	v7 =	vperm.xlane v7, v6  }
0x319: {  	[tilespmem:s21], [sflag:$0x6] =	stream.indirect_vreg.gather [hbm4b:s4+s2], $0x80, v8, vm0, $0xb8;
	[tilespmem:$0x18200] =	vst v63  }
0x31a: {  	s30 =	simm.s32 $0xFA00;
	v7 =	vadd.s32 v5, v7  }
0x31b: {  	[tilespmem:s30], [sflag:$0x6] =	stream.indirect_vreg.gather [hbm4b:s5+s2], $0x80, v8, vm0, $0xb8;
	[tilespmem:$0x18200] =	vst v63  }
0x31c: {  	s21 =	simm.s32 $0x10200  }
0x31d: {  	[tilespmem:s21], [sflag:$0x6] =	stream.indirect_vreg.gather [hbm4b:s6+s2], $0x80, v8, vm0, $0xb8;
	[tilespmem:$0x18200] =	vst v63  }
0x31e: {  	s30 =	simm.s32 $0x10A00  }
0x31f: {  	[tilespmem:s30], [sflag:$0x6] =	stream.indirect_vreg.gather [hbm4b:s4+s2], $0x80, v7, vm0, $0xb8;
	[tilespmem:$0x18200] =	vst v63  }
0x320: {  	s21 =	simm.s32 $0x11200  }
0x321: {  	[tilespmem:s21], [sflag:$0x6] =	stream.indirect_vreg.gather [hbm4b:s5+s2], $0x80, v7, vm0, $0xb8;
	[tilespmem:$0x18200] =	vst v63  }
0x322: {  	s30 =	simm.s32 $0x11A00  }
0x323: {  	[tilespmem:s30], [sflag:$0x6] =	stream.indirect_vreg.gather [hbm4b:s6+s2], $0x80, v7, vm0, $0xb8;
	[tilespmem:$0x18200] =	vst v63  }
0x324: {  	_ =	swait.ge [sflag:s31], $0x3000  }
0x325: {  	[sflag:s31] =	ssyncset.done $0x0  }
0x326: {  	s30 =	simm.s32 $0x12200;
	s21 =	rddreg [dreg:$0x1a];
	[sflag:s31] =	ssyncadd.s32 $0xFFFFD000  }
0x327: {  	[hbm4b:s21+s2] =	stream.linear.scatter [tilespmem:s30], [sflag:$0xF], $0x3000, $0x38;
	[tilespmem:$0x18200] =	vst v63  }
0x328: {  	_ =	swait.ge [sflag:s1], $0x3000  }
0x329: {  	[sflag:s1] =	ssyncset.done $0x0  }
0x32a: {  	[sflag:s1] =	ssyncadd.s32 $0xFFFFD000  }
0x32b: {  	v7 =	vld [tilespmem:$0x1E0];
	_ =	sdelay $0x4  }
0x32c: {  	v8 =	vshrl.u32 v7, $0x3  }
0x32d: {  	v8 =	vmul.u32 $0x30, v8  }
0x32e: {  	v7 =	vand.u32 $0x7, v7  }
0x32f: {  	v7 =	vor.u32 v7, v8  }
0x330: {  	v8 =	vperm.xlane v7, v4;
	_ =	sdelay $0x1  }
0x331: {  	v8 =	vadd.s32 v5, v8;
	_ =	sdelay $0x3  }
0x332: {  	v7 =	vperm.xlane v7, v6  }
0x333: {  	[tilespmem:s30], [sflag:$0x7] =	stream.indirect_vreg.gather [hbm4b:s4+s2], $0x80, v8, vm0, $0xb8;
	[tilespmem:$0x18200] =	vst v63  }
0x334: {  	v7 =	vadd.s32 v5, v7;
	s30 =	simm.s32 $0x12A00  }
0x335: {  	[tilespmem:s30], [sflag:$0x7] =	stream.indirect_vreg.gather [hbm4b:s5+s2], $0x80, v8, vm0, $0xb8;
	[tilespmem:$0x18200] =	vst v63  }
0x336: {  	s30 =	simm.s32 $0x13200  }
0x337: {  	[tilespmem:s30], [sflag:$0x7] =	stream.indirect_vreg.gather [hbm4b:s6+s2], $0x80, v8, vm0, $0xb8;
	[tilespmem:$0x18200] =	vst v63  }
0x338: {  	s30 =	simm.s32 $0x13A00  }
0x339: {  	[tilespmem:s30], [sflag:$0x7] =	stream.indirect_vreg.gather [hbm4b:s4+s2], $0x80, v7, vm0, $0xb8;
	[tilespmem:$0x18200] =	vst v63  }
0x33a: {  	s30 =	simm.s32 $0x14200  }
0x33b: {  	[tilespmem:s30], [sflag:$0x7] =	stream.indirect_vreg.gather [hbm4b:s5+s2], $0x80, v7, vm0, $0xb8;
	[tilespmem:$0x18200] =	vst v63  }
0x33c: {  	s30 =	simm.s32 $0x14A00  }
0x33d: {  	[tilespmem:s30], [sflag:$0x7] =	stream.indirect_vreg.gather [hbm4b:s6+s2], $0x80, v7, vm0, $0xb8;
	[tilespmem:$0x18200] =	vst v63  }
0x33e: {  	_ =	swait.ge [sflag:s0], $0x3000  }
0x33f: {  	[sflag:s0] =	ssyncset.done $0x0  }
0x340: {  	s30 =	rddreg [dreg:$0x1b];
	[sflag:s0] =	ssyncadd.s32 $0xFFFFD000  }
0x341: {  	[hbm4b:s30+s2] =	stream.linear.scatter [tilespmem:s22], [sflag:$0x10], $0x3000, $0x38;
	[tilespmem:$0x18200] =	vst v63  }
0x342: {  	_ =	swait.ge [sflag:s7], $0x3000  }
0x343: {  	[sflag:s7] =	ssyncset.done $0x0  }
0x344: {  	[sflag:s7] =	ssyncadd.s32 $0xFFFFD000  }
0x345: {  	v7 =	vld [tilespmem:$0x1F0];
	_ =	sdelay $0x4  }
0x346: {  	v8 =	vshrl.u32 v7, $0x3  }
0x347: {  	v8 =	vmul.u32 $0x30, v8  }
0x348: {  	v7 =	vand.u32 $0x7, v7  }
0x349: {  	v7 =	vor.u32 v7, v8  }
0x34a: {  	v8 =	vperm.xlane v7, v4;
	_ =	sdelay $0x1  }
0x34b: {  	v8 =	vadd.s32 v5, v8;
	_ =	sdelay $0x3  }
0x34c: {  	v7 =	vperm.xlane v7, v6  }
0x34d: {  	[tilespmem:s22], [sflag:$0x8] =	stream.indirect_vreg.gather [hbm4b:s4+s2], $0x80, v8, vm0, $0xb8;
	[tilespmem:$0x18200] =	vst v63  }
0x34e: {  	s30 =	simm.s32 $0x15A00;
	v7 =	vadd.s32 v5, v7  }
0x34f: {  	[tilespmem:s30], [sflag:$0x8] =	stream.indirect_vreg.gather [hbm4b:s5+s2], $0x80, v8, vm0, $0xb8;
	[tilespmem:$0x18200] =	vst v63  }
0x350: {  	s30 =	simm.s32 $0x16200  }
0x351: {  	[tilespmem:s30], [sflag:$0x8] =	stream.indirect_vreg.gather [hbm4b:s6+s2], $0x80, v8, vm0, $0xb8;
	[tilespmem:$0x18200] =	vst v63  }
0x352: {  	s30 =	simm.s32 $0x16A00  }
0x353: {  	[tilespmem:s30], [sflag:$0x8] =	stream.indirect_vreg.gather [hbm4b:s4+s2], $0x80, v7, vm0, $0xb8;
	[tilespmem:$0x18200] =	vst v63  }
0x354: {  	s30 =	simm.s32 $0x17200  }
0x355: {  	[tilespmem:s30], [sflag:$0x8] =	stream.indirect_vreg.gather [hbm4b:s5+s2], $0x80, v7, vm0, $0xb8;
	[tilespmem:$0x18200] =	vst v63  }
0x356: {  	s30 =	simm.s32 $0x17A00  }
0x357: {  	[tilespmem:s30], [sflag:$0x8] =	stream.indirect_vreg.gather [hbm4b:s6+s2], $0x80, v7, vm0, $0xb8;
	[tilespmem:$0x18200] =	vst v63  }
0x358: {  	_ =	swait.ge [sflag:s12], $0x3000  }
0x359: {  	[sflag:s12] =	ssyncset.done $0x0  }
0x35a: {  	s15 =	simm.s32 $0x200;
	s30 =	rddreg [dreg:$0x1c];
	[sflag:s12] =	ssyncadd.s32 $0xFFFFD000  }
0x35b: {  	[hbm4b:s30+s2] =	stream.linear.scatter [tilespmem:s15], [sflag:$0x9], $0x3000, $0x38;
	[tilespmem:$0x18200] =	vst v63  }
0x35c: {  	_ =	swait.ge [sflag:s16], $0x3000  }
0x35d: {  	[sflag:s16] =	ssyncset.done $0x0  }
0x35e: {  	s14 =	simm.s32 $0x3200;
	s15 =	rddreg [dreg:$0x1d];
	[sflag:s16] =	ssyncadd.s32 $0xFFFFD000  }
0x35f: {  	[hbm4b:s15+s2] =	stream.linear.scatter [tilespmem:s14], [sflag:$0xA], $0x3000, $0x38;
	[tilespmem:$0x18200] =	vst v63  }
0x360: {  	_ =	swait.ge [sflag:s18], $0x3000  }
0x361: {  	[sflag:s18] =	ssyncset.done $0x0  }
0x362: {  	s28 =	simm.s32 $0x6200;
	s16 =	rddreg [dreg:$0x1e];
	[sflag:s18] =	ssyncadd.s32 $0xFFFFD000  }
0x363: {  	[hbm4b:s16+s2] =	stream.linear.scatter [tilespmem:s28], [sflag:$0xB], $0x3000, $0x38;
	[tilespmem:$0x18200] =	vst v63  }
0x364: {  	_ =	swait.ge [sflag:s20], $0x3000  }
0x365: {  	[sflag:s20] =	ssyncset.done $0x0  }
0x366: {  	s9 =	simm.s32 $0x9200;
	s18 =	rddreg [dreg:$0x1f];
	[sflag:s20] =	ssyncadd.s32 $0xFFFFD000  }
0x367: {  	[hbm4b:s18+s2] =	stream.linear.scatter [tilespmem:s9], [sflag:$0xC], $0x3000, $0x38;
	[tilespmem:$0x18200] =	vst v63  }
0x368: {  	_ =	swait.ge [sflag:s24], $0x3000  }
0x369: {  	s20 =	sld [smem:$0x7FA]  }
0x36a: {  	[sflag:s24] =	ssyncset.done $0x0  }
0x36b: {  	s3 =	simm.s32 $0xC200;
	[sflag:s24] =	ssyncadd.s32 $0xFFFFD000  }
0x36c: {  	[hbm4b:s20+s2] =	stream.linear.scatter [tilespmem:s3], [sflag:$0xD], $0x3000, $0x38;
	[tilespmem:$0x18200] =	vst v63  }
0x36d: {  	_ =	swait.ge [sflag:s26], $0x3000  }
0x36e: {  	s28 =	sld [smem:$0x7FB]  }
0x36f: {  	[sflag:s26] =	ssyncset.done $0x0  }
0x370: {  	s10 =	simm.s32 $0xF200;
	[sflag:s26] =	ssyncadd.s32 $0xFFFFD000  }
0x371: {  	[hbm4b:s28+s2] =	stream.linear.scatter [tilespmem:s10], [sflag:$0xE], $0x3000, $0x38;
	[tilespmem:$0x18200] =	vst v63  }
0x372: {  	_ =	swait.ge [sflag:s31], $0x3000  }
0x373: {  	s30 =	sld [smem:$0x7FC]  }
0x374: {  	[sflag:s31] =	ssyncset.done $0x0  }
0x375: {  	s21 =	simm.s32 $0x12200;
	[sflag:s31] =	ssyncadd.s32 $0xFFFFD000  }
0x376: {  	[hbm4b:s30+s2] =	stream.linear.scatter [tilespmem:s21], [sflag:$0xF], $0x3000, $0x38;
	[tilespmem:$0x18200] =	vst v63  }
0x377: {  	_ =	swait.ge [sflag:s0], $0x3000  }
0x378: {  	s31 =	sld [smem:$0x7FD]  }
0x379: {  	[sflag:s0] =	ssyncset.done $0x0  }
0x37a: {  	[sflag:s0] =	ssyncadd.s32 $0xFFFFD000  }
0x37b: {  	[hbm4b:s31+s2] =	stream.linear.scatter [tilespmem:s22], [sflag:$0x10], $0x3000, $0x38;
	[tilespmem:$0x18200] =	vst v63  }
0x37c: {  	_ =	swait.ge [sflag:s13], $0x3000  }
0x37d: {  	[sflag:s13] =	ssyncset.done $0x0  }
0x37e: {  	[sflag:s13] =	ssyncadd.s32 $0xFFFFD000  }
0x37f: {  	_ =	swait.ge [sflag:s17], $0x3000  }
0x380: {  	[sflag:s17] =	ssyncset.done $0x0  }
0x381: {  	[sflag:s17] =	ssyncadd.s32 $0xFFFFD000  }
0x382: {  	_ =	swait.ge [sflag:s19], $0x3000  }
0x383: {  	[sflag:s19] =	ssyncset.done $0x0  }
0x384: {  	[sflag:s19] =	ssyncadd.s32 $0xFFFFD000  }
0x385: {  	_ =	swait.ge [sflag:s23], $0x3000  }
0x386: {  	[sflag:s23] =	ssyncset.done $0x0  }
0x387: {  	[sflag:s23] =	ssyncadd.s32 $0xFFFFD000  }
0x388: {  	_ =	swait.ge [sflag:s25], $0x3000  }
0x389: {  	[sflag:s25] =	ssyncset.done $0x0  }
0x38a: {  	[sflag:s25] =	ssyncadd.s32 $0xFFFFD000  }
0x38b: {  	_ =	swait.ge [sflag:s29], $0x3000  }
0x38c: {  	[sflag:s29] =	ssyncset.done $0x0  }
0x38d: {  	[sflag:s29] =	ssyncadd.s32 $0xFFFFD000  }
0x38e: {  	p0 =	sne.s32 s11, $0x1;
	_ =	swait.ge [sflag:s1], $0x3000  }
.Ltmp0:
0x38f: {  	[sflag:s1] =	ssyncset.done $0x0;
	(pc) =	sbr.rel @p0 .LBB2_1-.Ltmp0, $4  }
0x390: {  	[sflag:s1] =	ssyncadd.s32 $0xFFFFD000  }
0x391: {  	_ =	swait.ge [sflag:s7], $0x3000  }
0x392: {  	[sflag:s7] =	ssyncset.done $0x0  }
0x393: {  	s11 =	sadd.s32 $0xFFFFFFFF, s11;
	[sflag:s7] =	ssyncadd.s32 $0xFFFFD000  }
0x394: {  	_ =	sfence.sel $0x180000  }
0x395: {  	[bflag:$0x0] =	sbarrier.arrive $0xFFFF  }
0x396: {  	_ =	strace $0x90000047  }
0x397: {  	s0 =	stileid.u32;
	[bflag:$0x2] =	sbarrier.arrive $0xFFFF  }
0x398: {  	p0 =	sne.s32 s0, $0x0;
	s0 =	rddreg [dreg:$0x3]  }
0x399: {  	s0 =	sadd.s32 @!p0 $0x100000, s0  }
0x39a: {  	[sflag:s0] =	ssyncadd.tile.s32 @!p0 $0x1;
	_ =	shalt  }
.Lfunc_end2:
_tile_overlayer_lowered:
.L_overlay_start_2:
0x39b: {  	(tag) =	ssettag $0x2  }
0x39c: {  	s0 =	rddreg [dreg:$0x0];
	s2 =	stileid.u32  }
0x39d: {  	s1 =	rddreg [dreg:$0x1];
	p0 =	sne.s32 s2, $0x0  }
0x39e: {  	s3 =	rddreg [dreg:$0x2];
	[bflag:$0x3] =	sbarrier.arrive $0xFFFF;
	s2 =	simm.s32 @!p0 $0x1C11  }
0x39f: {  	[timem:s3], [sflag:s2] =	dma.local @!p0 [hbm:s0], s1  }
0x3a0: {  	s0 =	simm.s32 @!p0 $0x11  }
0x3a1: {  	_ =	swait.ge @!p0 [sflag:s0], s1  }
0x3a2: {  	s1 =	ssub.s32 @!p0 $0x0, s1;
	[sflag:s0] =	ssyncset.done @!p0 $0x0  }
0x3a3: {  	[sflag:s0] =	ssyncadd.s32 @!p0 s1  }
0x3a4: {  	[bflag:$0x3] =	sbarrier.arrive $0xFFFF  }
0x3a5: {  	_ =	shalt  }

</sc_bundles>
